<compile_context>
chip_gen: v7x
topology: tpu7x:2x2x1
jax: 0.10.2.dev20260603
libtpu: 0.0.44.dev20260713+nightly
codegen_flags: <defaults>
</compile_context>

<pallas_src>
import dataclasses
import functools

import jax
import jax.numpy as jnp
from jax import lax
from jax.experimental import pallas as pl
from jax.experimental.pallas import tpu as pltpu
from jax.experimental.pallas import tpu_sc as plsc

N = 10000
E = 320000
D = 128
NC = 2
NS = 16
NW = NC * NS
LANES = 16
CH = 64
CHUNKS = 160
E_PAD = NW * CHUNKS * CH
N_PAD = 10240
ROWS_PER_TILE = N_PAD // NS
NG = 4
NM = 8


def _bcast16(v, e):
    idx = jnp.full((LANES, 1), e, dtype=jnp.int32)
    dn = lax.GatherDimensionNumbers(
        offset_dims=(), collapsed_slice_dims=(0,), start_index_map=(0,))
    return lax.gather(v, idx, dn, (1,),
                      mode=lax.GatherScatterMode.PROMISE_IN_BOUNDS)


def _sc_body(x_hbm, epack_hbm, zeros_hbm, out_hbm, acc_sh, *rest):
    c = lax.axis_index("c")
    s = lax.axis_index("s")
    wid = c * NS + s
    r0 = s * ROWS_PER_TILE
    m_bufs = rest[0:NM]
    g_bufs = rest[NM:NM + NG]
    msems = rest[NM + NG:2 * NM + NG]
    gsems = rest[2 * NM + NG:2 * NM + 3 * NG]
    ssems = rest[2 * NM + 3 * NG:2 * NM + 4 * NG]
    cbase = wid * CHUNKS
    H = CH // 2

    def start_meta(k, im):
        pltpu.async_copy(epack_hbm.at[:, cbase + k], m_bufs[im], msems[im])

    def wait_meta(k, im):
        pltpu.make_async_copy(epack_hbm.at[:, cbase + k], m_bufs[im],
                              msems[im]).wait()

    def start_gather(im, ig):
        m = m_bufs[im]
        g = g_bufs[ig]
        pltpu.async_copy(x_hbm.at[m.at[1, pl.ds(0, H)]], g.at[pl.ds(0, H)],
                         gsems[2 * ig])
        pltpu.async_copy(x_hbm.at[m.at[1, pl.ds(H, H)]], g.at[pl.ds(H, H)],
                         gsems[2 * ig + 1])

    def wait_gather(im, ig):
        m = m_bufs[im]
        g = g_bufs[ig]
        pltpu.make_async_copy(x_hbm.at[m.at[1, pl.ds(0, H)]],
                              g.at[pl.ds(0, H)], gsems[2 * ig]).wait()
        pltpu.make_async_copy(x_hbm.at[m.at[1, pl.ds(H, H)]],
                              g.at[pl.ds(H, H)], gsems[2 * ig + 1]).wait()

    def start_scatter(im, ig):
        pltpu.async_copy(g_bufs[ig], acc_sh.at[m_bufs[im].at[0]],
                         ssems[ig], add=True)

    def wait_scatter(im, ig):
        pltpu.make_async_copy(g_bufs[ig], acc_sh.at[m_bufs[im].at[0]],
                              ssems[ig]).wait()

    for i in range(NM):
        start_meta(i, i)

    pltpu.sync_copy(zeros_hbm.at[pl.ds(r0, ROWS_PER_TILE)],
                    acc_sh.at[pl.ds(r0, ROWS_PER_TILE)])
    plsc.subcore_barrier()

    for i in range(NG):
        wait_meta(i, i)
        start_gather(i, i)

    def _process(k, i):
        ig = i % NG
        g_v = g_bufs[ig]
        m_v = m_bufs[i]
        wait_gather(i, ig)

        @pl.loop(0, CH, step=LANES)
        def _scale(e0):
            vals16 = plsc.bitcast(m_v.at[2][pl.ds(e0, LANES)], jnp.float32)

            @pl.loop(0, LANES)
            def _edge(e):
                bc = _bcast16(vals16, e)
                r = e0 + e
                for f in range(D // LANES):
                    sl = pl.ds(f * LANES, LANES)
                    g_v[r, sl] = g_v[r, sl] * bc

        start_scatter(i, ig)

        ip = (i - 1) % NM
        igp = (i - 1) % NG

        @pl.when(jnp.logical_and(k >= 1, k + NG - 1 < CHUNKS))
        def _():
            wait_scatter(ip, igp)
            @pl.when(k - 1 + NM < CHUNKS)
            def _():
                start_meta(k - 1 + NM, ip)
            im_next = (i + NG - 1) % NM
            wait_meta(k + NG - 1, im_next)
            start_gather(im_next, igp)

    @pl.loop(0, CHUNKS, step=NM)
    def _chunk(j):
        for i in range(NM):
            _process(j + i, i)

    for k in range(CHUNKS - NG, CHUNKS):
        wait_scatter(k % NM, k % NG)
    plsc.subcore_barrier()
    pltpu.sync_copy(acc_sh.at[pl.ds(r0, ROWS_PER_TILE)],
                    out_hbm.at[pl.ds(c * N_PAD + r0, ROWS_PER_TILE)])


def _sc_aggregate(x, epack, zeros):
    mesh = plsc.VectorSubcoreMesh(core_axis_name="c", subcore_axis_name="s")
    cp = pltpu.CompilerParams()
    if "needs_layout_passes" in pltpu.CompilerParams.__dataclass_fields__:
        cp = dataclasses.replace(cp, needs_layout_passes=False)
    scratch = [pltpu.VMEM_SHARED((N_PAD, D), jnp.float32)]
    scratch += [pltpu.VMEM((3, CH), jnp.int32) for _ in range(NM)]
    scratch += [pltpu.VMEM((CH, D), jnp.float32) for _ in range(NG)]
    scratch += [pltpu.SemaphoreType.DMA for _ in range(NM + 3 * NG)]
    kern = pl.kernel(
        _sc_body,
        out_type=jax.ShapeDtypeStruct((NC * N_PAD, D), jnp.float32),
        mesh=mesh,
        scratch_types=scratch,
        compiler_params=cp,
    )
    return kern(x, epack, zeros)


def _tc_combine(partials, W):
    p3 = partials.reshape(NC, N_PAD, D)
    BR = 2000

    def body(p_ref, w_ref, o_ref):
        ssum = p_ref[0] + p_ref[1]
        y = jnp.dot(ssum, w_ref[...], preferred_element_type=jnp.float32,
                    precision=lax.Precision.HIGHEST)
        o_ref[...] = jnp.maximum(y, 0.0)

    return pl.pallas_call(
        body,
        grid=(N // BR,),
        in_specs=[pl.BlockSpec((NC, BR, D), lambda i: (0, i, 0)),
                  pl.BlockSpec((D, D), lambda i: (0, 0))],
        out_specs=pl.BlockSpec((BR, D), lambda i: (i, 0)),
        out_shape=jax.ShapeDtypeStruct((N, D), jnp.float32),
    )(p3, W)


def kernel(x, sup_indices, sup_values, W):
    rows = sup_indices[0].astype(jnp.int32)
    cols = sup_indices[1].astype(jnp.int32)
    vals = sup_values.astype(jnp.float32)
    pad = E_PAD - E
    spread = jnp.arange(pad, dtype=jnp.int32) % N
    rows = jnp.concatenate([rows, spread])
    cols = jnp.concatenate([cols, spread])
    vals = jnp.concatenate([vals, jnp.zeros((pad,), jnp.float32)])
    vbits = lax.bitcast_convert_type(vals, jnp.int32)
    epack = jnp.stack([rows, cols, vbits], axis=0)
    epack = epack.reshape(3, E_PAD // CH, CH)
    zeros = jnp.zeros((N_PAD, D), jnp.float32)
    partials = _sc_aggregate(x, epack, zeros)
    return _tc_combine(partials, W)

# --- scband reference (transcript-rebuilt; emitter-appended) ---
"""Pipeline reference for scband-graph-conv-43018392437371 (READ-ONLY COPY).

The authoritative reference and input builder live on the scoring server;
editing this copy changes nothing except your own understanding.
"""

import jax, jax.numpy as jnp
import numpy as np

N = 10000
E = 320000
D_IN = 128
D_OUT = 128


def setup_inputs(seed: int = 0) -> dict:
    key = jax.random.key(seed)
    k1, k2, k3, k4, k5 = jax.random.split(key, 5)
    x = jax.random.normal(k1, (N, D_IN), dtype=jnp.float32)
    # sup is a sparse [N, N] normalized-adjacency matrix in COO form:
    # row 0 = destination (row) index, row 1 = source (col) index
    dst = jax.random.randint(k2, (E,), 0, N)
    src = jax.random.randint(k3, (E,), 0, N)
    sup_indices = jnp.stack([dst, src]).astype(jnp.int64)
    sup_values = jax.random.uniform(k4, (E,), dtype=jnp.float32)
    # learned parameter per init_kwargs: weight [input_dim, output_dim]
    W = jax.random.normal(k5, (D_IN, D_OUT), dtype=jnp.float32)
    return {"x": x, "sup_indices": sup_indices, "sup_values": sup_values, "W": W}


def reference(x, sup_indices, sup_values, W):
    # eval mode: dropout inactive; featureless=False, is_sparse(x)=False, bias=False
    # x = torch.mm(x, self.weight)
    xw = jnp.dot(x, W)
    # out = torch.sparse.mm(sup, x): SpMM via gather along cols + scatter-add along rows
    row = sup_indices[0]
    col = sup_indices[1]
    gathered = jnp.take(xw, col, axis=0) * sup_values[:, None]
    out = jax.ops.segment_sum(gathered, row, num_segments=N)
    # out = F.relu(out); module returns (out, sup) -- sup is an unmodified passthrough
    out = jax.nn.relu(out)
    return out

if __name__ == "__main__":
    import jax
    _d = setup_inputs()
    print(jax.jit(kernel)(*tuple(_d.values())))

</pallas_src>

<mosaic_0001>
#map = affine_map<(d0, d1) -> (0, 0)>
#map1 = affine_map<(d0, d1) -> (0, 0, 0)>
module attributes {stable_mosaic.version = 14 : i64} {
  func.func @_sc_body(%arg0: i32, %arg1: i32, %arg2: memref<10000x128xf32, #tpu.memory_space<hbm>>, %arg3: memref<3x5120x64xi32, #tpu.memory_space<hbm>>, %arg4: memref<10240x128xf32, #tpu.memory_space<hbm>>, %arg5: memref<20480x128xf32, #tpu.memory_space<hbm>>, %arg6: memref<10240x128xf32, #tpu.memory_space<vmem_shared>>, %arg7: memref<3x64xi32, #tpu.memory_space<vmem>>, %arg8: memref<3x64xi32, #tpu.memory_space<vmem>>, %arg9: memref<3x64xi32, #tpu.memory_space<vmem>>, %arg10: memref<3x64xi32, #tpu.memory_space<vmem>>, %arg11: memref<3x64xi32, #tpu.memory_space<vmem>>, %arg12: memref<3x64xi32, #tpu.memory_space<vmem>>, %arg13: memref<3x64xi32, #tpu.memory_space<vmem>>, %arg14: memref<3x64xi32, #tpu.memory_space<vmem>>, %arg15: memref<64x128xf32, #tpu.memory_space<vmem>>, %arg16: memref<64x128xf32, #tpu.memory_space<vmem>>, %arg17: memref<64x128xf32, #tpu.memory_space<vmem>>, %arg18: memref<64x128xf32, #tpu.memory_space<vmem>>, %arg19: memref<!tpu.dma_semaphore, #tpu.memory_space<semaphore_mem>>, %arg20: memref<!tpu.dma_semaphore, #tpu.memory_space<semaphore_mem>>, %arg21: memref<!tpu.dma_semaphore, #tpu.memory_space<semaphore_mem>>, %arg22: memref<!tpu.dma_semaphore, #tpu.memory_space<semaphore_mem>>, %arg23: memref<!tpu.dma_semaphore, #tpu.memory_space<semaphore_mem>>, %arg24: memref<!tpu.dma_semaphore, #tpu.memory_space<semaphore_mem>>, %arg25: memref<!tpu.dma_semaphore, #tpu.memory_space<semaphore_mem>>, %arg26: memref<!tpu.dma_semaphore, #tpu.memory_space<semaphore_mem>>, %arg27: memref<!tpu.dma_semaphore, #tpu.memory_space<semaphore_mem>>, %arg28: memref<!tpu.dma_semaphore, #tpu.memory_space<semaphore_mem>>, %arg29: memref<!tpu.dma_semaphore, #tpu.memory_space<semaphore_mem>>, %arg30: memref<!tpu.dma_semaphore, #tpu.memory_space<semaphore_mem>>, %arg31: memref<!tpu.dma_semaphore, #tpu.memory_space<semaphore_mem>>, %arg32: memref<!tpu.dma_semaphore, #tpu.memory_space<semaphore_mem>>, %arg33: memref<!tpu.dma_semaphore, #tpu.memory_space<semaphore_mem>>, %arg34: memref<!tpu.dma_semaphore, #tpu.memory_space<semaphore_mem>>, %arg35: memref<!tpu.dma_semaphore, #tpu.memory_space<semaphore_mem>>, %arg36: memref<!tpu.dma_semaphore, #tpu.memory_space<semaphore_mem>>, %arg37: memref<!tpu.dma_semaphore, #tpu.memory_space<semaphore_mem>>, %arg38: memref<!tpu.dma_semaphore, #tpu.memory_space<semaphore_mem>>) attributes {dimension_semantics = [#tpu.dimension_semantics<core_parallel>, #tpu.dimension_semantics<subcore_parallel>], iteration_bounds = array<i64: 2, 16>, scalar_prefetch = 0 : i64, scratch_operands = 33 : i64, tpu.core_type = #tpu.core_type<sc_vector_subcore>, window_params = [{transform_indices = #map}, {transform_indices = #map1}, {transform_indices = #map}, {transform_indices = #map}]} {
    %mul3A = arith.constant 16 : i32
    %mul3A_0 = arith.muli %arg0, %mul3A : i32
    %add3A = arith.addi %mul3A_0, %arg1 : i32
    %mul3A_1 = arith.constant 640 : i32
    %mul3A_2 = arith.muli %arg1, %mul3A_1 : i32
    %mul3A_3 = arith.constant 160 : i32
    %mul3A_4 = arith.muli %add3A, %mul3A_3 : i32
    %add3A_5 = arith.constant 0 : i32
    %add3A_6 = arith.addi %mul3A_4, %add3A_5 : i32
    %dma_start3A = arith.constant 0 : i32
    %dma_start3A_7 = arith.constant 0 : i32
    %dma_start3A_8 = tpu.memref_slice %arg3[%dma_start3A, %add3A_6, %dma_start3A_7] : memref<3x5120x64xi32, #tpu.memory_space<hbm>> -> memref<3x1x64xi32, #tpu.memory_space<hbm>>
    %dma_start3A_9 = tpu.memref_squeeze %dma_start3A_8 : memref<3x1x64xi32, #tpu.memory_space<hbm>> -> memref<3x64xi32, #tpu.memory_space<hbm>>
    %dma_start3A_10 = arith.constant 0 : i32
    %dma_start3A_11 = arith.constant 0 : i32
    %dma_start3A_12 = tpu.memref_slice %arg3[%dma_start3A_10, %add3A_6, %dma_start3A_11] : memref<3x5120x64xi32, #tpu.memory_space<hbm>> -> memref<3x1x64xi32, #tpu.memory_space<hbm>>
    %dma_start3A_13 = tpu.memref_squeeze %dma_start3A_12 : memref<3x1x64xi32, #tpu.memory_space<hbm>> -> memref<3x64xi32, #tpu.memory_space<hbm>>
    tpu.enqueue_dma source(%dma_start3A_13 : memref<3x64xi32, #tpu.memory_space<hbm>>) target(%arg7 : memref<3x64xi32, #tpu.memory_space<vmem>>) target_semaphore(%arg19 : memref<!tpu.dma_semaphore, #tpu.memory_space<semaphore_mem>>)
    %add3A_14 = arith.constant 1 : i32
    %add3A_15 = arith.addi %mul3A_4, %add3A_14 : i32
    %dma_start3A_16 = arith.constant 0 : i32
    %dma_start3A_17 = arith.constant 0 : i32
    %dma_start3A_18 = tpu.memref_slice %arg3[%dma_start3A_16, %add3A_15, %dma_start3A_17] : memref<3x5120x64xi32, #tpu.memory_space<hbm>> -> memref<3x1x64xi32, #tpu.memory_space<hbm>>
    %dma_start3A_19 = tpu.memref_squeeze %dma_start3A_18 : memref<3x1x64xi32, #tpu.memory_space<hbm>> -> memref<3x64xi32, #tpu.memory_space<hbm>>
    %dma_start3A_20 = arith.constant 0 : i32
    %dma_start3A_21 = arith.constant 0 : i32
    %dma_start3A_22 = tpu.memref_slice %arg3[%dma_start3A_20, %add3A_15, %dma_start3A_21] : memref<3x5120x64xi32, #tpu.memory_space<hbm>> -> memref<3x1x64xi32, #tpu.memory_space<hbm>>
    %dma_start3A_23 = tpu.memref_squeeze %dma_start3A_22 : memref<3x1x64xi32, #tpu.memory_space<hbm>> -> memref<3x64xi32, #tpu.memory_space<hbm>>
    tpu.enqueue_dma source(%dma_start3A_23 : memref<3x64xi32, #tpu.memory_space<hbm>>) target(%arg8 : memref<3x64xi32, #tpu.memory_space<vmem>>) target_semaphore(%arg20 : memref<!tpu.dma_semaphore, #tpu.memory_space<semaphore_mem>>)
    %add3A_24 = arith.constant 2 : i32
    %add3A_25 = arith.addi %mul3A_4, %add3A_24 : i32
    %dma_start3A_26 = arith.constant 0 : i32
    %dma_start3A_27 = arith.constant 0 : i32
    %dma_start3A_28 = tpu.memref_slice %arg3[%dma_start3A_26, %add3A_25, %dma_start3A_27] : memref<3x5120x64xi32, #tpu.memory_space<hbm>> -> memref<3x1x64xi32, #tpu.memory_space<hbm>>
    %dma_start3A_29 = tpu.memref_squeeze %dma_start3A_28 : memref<3x1x64xi32, #tpu.memory_space<hbm>> -> memref<3x64xi32, #tpu.memory_space<hbm>>
    %dma_start3A_30 = arith.constant 0 : i32
    %dma_start3A_31 = arith.constant 0 : i32
    %dma_start3A_32 = tpu.memref_slice %arg3[%dma_start3A_30, %add3A_25, %dma_start3A_31] : memref<3x5120x64xi32, #tpu.memory_space<hbm>> -> memref<3x1x64xi32, #tpu.memory_space<hbm>>
    %dma_start3A_33 = tpu.memref_squeeze %dma_start3A_32 : memref<3x1x64xi32, #tpu.memory_space<hbm>> -> memref<3x64xi32, #tpu.memory_space<hbm>>
    tpu.enqueue_dma source(%dma_start3A_33 : memref<3x64xi32, #tpu.memory_space<hbm>>) target(%arg9 : memref<3x64xi32, #tpu.memory_space<vmem>>) target_semaphore(%arg21 : memref<!tpu.dma_semaphore, #tpu.memory_space<semaphore_mem>>)
    %add3A_34 = arith.constant 3 : i32
    %add3A_35 = arith.addi %mul3A_4, %add3A_34 : i32
    %dma_start3A_36 = arith.constant 0 : i32
    %dma_start3A_37 = arith.constant 0 : i32
    %dma_start3A_38 = tpu.memref_slice %arg3[%dma_start3A_36, %add3A_35, %dma_start3A_37] : memref<3x5120x64xi32, #tpu.memory_space<hbm>> -> memref<3x1x64xi32, #tpu.memory_space<hbm>>
    %dma_start3A_39 = tpu.memref_squeeze %dma_start3A_38 : memref<3x1x64xi32, #tpu.memory_space<hbm>> -> memref<3x64xi32, #tpu.memory_space<hbm>>
    %dma_start3A_40 = arith.constant 0 : i32
    %dma_start3A_41 = arith.constant 0 : i32
    %dma_start3A_42 = tpu.memref_slice %arg3[%dma_start3A_40, %add3A_35, %dma_start3A_41] : memref<3x5120x64xi32, #tpu.memory_space<hbm>> -> memref<3x1x64xi32, #tpu.memory_space<hbm>>
    %dma_start3A_43 = tpu.memref_squeeze %dma_start3A_42 : memref<3x1x64xi32, #tpu.memory_space<hbm>> -> memref<3x64xi32, #tpu.memory_space<hbm>>
    tpu.enqueue_dma source(%dma_start3A_43 : memref<3x64xi32, #tpu.memory_space<hbm>>) target(%arg10 : memref<3x64xi32, #tpu.memory_space<vmem>>) target_semaphore(%arg22 : memref<!tpu.dma_semaphore, #tpu.memory_space<semaphore_mem>>)
    %add3A_44 = arith.constant 4 : i32
    %add3A_45 = arith.addi %mul3A_4, %add3A_44 : i32
    %dma_start3A_46 = arith.constant 0 : i32
    %dma_start3A_47 = arith.constant 0 : i32
    %dma_start3A_48 = tpu.memref_slice %arg3[%dma_start3A_46, %add3A_45, %dma_start3A_47] : memref<3x5120x64xi32, #tpu.memory_space<hbm>> -> memref<3x1x64xi32, #tpu.memory_space<hbm>>
    %dma_start3A_49 = tpu.memref_squeeze %dma_start3A_48 : memref<3x1x64xi32, #tpu.memory_space<hbm>> -> memref<3x64xi32, #tpu.memory_space<hbm>>
    %dma_start3A_50 = arith.constant 0 : i32
    %dma_start3A_51 = arith.constant 0 : i32
    %dma_start3A_52 = tpu.memref_slice %arg3[%dma_start3A_50, %add3A_45, %dma_start3A_51] : memref<3x5120x64xi32, #tpu.memory_space<hbm>> -> memref<3x1x64xi32, #tpu.memory_space<hbm>>
    %dma_start3A_53 = tpu.memref_squeeze %dma_start3A_52 : memref<3x1x64xi32, #tpu.memory_space<hbm>> -> memref<3x64xi32, #tpu.memory_space<hbm>>
    tpu.enqueue_dma source(%dma_start3A_53 : memref<3x64xi32, #tpu.memory_space<hbm>>) target(%arg11 : memref<3x64xi32, #tpu.memory_space<vmem>>) target_semaphore(%arg23 : memref<!tpu.dma_semaphore, #tpu.memory_space<semaphore_mem>>)
    %add3A_54 = arith.constant 5 : i32
    %add3A_55 = arith.addi %mul3A_4, %add3A_54 : i32
    %dma_start3A_56 = arith.constant 0 : i32
    %dma_start3A_57 = arith.constant 0 : i32
    %dma_start3A_58 = tpu.memref_slice %arg3[%dma_start3A_56, %add3A_55, %dma_start3A_57] : memref<3x5120x64xi32, #tpu.memory_space<hbm>> -> memref<3x1x64xi32, #tpu.memory_space<hbm>>
    %dma_start3A_59 = tpu.memref_squeeze %dma_start3A_58 : memref<3x1x64xi32, #tpu.memory_space<hbm>> -> memref<3x64xi32, #tpu.memory_space<hbm>>
    %dma_start3A_60 = arith.constant 0 : i32
    %dma_start3A_61 = arith.constant 0 : i32
    %dma_start3A_62 = tpu.memref_slice %arg3[%dma_start3A_60, %add3A_55, %dma_start3A_61] : memref<3x5120x64xi32, #tpu.memory_space<hbm>> -> memref<3x1x64xi32, #tpu.memory_space<hbm>>
    %dma_start3A_63 = tpu.memref_squeeze %dma_start3A_62 : memref<3x1x64xi32, #tpu.memory_space<hbm>> -> memref<3x64xi32, #tpu.memory_space<hbm>>
    tpu.enqueue_dma source(%dma_start3A_63 : memref<3x64xi32, #tpu.memory_space<hbm>>) target(%arg12 : memref<3x64xi32, #tpu.memory_space<vmem>>) target_semaphore(%arg24 : memref<!tpu.dma_semaphore, #tpu.memory_space<semaphore_mem>>)
    %add3A_64 = arith.constant 6 : i32
    %add3A_65 = arith.addi %mul3A_4, %add3A_64 : i32
    %dma_start3A_66 = arith.constant 0 : i32
    %dma_start3A_67 = arith.constant 0 : i32
    %dma_start3A_68 = tpu.memref_slice %arg3[%dma_start3A_66, %add3A_65, %dma_start3A_67] : memref<3x5120x64xi32, #tpu.memory_space<hbm>> -> memref<3x1x64xi32, #tpu.memory_space<hbm>>
    %dma_start3A_69 = tpu.memref_squeeze %dma_start3A_68 : memref<3x1x64xi32, #tpu.memory_space<hbm>> -> memref<3x64xi32, #tpu.memory_space<hbm>>
    %dma_start3A_70 = arith.constant 0 : i32
    %dma_start3A_71 = arith.constant 0 : i32
    %dma_start3A_72 = tpu.memref_slice %arg3[%dma_start3A_70, %add3A_65, %dma_start3A_71] : memref<3x5120x64xi32, #tpu.memory_space<hbm>> -> memref<3x1x64xi32, #tpu.memory_space<hbm>>
    %dma_start3A_73 = tpu.memref_squeeze %dma_start3A_72 : memref<3x1x64xi32, #tpu.memory_space<hbm>> -> memref<3x64xi32, #tpu.memory_space<hbm>>
    tpu.enqueue_dma source(%dma_start3A_73 : memref<3x64xi32, #tpu.memory_space<hbm>>) target(%arg13 : memref<3x64xi32, #tpu.memory_space<vmem>>) target_semaphore(%arg25 : memref<!tpu.dma_semaphore, #tpu.memory_space<semaphore_mem>>)
    %add3A_74 = arith.constant 7 : i32
    %add3A_75 = arith.addi %mul3A_4, %add3A_74 : i32
    %dma_start3A_76 = arith.constant 0 : i32
    %dma_start3A_77 = arith.constant 0 : i32
    %dma_start3A_78 = tpu.memref_slice %arg3[%dma_start3A_76, %add3A_75, %dma_start3A_77] : memref<3x5120x64xi32, #tpu.memory_space<hbm>> -> memref<3x1x64xi32, #tpu.memory_space<hbm>>
    %dma_start3A_79 = tpu.memref_squeeze %dma_start3A_78 : memref<3x1x64xi32, #tpu.memory_space<hbm>> -> memref<3x64xi32, #tpu.memory_space<hbm>>
    %dma_start3A_80 = arith.constant 0 : i32
    %dma_start3A_81 = arith.constant 0 : i32
    %dma_start3A_82 = tpu.memref_slice %arg3[%dma_start3A_80, %add3A_75, %dma_start3A_81] : memref<3x5120x64xi32, #tpu.memory_space<hbm>> -> memref<3x1x64xi32, #tpu.memory_space<hbm>>
    %dma_start3A_83 = tpu.memref_squeeze %dma_start3A_82 : memref<3x1x64xi32, #tpu.memory_space<hbm>> -> memref<3x64xi32, #tpu.memory_space<hbm>>
    tpu.enqueue_dma source(%dma_start3A_83 : memref<3x64xi32, #tpu.memory_space<hbm>>) target(%arg14 : memref<3x64xi32, #tpu.memory_space<vmem>>) target_semaphore(%arg26 : memref<!tpu.dma_semaphore, #tpu.memory_space<semaphore_mem>>)
    "tpu.region"() ({
      %run_scoped3A = tpu.sem_alloc : memref<!tpu.dma_semaphore, #tpu.memory_space<semaphore_mem>>
      %dma_start3A_239 = arith.constant 0 : i32
      %dma_start3A_240 = tpu.memref_slice %arg6[%mul3A_2, %dma_start3A_239] : memref<10240x128xf32, #tpu.memory_space<vmem_shared>> -> memref<640x128xf32, #tpu.memory_space<vmem_shared>>
      %dma_start3A_241 = arith.constant 0 : i32
      %dma_start3A_242 = tpu.memref_slice %arg4[%mul3A_2, %dma_start3A_241] : memref<10240x128xf32, #tpu.memory_space<hbm>> -> memref<640x128xf32, #tpu.memory_space<hbm>>
      tpu.enqueue_dma source(%dma_start3A_242 : memref<640x128xf32, #tpu.memory_space<hbm>>) target(%dma_start3A_240 : memref<640x128xf32, #tpu.memory_space<vmem_shared>>) target_semaphore(%run_scoped3A : memref<!tpu.dma_semaphore, #tpu.memory_space<semaphore_mem>>)
      %dma_wait3A_243 = arith.constant 0 : i32
      %dma_wait3A_244 = tpu.memref_slice %arg6[%mul3A_2, %dma_wait3A_243] : memref<10240x128xf32, #tpu.memory_space<vmem_shared>> -> memref<640x128xf32, #tpu.memory_space<vmem_shared>>
      %dma_wait3A_245 = arith.constant 0 : i32
      %dma_wait3A_246 = tpu.memref_slice %arg4[%mul3A_2, %dma_wait3A_245] : memref<10240x128xf32, #tpu.memory_space<hbm>> -> memref<640x128xf32, #tpu.memory_space<hbm>>
      tpu.wait_dma2 semaphore(%run_scoped3A : memref<!tpu.dma_semaphore, #tpu.memory_space<semaphore_mem>>) src(%dma_wait3A_246 : memref<640x128xf32, #tpu.memory_space<hbm>>) dst(%dma_wait3A_244 : memref<640x128xf32, #tpu.memory_space<vmem_shared>>)
      tpu.yield
    }) : () -> ()
    %barrier3A = arith.constant 0 : index
    tpu.barrier barrier_id(%barrier3A)
    %add3A_84 = arith.constant 0 : i32
    %add3A_85 = arith.addi %mul3A_4, %add3A_84 : i32
    %dma_wait3A = arith.constant 0 : i32
    %dma_wait3A_86 = arith.constant 0 : i32
    %dma_wait3A_87 = tpu.memref_slice %arg3[%dma_wait3A, %add3A_85, %dma_wait3A_86] : memref<3x5120x64xi32, #tpu.memory_space<hbm>> -> memref<3x1x64xi32, #tpu.memory_space<hbm>>
    %dma_wait3A_88 = tpu.memref_squeeze %dma_wait3A_87 : memref<3x1x64xi32, #tpu.memory_space<hbm>> -> memref<3x64xi32, #tpu.memory_space<hbm>>
    %dma_wait3A_89 = arith.constant 0 : i32
    %dma_wait3A_90 = arith.constant 0 : i32
    %dma_wait3A_91 = tpu.memref_slice %arg3[%dma_wait3A_89, %add3A_85, %dma_wait3A_90] : memref<3x5120x64xi32, #tpu.memory_space<hbm>> -> memref<3x1x64xi32, #tpu.memory_space<hbm>>
    %dma_wait3A_92 = tpu.memref_squeeze %dma_wait3A_91 : memref<3x1x64xi32, #tpu.memory_space<hbm>> -> memref<3x64xi32, #tpu.memory_space<hbm>>
    tpu.wait_dma2 semaphore(%arg19 : memref<!tpu.dma_semaphore, #tpu.memory_space<semaphore_mem>>) src(%dma_wait3A_92 : memref<3x64xi32, #tpu.memory_space<hbm>>) dst(%arg7 : memref<3x64xi32, #tpu.memory_space<vmem>>)
    %dma_start3A_93 = arith.constant 1 : i32
    %dma_start3A_94 = arith.constant 0 : i32
    %dma_start3A_95 = arith.constant 0 : i32
    %dma_start3A_96 = tpu.memref_slice %arg15[%dma_start3A_94, %dma_start3A_95] : memref<64x128xf32, #tpu.memory_space<vmem>> -> memref<32x128xf32, #tpu.memory_space<vmem>>
    %dma_start3A_97 = arith.constant 0 : i32
    %dma_start3A_98 = tpu.memref_slice %arg7[%dma_start3A_93, %dma_start3A_97] : memref<3x64xi32, #tpu.memory_space<vmem>> -> memref<1x32xi32, #tpu.memory_space<vmem>>
    %dma_start3A_99 = tpu.memref_squeeze %dma_start3A_98 : memref<1x32xi32, #tpu.memory_space<vmem>> -> memref<32xi32, #tpu.memory_space<vmem>>
    %dma_start3A_100 = arith.constant 0 : i32
    %dma_start3A_101 = arith.constant 0 : i32
    %dma_start3A_102 = tpu.memref_slice %arg2[%dma_start3A_100, %dma_start3A_101] : memref<10000x128xf32, #tpu.memory_space<hbm>> -> memref<10000x128xf32, #tpu.memory_space<hbm>>
    tpu.enqueue_indirect_dma source(%dma_start3A_102 : memref<10000x128xf32, #tpu.memory_space<hbm>>) target(%dma_start3A_96 : memref<32x128xf32, #tpu.memory_space<vmem>>) offsets(%dma_start3A_99 : memref<32xi32, #tpu.memory_space<vmem>>) semaphore(%arg27 : memref<!tpu.dma_semaphore, #tpu.memory_space<semaphore_mem>>)
    %dma_start3A_103 = arith.constant 1 : i32
    %dma_start3A_104 = arith.constant 32 : i32
    %dma_start3A_105 = arith.constant 0 : i32
    %dma_start3A_106 = tpu.memref_slice %arg15[%dma_start3A_104, %dma_start3A_105] : memref<64x128xf32, #tpu.memory_space<vmem>> -> memref<32x128xf32, #tpu.memory_space<vmem>>
    %dma_start3A_107 = arith.constant 32 : i32
    %dma_start3A_108 = tpu.memref_slice %arg7[%dma_start3A_103, %dma_start3A_107] : memref<3x64xi32, #tpu.memory_space<vmem>> -> memref<1x32xi32, #tpu.memory_space<vmem>>
    %dma_start3A_109 = tpu.memref_squeeze %dma_start3A_108 : memref<1x32xi32, #tpu.memory_space<vmem>> -> memref<32xi32, #tpu.memory_space<vmem>>
    %dma_start3A_110 = arith.constant 0 : i32
    %dma_start3A_111 = arith.constant 0 : i32
    %dma_start3A_112 = tpu.memref_slice %arg2[%dma_start3A_110, %dma_start3A_111] : memref<10000x128xf32, #tpu.memory_space<hbm>> -> memref<10000x128xf32, #tpu.memory_space<hbm>>
    tpu.enqueue_indirect_dma source(%dma_start3A_112 : memref<10000x128xf32, #tpu.memory_space<hbm>>) target(%dma_start3A_106 : memref<32x128xf32, #tpu.memory_space<vmem>>) offsets(%dma_start3A_109 : memref<32xi32, #tpu.memory_space<vmem>>) semaphore(%arg28 : memref<!tpu.dma_semaphore, #tpu.memory_space<semaphore_mem>>)
    %add3A_113 = arith.constant 1 : i32
    %add3A_114 = arith.addi %mul3A_4, %add3A_113 : i32
    %dma_wait3A_115 = arith.constant 0 : i32
    %dma_wait3A_116 = arith.constant 0 : i32
    %dma_wait3A_117 = tpu.memref_slice %arg3[%dma_wait3A_115, %add3A_114, %dma_wait3A_116] : memref<3x5120x64xi32, #tpu.memory_space<hbm>> -> memref<3x1x64xi32, #tpu.memory_space<hbm>>
    %dma_wait3A_118 = tpu.memref_squeeze %dma_wait3A_117 : memref<3x1x64xi32, #tpu.memory_space<hbm>> -> memref<3x64xi32, #tpu.memory_space<hbm>>
    %dma_wait3A_119 = arith.constant 0 : i32
    %dma_wait3A_120 = arith.constant 0 : i32
    %dma_wait3A_121 = tpu.memref_slice %arg3[%dma_wait3A_119, %add3A_114, %dma_wait3A_120] : memref<3x5120x64xi32, #tpu.memory_space<hbm>> -> memref<3x1x64xi32, #tpu.memory_space<hbm>>
    %dma_wait3A_122 = tpu.memref_squeeze %dma_wait3A_121 : memref<3x1x64xi32, #tpu.memory_space<hbm>> -> memref<3x64xi32, #tpu.memory_space<hbm>>
    tpu.wait_dma2 semaphore(%arg20 : memref<!tpu.dma_semaphore, #tpu.memory_space<semaphore_mem>>) src(%dma_wait3A_122 : memref<3x64xi32, #tpu.memory_space<hbm>>) dst(%arg8 : memref<3x64xi32, #tpu.memory_space<vmem>>)
    %dma_start3A_123 = arith.constant 1 : i32
    %dma_start3A_124 = arith.constant 0 : i32
    %dma_start3A_125 = arith.constant 0 : i32
    %dma_start3A_126 = tpu.memref_slice %arg16[%dma_start3A_124, %dma_start3A_125] : memref<64x128xf32, #tpu.memory_space<vmem>> -> memref<32x128xf32, #tpu.memory_space<vmem>>
    %dma_start3A_127 = arith.constant 0 : i32
    %dma_start3A_128 = tpu.memref_slice %arg8[%dma_start3A_123, %dma_start3A_127] : memref<3x64xi32, #tpu.memory_space<vmem>> -> memref<1x32xi32, #tpu.memory_space<vmem>>
    %dma_start3A_129 = tpu.memref_squeeze %dma_start3A_128 : memref<1x32xi32, #tpu.memory_space<vmem>> -> memref<32xi32, #tpu.memory_space<vmem>>
    %dma_start3A_130 = arith.constant 0 : i32
    %dma_start3A_131 = arith.constant 0 : i32
    %dma_start3A_132 = tpu.memref_slice %arg2[%dma_start3A_130, %dma_start3A_131] : memref<10000x128xf32, #tpu.memory_space<hbm>> -> memref<10000x128xf32, #tpu.memory_space<hbm>>
    tpu.enqueue_indirect_dma source(%dma_start3A_132 : memref<10000x128xf32, #tpu.memory_space<hbm>>) target(%dma_start3A_126 : memref<32x128xf32, #tpu.memory_space<vmem>>) offsets(%dma_start3A_129 : memref<32xi32, #tpu.memory_space<vmem>>) semaphore(%arg29 : memref<!tpu.dma_semaphore, #tpu.memory_space<semaphore_mem>>)
    %dma_start3A_133 = arith.constant 1 : i32
    %dma_start3A_134 = arith.constant 32 : i32
    %dma_start3A_135 = arith.constant 0 : i32
    %dma_start3A_136 = tpu.memref_slice %arg16[%dma_start3A_134, %dma_start3A_135] : memref<64x128xf32, #tpu.memory_space<vmem>> -> memref<32x128xf32, #tpu.memory_space<vmem>>
    %dma_start3A_137 = arith.constant 32 : i32
    %dma_start3A_138 = tpu.memref_slice %arg8[%dma_start3A_133, %dma_start3A_137] : memref<3x64xi32, #tpu.memory_space<vmem>> -> memref<1x32xi32, #tpu.memory_space<vmem>>
    %dma_start3A_139 = tpu.memref_squeeze %dma_start3A_138 : memref<1x32xi32, #tpu.memory_space<vmem>> -> memref<32xi32, #tpu.memory_space<vmem>>
    %dma_start3A_140 = arith.constant 0 : i32
    %dma_start3A_141 = arith.constant 0 : i32
    %dma_start3A_142 = tpu.memref_slice %arg2[%dma_start3A_140, %dma_start3A_141] : memref<10000x128xf32, #tpu.memory_space<hbm>> -> memref<10000x128xf32, #tpu.memory_space<hbm>>
    tpu.enqueue_indirect_dma source(%dma_start3A_142 : memref<10000x128xf32, #tpu.memory_space<hbm>>) target(%dma_start3A_136 : memref<32x128xf32, #tpu.memory_space<vmem>>) offsets(%dma_start3A_139 : memref<32xi32, #tpu.memory_space<vmem>>) semaphore(%arg30 : memref<!tpu.dma_semaphore, #tpu.memory_space<semaphore_mem>>)
    %add3A_143 = arith.constant 2 : i32
    %add3A_144 = arith.addi %mul3A_4, %add3A_143 : i32
    %dma_wait3A_145 = arith.constant 0 : i32
    %dma_wait3A_146 = arith.constant 0 : i32
    %dma_wait3A_147 = tpu.memref_slice %arg3[%dma_wait3A_145, %add3A_144, %dma_wait3A_146] : memref<3x5120x64xi32, #tpu.memory_space<hbm>> -> memref<3x1x64xi32, #tpu.memory_space<hbm>>
    %dma_wait3A_148 = tpu.memref_squeeze %dma_wait3A_147 : memref<3x1x64xi32, #tpu.memory_space<hbm>> -> memref<3x64xi32, #tpu.memory_space<hbm>>
    %dma_wait3A_149 = arith.constant 0 : i32
    %dma_wait3A_150 = arith.constant 0 : i32
    %dma_wait3A_151 = tpu.memref_slice %arg3[%dma_wait3A_149, %add3A_144, %dma_wait3A_150] : memref<3x5120x64xi32, #tpu.memory_space<hbm>> -> memref<3x1x64xi32, #tpu.memory_space<hbm>>
    %dma_wait3A_152 = tpu.memref_squeeze %dma_wait3A_151 : memref<3x1x64xi32, #tpu.memory_space<hbm>> -> memref<3x64xi32, #tpu.memory_space<hbm>>
    tpu.wait_dma2 semaphore(%arg21 : memref<!tpu.dma_semaphore, #tpu.memory_space<semaphore_mem>>) src(%dma_wait3A_152 : memref<3x64xi32, #tpu.memory_space<hbm>>) dst(%arg9 : memref<3x64xi32, #tpu.memory_space<vmem>>)
    %dma_start3A_153 = arith.constant 1 : i32
    %dma_start3A_154 = arith.constant 0 : i32
    %dma_start3A_155 = arith.constant 0 : i32
    %dma_start3A_156 = tpu.memref_slice %arg17[%dma_start3A_154, %dma_start3A_155] : memref<64x128xf32, #tpu.memory_space<vmem>> -> memref<32x128xf32, #tpu.memory_space<vmem>>
    %dma_start3A_157 = arith.constant 0 : i32
    %dma_start3A_158 = tpu.memref_slice %arg9[%dma_start3A_153, %dma_start3A_157] : memref<3x64xi32, #tpu.memory_space<vmem>> -> memref<1x32xi32, #tpu.memory_space<vmem>>
    %dma_start3A_159 = tpu.memref_squeeze %dma_start3A_158 : memref<1x32xi32, #tpu.memory_space<vmem>> -> memref<32xi32, #tpu.memory_space<vmem>>
    %dma_start3A_160 = arith.constant 0 : i32
    %dma_start3A_161 = arith.constant 0 : i32
    %dma_start3A_162 = tpu.memref_slice %arg2[%dma_start3A_160, %dma_start3A_161] : memref<10000x128xf32, #tpu.memory_space<hbm>> -> memref<10000x128xf32, #tpu.memory_space<hbm>>
    tpu.enqueue_indirect_dma source(%dma_start3A_162 : memref<10000x128xf32, #tpu.memory_space<hbm>>) target(%dma_start3A_156 : memref<32x128xf32, #tpu.memory_space<vmem>>) offsets(%dma_start3A_159 : memref<32xi32, #tpu.memory_space<vmem>>) semaphore(%arg31 : memref<!tpu.dma_semaphore, #tpu.memory_space<semaphore_mem>>)
    %dma_start3A_163 = arith.constant 1 : i32
    %dma_start3A_164 = arith.constant 32 : i32
    %dma_start3A_165 = arith.constant 0 : i32
    %dma_start3A_166 = tpu.memref_slice %arg17[%dma_start3A_164, %dma_start3A_165] : memref<64x128xf32, #tpu.memory_space<vmem>> -> memref<32x128xf32, #tpu.memory_space<vmem>>
    %dma_start3A_167 = arith.constant 32 : i32
    %dma_start3A_168 = tpu.memref_slice %arg9[%dma_start3A_163, %dma_start3A_167] : memref<3x64xi32, #tpu.memory_space<vmem>> -> memref<1x32xi32, #tpu.memory_space<vmem>>
    %dma_start3A_169 = tpu.memref_squeeze %dma_start3A_168 : memref<1x32xi32, #tpu.memory_space<vmem>> -> memref<32xi32, #tpu.memory_space<vmem>>
    %dma_start3A_170 = arith.constant 0 : i32
    %dma_start3A_171 = arith.constant 0 : i32
    %dma_start3A_172 = tpu.memref_slice %arg2[%dma_start3A_170, %dma_start3A_171] : memref<10000x128xf32, #tpu.memory_space<hbm>> -> memref<10000x128xf32, #tpu.memory_space<hbm>>
    tpu.enqueue_indirect_dma source(%dma_start3A_172 : memref<10000x128xf32, #tpu.memory_space<hbm>>) target(%dma_start3A_166 : memref<32x128xf32, #tpu.memory_space<vmem>>) offsets(%dma_start3A_169 : memref<32xi32, #tpu.memory_space<vmem>>) semaphore(%arg32 : memref<!tpu.dma_semaphore, #tpu.memory_space<semaphore_mem>>)
    %add3A_173 = arith.constant 3 : i32
    %add3A_174 = arith.addi %mul3A_4, %add3A_173 : i32
    %dma_wait3A_175 = arith.constant 0 : i32
    %dma_wait3A_176 = arith.constant 0 : i32
    %dma_wait3A_177 = tpu.memref_slice %arg3[%dma_wait3A_175, %add3A_174, %dma_wait3A_176] : memref<3x5120x64xi32, #tpu.memory_space<hbm>> -> memref<3x1x64xi32, #tpu.memory_space<hbm>>
    %dma_wait3A_178 = tpu.memref_squeeze %dma_wait3A_177 : memref<3x1x64xi32, #tpu.memory_space<hbm>> -> memref<3x64xi32, #tpu.memory_space<hbm>>
    %dma_wait3A_179 = arith.constant 0 : i32
    %dma_wait3A_180 = arith.constant 0 : i32
    %dma_wait3A_181 = tpu.memref_slice %arg3[%dma_wait3A_179, %add3A_174, %dma_wait3A_180] : memref<3x5120x64xi32, #tpu.memory_space<hbm>> -> memref<3x1x64xi32, #tpu.memory_space<hbm>>
    %dma_wait3A_182 = tpu.memref_squeeze %dma_wait3A_181 : memref<3x1x64xi32, #tpu.memory_space<hbm>> -> memref<3x64xi32, #tpu.memory_space<hbm>>
    tpu.wait_dma2 semaphore(%arg22 : memref<!tpu.dma_semaphore, #tpu.memory_space<semaphore_mem>>) src(%dma_wait3A_182 : memref<3x64xi32, #tpu.memory_space<hbm>>) dst(%arg10 : memref<3x64xi32, #tpu.memory_space<vmem>>)
    %dma_start3A_183 = arith.constant 1 : i32
    %dma_start3A_184 = arith.constant 0 : i32
    %dma_start3A_185 = arith.constant 0 : i32
    %dma_start3A_186 = tpu.memref_slice %arg18[%dma_start3A_184, %dma_start3A_185] : memref<64x128xf32, #tpu.memory_space<vmem>> -> memref<32x128xf32, #tpu.memory_space<vmem>>
    %dma_start3A_187 = arith.constant 0 : i32
    %dma_start3A_188 = tpu.memref_slice %arg10[%dma_start3A_183, %dma_start3A_187] : memref<3x64xi32, #tpu.memory_space<vmem>> -> memref<1x32xi32, #tpu.memory_space<vmem>>
    %dma_start3A_189 = tpu.memref_squeeze %dma_start3A_188 : memref<1x32xi32, #tpu.memory_space<vmem>> -> memref<32xi32, #tpu.memory_space<vmem>>
    %dma_start3A_190 = arith.constant 0 : i32
    %dma_start3A_191 = arith.constant 0 : i32
    %dma_start3A_192 = tpu.memref_slice %arg2[%dma_start3A_190, %dma_start3A_191] : memref<10000x128xf32, #tpu.memory_space<hbm>> -> memref<10000x128xf32, #tpu.memory_space<hbm>>
    tpu.enqueue_indirect_dma source(%dma_start3A_192 : memref<10000x128xf32, #tpu.memory_space<hbm>>) target(%dma_start3A_186 : memref<32x128xf32, #tpu.memory_space<vmem>>) offsets(%dma_start3A_189 : memref<32xi32, #tpu.memory_space<vmem>>) semaphore(%arg33 : memref<!tpu.dma_semaphore, #tpu.memory_space<semaphore_mem>>)
    %dma_start3A_193 = arith.constant 1 : i32
    %dma_start3A_194 = arith.constant 32 : i32
    %dma_start3A_195 = arith.constant 0 : i32
    %dma_start3A_196 = tpu.memref_slice %arg18[%dma_start3A_194, %dma_start3A_195] : memref<64x128xf32, #tpu.memory_space<vmem>> -> memref<32x128xf32, #tpu.memory_space<vmem>>
    %dma_start3A_197 = arith.constant 32 : i32
    %dma_start3A_198 = tpu.memref_slice %arg10[%dma_start3A_193, %dma_start3A_197] : memref<3x64xi32, #tpu.memory_space<vmem>> -> memref<1x32xi32, #tpu.memory_space<vmem>>
    %dma_start3A_199 = tpu.memref_squeeze %dma_start3A_198 : memref<1x32xi32, #tpu.memory_space<vmem>> -> memref<32xi32, #tpu.memory_space<vmem>>
    %dma_start3A_200 = arith.constant 0 : i32
    %dma_start3A_201 = arith.constant 0 : i32
    %dma_start3A_202 = tpu.memref_slice %arg2[%dma_start3A_200, %dma_start3A_201] : memref<10000x128xf32, #tpu.memory_space<hbm>> -> memref<10000x128xf32, #tpu.memory_space<hbm>>
    tpu.enqueue_indirect_dma source(%dma_start3A_202 : memref<10000x128xf32, #tpu.memory_space<hbm>>) target(%dma_start3A_196 : memref<32x128xf32, #tpu.memory_space<vmem>>) offsets(%dma_start3A_199 : memref<32xi32, #tpu.memory_space<vmem>>) semaphore(%arg34 : memref<!tpu.dma_semaphore, #tpu.memory_space<semaphore_mem>>)
    %scan3A = arith.constant 0 : i32
    %scan3A_203 = arith.constant 20 : i32
    %scan3A_204 = arith.addi %scan3A, %scan3A_203 : i32
    %scan3A_205 = arith.constant 1 : i32
    scf.for %scan3A_239 = %scan3A to %scan3A_204 step %scan3A_205  : i32 {
      %mul3A_240 = arith.constant 8 : i32
      %mul3A_241 = arith.muli %scan3A_239, %mul3A_240 : i32
      %add3A_242 = arith.constant 0 : i32
      %add3A_243 = arith.addi %add3A_242, %mul3A_241 : i32
      %add3A_244 = arith.constant 0 : i32
      %add3A_245 = arith.addi %add3A_243, %add3A_244 : i32
      %dma_wait3A_246 = arith.constant 1 : i32
      %dma_wait3A_247 = arith.constant 0 : i32
      %dma_wait3A_248 = arith.constant 0 : i32
      %dma_wait3A_249 = tpu.memref_slice %arg15[%dma_wait3A_247, %dma_wait3A_248] : memref<64x128xf32, #tpu.memory_space<vmem>> -> memref<32x128xf32, #tpu.memory_space<vmem>>
      %dma_wait3A_250 = arith.constant 0 : i32
      %dma_wait3A_251 = tpu.memref_slice %arg7[%dma_wait3A_246, %dma_wait3A_250] : memref<3x64xi32, #tpu.memory_space<vmem>> -> memref<1x32xi32, #tpu.memory_space<vmem>>
      %dma_wait3A_252 = tpu.memref_squeeze %dma_wait3A_251 : memref<1x32xi32, #tpu.memory_space<vmem>> -> memref<32xi32, #tpu.memory_space<vmem>>
      %dma_wait3A_253 = arith.constant 0 : i32
      %dma_wait3A_254 = arith.constant 0 : i32
      %dma_wait3A_255 = tpu.memref_slice %arg2[%dma_wait3A_253, %dma_wait3A_254] : memref<10000x128xf32, #tpu.memory_space<hbm>> -> memref<10000x128xf32, #tpu.memory_space<hbm>>
      tpu.wait_indirect_dma semaphore(%arg27 : memref<!tpu.dma_semaphore, #tpu.memory_space<semaphore_mem>>) src(%dma_wait3A_255 : memref<10000x128xf32, #tpu.memory_space<hbm>>) dst(%dma_wait3A_249 : memref<32x128xf32, #tpu.memory_space<vmem>>)
      %dma_wait3A_256 = arith.constant 1 : i32
      %dma_wait3A_257 = arith.constant 32 : i32
      %dma_wait3A_258 = arith.constant 0 : i32
      %dma_wait3A_259 = tpu.memref_slice %arg15[%dma_wait3A_257, %dma_wait3A_258] : memref<64x128xf32, #tpu.memory_space<vmem>> -> memref<32x128xf32, #tpu.memory_space<vmem>>
      %dma_wait3A_260 = arith.constant 32 : i32
      %dma_wait3A_261 = tpu.memref_slice %arg7[%dma_wait3A_256, %dma_wait3A_260] : memref<3x64xi32, #tpu.memory_space<vmem>> -> memref<1x32xi32, #tpu.memory_space<vmem>>
      %dma_wait3A_262 = tpu.memref_squeeze %dma_wait3A_261 : memref<1x32xi32, #tpu.memory_space<vmem>> -> memref<32xi32, #tpu.memory_space<vmem>>
      %dma_wait3A_263 = arith.constant 0 : i32
      %dma_wait3A_264 = arith.constant 0 : i32
      %dma_wait3A_265 = tpu.memref_slice %arg2[%dma_wait3A_263, %dma_wait3A_264] : memref<10000x128xf32, #tpu.memory_space<hbm>> -> memref<10000x128xf32, #tpu.memory_space<hbm>>
      tpu.wait_indirect_dma semaphore(%arg28 : memref<!tpu.dma_semaphore, #tpu.memory_space<semaphore_mem>>) src(%dma_wait3A_265 : memref<10000x128xf32, #tpu.memory_space<hbm>>) dst(%dma_wait3A_259 : memref<32x128xf32, #tpu.memory_space<vmem>>)
      %scan3A_266 = arith.constant 0 : i32
      %scan3A_267 = arith.constant 4 : i32
      %scan3A_268 = arith.addi %scan3A_266, %scan3A_267 : i32
      %scan3A_269 = arith.constant 1 : i32
      scf.for %scan3A_606 = %scan3A_266 to %scan3A_268 step %scan3A_269  : i32 {
        %mul3A_607 = arith.constant 16 : i32
        %mul3A_608 = arith.muli %scan3A_606, %mul3A_607 : i32
        %add3A_609 = arith.constant 0 : i32
        %add3A_610 = arith.addi %add3A_609, %mul3A_608 : i32
        %get3A = arith.constant 2 : i32
        %get3A_611 = arith.constant 0 : i32
        %get3A_612 = tpu.memref_slice %arg7[%get3A, %get3A_611] : memref<3x64xi32, #tpu.memory_space<vmem>> -> memref<1x64xi32, #tpu.memory_space<vmem>>
        %get3A_613 = tpu.memref_squeeze %get3A_612 : memref<1x64xi32, #tpu.memory_space<vmem>> -> memref<64xi32, #tpu.memory_space<vmem>>
        %get3A_614 = arith.index_cast %add3A_610 : i32 to index
        %get3A_615 = tpu.vector_load %get3A_613[%get3A_614] {strides = array<i32>} : memref<64xi32, #tpu.memory_space<vmem>>, vector<16xi32>,
        %bitcast3A = vector.bitcast %get3A_615 : vector<16xi32> to vector<16xf32>
        %scan3A_616 = arith.constant 0 : i32
        %scan3A_617 = arith.constant 16 : i32
        %scan3A_618 = arith.addi %scan3A_616, %scan3A_617 : i32
        %scan3A_619 = arith.constant 1 : i32
        scf.for %scan3A_621 = %scan3A_616 to %scan3A_618 step %scan3A_619  : i32 {
          %mul3A_622 = arith.constant 1 : i32
          %mul3A_623 = arith.muli %scan3A_621, %mul3A_622 : i32
          %add3A_624 = arith.constant 0 : i32
          %add3A_625 = arith.addi %add3A_624, %mul3A_623 : i32
          %broadcast_in_dim3A = vector.broadcast %add3A_625 : i32 to vector<16x1xi32>
          %gather3A = vector.shape_cast %broadcast_in_dim3A : vector<16x1xi32> to vector<16xi32>
          %gather3A_626 = tpu.dynamic_gather %bitcast3A[%gather3A] in [0] : vector<16xf32>, vector<16xi32> -> vector<16xf32>
          %add3A_627 = arith.addi %add3A_610, %add3A_625 : i32
          %get3A_628 = arith.index_cast %add3A_627 : i32 to index
          %get3A_629 = arith.constant 0 : index
          %get3A_630 = tpu.vector_load %arg15[%get3A_628, %get3A_629] {strides = array<i32>} : memref<64x128xf32, #tpu.memory_space<vmem>>, vector<16xf32>,
          %mul3A_631 = arith.mulf %get3A_630, %gather3A_626 : vector<16xf32>
          %swap3A = arith.index_cast %add3A_627 : i32 to index
          %swap3A_632 = arith.constant 0 : index
          %swap3A_633 = tpu.vector_load %arg15[%swap3A, %swap3A_632] {strides = array<i32>} : memref<64x128xf32, #tpu.memory_space<vmem>>, vector<16xf32>,
          tpu.vector_store %arg15[%swap3A, %swap3A_632], %mul3A_631 {strides = array<i32>} : memref<64x128xf32, #tpu.memory_space<vmem>>, vector<16xf32>,
          %get3A_634 = arith.index_cast %add3A_627 : i32 to index
          %get3A_635 = arith.constant 16 : index
          %get3A_636 = tpu.vector_load %arg15[%get3A_634, %get3A_635] {strides = array<i32>} : memref<64x128xf32, #tpu.memory_space<vmem>>, vector<16xf32>,
          %mul3A_637 = arith.mulf %get3A_636, %gather3A_626 : vector<16xf32>
          %swap3A_638 = arith.index_cast %add3A_627 : i32 to index
          %swap3A_639 = arith.constant 16 : index
          %swap3A_640 = tpu.vector_load %arg15[%swap3A_638, %swap3A_639] {strides = array<i32>} : memref<64x128xf32, #tpu.memory_space<vmem>>, vector<16xf32>,
          tpu.vector_store %arg15[%swap3A_638, %swap3A_639], %mul3A_637 {strides = array<i32>} : memref<64x128xf32, #tpu.memory_space<vmem>>, vector<16xf32>,
          %get3A_641 = arith.index_cast %add3A_627 : i32 to index
          %get3A_642 = arith.constant 32 : index
          %get3A_643 = tpu.vector_load %arg15[%get3A_641, %get3A_642] {strides = array<i32>} : memref<64x128xf32, #tpu.memory_space<vmem>>, vector<16xf32>,
          %mul3A_644 = arith.mulf %get3A_643, %gather3A_626 : vector<16xf32>
          %swap3A_645 = arith.index_cast %add3A_627 : i32 to index
          %swap3A_646 = arith.constant 32 : index
          %swap3A_647 = tpu.vector_load %arg15[%swap3A_645, %swap3A_646] {strides = array<i32>} : memref<64x128xf32, #tpu.memory_space<vmem>>, vector<16xf32>,
          tpu.vector_store %arg15[%swap3A_645, %swap3A_646], %mul3A_644 {strides = array<i32>} : memref<64x128xf32, #tpu.memory_space<vmem>>, vector<16xf32>,
          %get3A_648 = arith.index_cast %add3A_627 : i32 to index
          %get3A_649 = arith.constant 48 : index
          %get3A_650 = tpu.vector_load %arg15[%get3A_648, %get3A_649] {strides = array<i32>} : memref<64x128xf32, #tpu.memory_space<vmem>>, vector<16xf32>,
          %mul3A_651 = arith.mulf %get3A_650, %gather3A_626 : vector<16xf32>
          %swap3A_652 = arith.index_cast %add3A_627 : i32 to index
          %swap3A_653 = arith.constant 48 : index
          %swap3A_654 = tpu.vector_load %arg15[%swap3A_652, %swap3A_653] {strides = array<i32>} : memref<64x128xf32, #tpu.memory_space<vmem>>, vector<16xf32>,
          tpu.vector_store %arg15[%swap3A_652, %swap3A_653], %mul3A_651 {strides = array<i32>} : memref<64x128xf32, #tpu.memory_space<vmem>>, vector<16xf32>,
          %get3A_655 = arith.index_cast %add3A_627 : i32 to index
          %get3A_656 = arith.constant 64 : index
          %get3A_657 = tpu.vector_load %arg15[%get3A_655, %get3A_656] {strides = array<i32>} : memref<64x128xf32, #tpu.memory_space<vmem>>, vector<16xf32>,
          %mul3A_658 = arith.mulf %get3A_657, %gather3A_626 : vector<16xf32>
          %swap3A_659 = arith.index_cast %add3A_627 : i32 to index
          %swap3A_660 = arith.constant 64 : index
          %swap3A_661 = tpu.vector_load %arg15[%swap3A_659, %swap3A_660] {strides = array<i32>} : memref<64x128xf32, #tpu.memory_space<vmem>>, vector<16xf32>,
          tpu.vector_store %arg15[%swap3A_659, %swap3A_660], %mul3A_658 {strides = array<i32>} : memref<64x128xf32, #tpu.memory_space<vmem>>, vector<16xf32>,
          %get3A_662 = arith.index_cast %add3A_627 : i32 to index
          %get3A_663 = arith.constant 80 : index
          %get3A_664 = tpu.vector_load %arg15[%get3A_662, %get3A_663] {strides = array<i32>} : memref<64x128xf32, #tpu.memory_space<vmem>>, vector<16xf32>,
          %mul3A_665 = arith.mulf %get3A_664, %gather3A_626 : vector<16xf32>
          %swap3A_666 = arith.index_cast %add3A_627 : i32 to index
          %swap3A_667 = arith.constant 80 : index
          %swap3A_668 = tpu.vector_load %arg15[%swap3A_666, %swap3A_667] {strides = array<i32>} : memref<64x128xf32, #tpu.memory_space<vmem>>, vector<16xf32>,
          tpu.vector_store %arg15[%swap3A_666, %swap3A_667], %mul3A_665 {strides = array<i32>} : memref<64x128xf32, #tpu.memory_space<vmem>>, vector<16xf32>,
          %get3A_669 = arith.index_cast %add3A_627 : i32 to index
          %get3A_670 = arith.constant 96 : index
          %get3A_671 = tpu.vector_load %arg15[%get3A_669, %get3A_670] {strides = array<i32>} : memref<64x128xf32, #tpu.memory_space<vmem>>, vector<16xf32>,
          %mul3A_672 = arith.mulf %get3A_671, %gather3A_626 : vector<16xf32>
          %swap3A_673 = arith.index_cast %add3A_627 : i32 to index
          %swap3A_674 = arith.constant 96 : index
          %swap3A_675 = tpu.vector_load %arg15[%swap3A_673, %swap3A_674] {strides = array<i32>} : memref<64x128xf32, #tpu.memory_space<vmem>>, vector<16xf32>,
          tpu.vector_store %arg15[%swap3A_673, %swap3A_674], %mul3A_672 {strides = array<i32>} : memref<64x128xf32, #tpu.memory_space<vmem>>, vector<16xf32>,
          %get3A_676 = arith.index_cast %add3A_627 : i32 to index
          %get3A_677 = arith.constant 112 : index
          %get3A_678 = tpu.vector_load %arg15[%get3A_676, %get3A_677] {strides = array<i32>} : memref<64x128xf32, #tpu.memory_space<vmem>>, vector<16xf32>,
          %mul3A_679 = arith.mulf %get3A_678, %gather3A_626 : vector<16xf32>
          %swap3A_680 = arith.index_cast %add3A_627 : i32 to index
          %swap3A_681 = arith.constant 112 : index
          %swap3A_682 = tpu.vector_load %arg15[%swap3A_680, %swap3A_681] {strides = array<i32>} : memref<64x128xf32, #tpu.memory_space<vmem>>, vector<16xf32>,
          tpu.vector_store %arg15[%swap3A_680, %swap3A_681], %mul3A_679 {strides = array<i32>} : memref<64x128xf32, #tpu.memory_space<vmem>>, vector<16xf32>,
        }
        %scan3A_620 = arith.constant 16 : i32
      }
      %scan3A_270 = arith.constant 4 : i32
      %dma_start3A_271 = arith.constant 0 : i32
      %dma_start3A_272 = arith.constant 0 : i32
      %dma_start3A_273 = tpu.memref_slice %arg7[%dma_start3A_271, %dma_start3A_272] : memref<3x64xi32, #tpu.memory_space<vmem>> -> memref<1x64xi32, #tpu.memory_space<vmem>>
      %dma_start3A_274 = tpu.memref_squeeze %dma_start3A_273 : memref<1x64xi32, #tpu.memory_space<vmem>> -> memref<64xi32, #tpu.memory_space<vmem>>
      %dma_start3A_275 = arith.constant 0 : i32
      %dma_start3A_276 = arith.constant 0 : i32
      %dma_start3A_277 = tpu.memref_slice %arg6[%dma_start3A_275, %dma_start3A_276] : memref<10240x128xf32, #tpu.memory_space<vmem_shared>> -> memref<10240x128xf32, #tpu.memory_space<vmem_shared>>
      tpu.enqueue_indirect_dma source(%arg15 : memref<64x128xf32, #tpu.memory_space<vmem>>) target(%dma_start3A_277 : memref<10240x128xf32, #tpu.memory_space<vmem_shared>>) offsets(%dma_start3A_274 : memref<64xi32, #tpu.memory_space<vmem>>) semaphore(%arg35 : memref<!tpu.dma_semaphore, #tpu.memory_space<semaphore_mem>>) {add = true}
      %ge3A = arith.constant 1 : i32
      %ge3A_278 = arith.cmpi sge, %add3A_245, %ge3A : i32
      %add3A_279 = arith.constant 4 : i32
      %add3A_280 = arith.addi %add3A_245, %add3A_279 : i32
      %sub3A = arith.constant 1 : i32
      %sub3A_281 = arith.subi %add3A_280, %sub3A : i32
      %lt3A = arith.constant 160 : i32
      %lt3A_282 = arith.cmpi slt, %sub3A_281, %lt3A : i32
      %and3A = arith.andi %ge3A_278, %lt3A_282 : i1
      %convert_element_type3A = arith.extui %and3A : i1 to i32
      %cond3A = arith.constant 0 : i32
      %cond3A_283 = arith.cmpi ne, %convert_element_type3A, %cond3A : i32
      scf.if %cond3A_283 {
        %dma_wait3A_606 = arith.constant 0 : i32
        %dma_wait3A_607 = arith.constant 0 : i32
        %dma_wait3A_608 = tpu.memref_slice %arg14[%dma_wait3A_606, %dma_wait3A_607] : memref<3x64xi32, #tpu.memory_space<vmem>> -> memref<1x64xi32, #tpu.memory_space<vmem>>
        %dma_wait3A_609 = tpu.memref_squeeze %dma_wait3A_608 : memref<1x64xi32, #tpu.memory_space<vmem>> -> memref<64xi32, #tpu.memory_space<vmem>>
        %dma_wait3A_610 = arith.constant 0 : i32
        %dma_wait3A_611 = arith.constant 0 : i32
        %dma_wait3A_612 = tpu.memref_slice %arg6[%dma_wait3A_610, %dma_wait3A_611] : memref<10240x128xf32, #tpu.memory_space<vmem_shared>> -> memref<10240x128xf32, #tpu.memory_space<vmem_shared>>
        tpu.wait_indirect_dma semaphore(%arg38 : memref<!tpu.dma_semaphore, #tpu.memory_space<semaphore_mem>>) src(%arg18 : memref<64x128xf32, #tpu.memory_space<vmem>>) dst(%dma_wait3A_612 : memref<10240x128xf32, #tpu.memory_space<vmem_shared>>)
        %sub3A_613 = arith.constant 1 : i32
        %sub3A_614 = arith.subi %add3A_245, %sub3A_613 : i32
        %add3A_615 = arith.constant 8 : i32
        %add3A_616 = arith.addi %sub3A_614, %add3A_615 : i32
        %lt3A_617 = arith.constant 160 : i32
        %lt3A_618 = arith.cmpi slt, %add3A_616, %lt3A_617 : i32
        %convert_element_type3A_619 = arith.extui %lt3A_618 : i1 to i32
        %cond3A_620 = arith.constant 0 : i32
        %cond3A_621 = arith.cmpi ne, %convert_element_type3A_619, %cond3A_620 : i32
        scf.if %cond3A_621 {
          %sub3A_655 = arith.constant 1 : i32
          %sub3A_656 = arith.subi %add3A_245, %sub3A_655 : i32
          %add3A_657 = arith.constant 8 : i32
          %add3A_658 = arith.addi %sub3A_656, %add3A_657 : i32
          %add3A_659 = arith.addi %mul3A_4, %add3A_658 : i32
          %dma_start3A_660 = arith.constant 0 : i32
          %dma_start3A_661 = arith.constant 0 : i32
          %dma_start3A_662 = tpu.memref_slice %arg3[%dma_start3A_660, %add3A_659, %dma_start3A_661] : memref<3x5120x64xi32, #tpu.memory_space<hbm>> -> memref<3x1x64xi32, #tpu.memory_space<hbm>>
          %dma_start3A_663 = tpu.memref_squeeze %dma_start3A_662 : memref<3x1x64xi32, #tpu.memory_space<hbm>> -> memref<3x64xi32, #tpu.memory_space<hbm>>
          %dma_start3A_664 = arith.constant 0 : i32
          %dma_start3A_665 = arith.constant 0 : i32
          %dma_start3A_666 = tpu.memref_slice %arg3[%dma_start3A_664, %add3A_659, %dma_start3A_665] : memref<3x5120x64xi32, #tpu.memory_space<hbm>> -> memref<3x1x64xi32, #tpu.memory_space<hbm>>
          %dma_start3A_667 = tpu.memref_squeeze %dma_start3A_666 : memref<3x1x64xi32, #tpu.memory_space<hbm>> -> memref<3x64xi32, #tpu.memory_space<hbm>>
          tpu.enqueue_dma source(%dma_start3A_667 : memref<3x64xi32, #tpu.memory_space<hbm>>) target(%arg14 : memref<3x64xi32, #tpu.memory_space<vmem>>) target_semaphore(%arg26 : memref<!tpu.dma_semaphore, #tpu.memory_space<semaphore_mem>>)
        } else {
        }
        %add3A_622 = arith.constant 4 : i32
        %add3A_623 = arith.addi %add3A_245, %add3A_622 : i32
        %sub3A_624 = arith.constant 1 : i32
        %sub3A_625 = arith.subi %add3A_623, %sub3A_624 : i32
        %add3A_626 = arith.addi %mul3A_4, %sub3A_625 : i32
        %dma_wait3A_627 = arith.constant 0 : i32
        %dma_wait3A_628 = arith.constant 0 : i32
        %dma_wait3A_629 = tpu.memref_slice %arg3[%dma_wait3A_627, %add3A_626, %dma_wait3A_628] : memref<3x5120x64xi32, #tpu.memory_space<hbm>> -> memref<3x1x64xi32, #tpu.memory_space<hbm>>
        %dma_wait3A_630 = tpu.memref_squeeze %dma_wait3A_629 : memref<3x1x64xi32, #tpu.memory_space<hbm>> -> memref<3x64xi32, #tpu.memory_space<hbm>>
        %dma_wait3A_631 = arith.constant 0 : i32
        %dma_wait3A_632 = arith.constant 0 : i32
        %dma_wait3A_633 = tpu.memref_slice %arg3[%dma_wait3A_631, %add3A_626, %dma_wait3A_632] : memref<3x5120x64xi32, #tpu.memory_space<hbm>> -> memref<3x1x64xi32, #tpu.memory_space<hbm>>
        %dma_wait3A_634 = tpu.memref_squeeze %dma_wait3A_633 : memref<3x1x64xi32, #tpu.memory_space<hbm>> -> memref<3x64xi32, #tpu.memory_space<hbm>>
        tpu.wait_dma2 semaphore(%arg22 : memref<!tpu.dma_semaphore, #tpu.memory_space<semaphore_mem>>) src(%dma_wait3A_634 : memref<3x64xi32, #tpu.memory_space<hbm>>) dst(%arg10 : memref<3x64xi32, #tpu.memory_space<vmem>>)
        %dma_start3A_635 = arith.constant 1 : i32
        %dma_start3A_636 = arith.constant 0 : i32
        %dma_start3A_637 = arith.constant 0 : i32
        %dma_start3A_638 = tpu.memref_slice %arg18[%dma_start3A_636, %dma_start3A_637] : memref<64x128xf32, #tpu.memory_space<vmem>> -> memref<32x128xf32, #tpu.memory_space<vmem>>
        %dma_start3A_639 = arith.constant 0 : i32
        %dma_start3A_640 = tpu.memref_slice %arg10[%dma_start3A_635, %dma_start3A_639] : memref<3x64xi32, #tpu.memory_space<vmem>> -> memref<1x32xi32, #tpu.memory_space<vmem>>
        %dma_start3A_641 = tpu.memref_squeeze %dma_start3A_640 : memref<1x32xi32, #tpu.memory_space<vmem>> -> memref<32xi32, #tpu.memory_space<vmem>>
        %dma_start3A_642 = arith.constant 0 : i32
        %dma_start3A_643 = arith.constant 0 : i32
        %dma_start3A_644 = tpu.memref_slice %arg2[%dma_start3A_642, %dma_start3A_643] : memref<10000x128xf32, #tpu.memory_space<hbm>> -> memref<10000x128xf32, #tpu.memory_space<hbm>>
        tpu.enqueue_indirect_dma source(%dma_start3A_644 : memref<10000x128xf32, #tpu.memory_space<hbm>>) target(%dma_start3A_638 : memref<32x128xf32, #tpu.memory_space<vmem>>) offsets(%dma_start3A_641 : memref<32xi32, #tpu.memory_space<vmem>>) semaphore(%arg33 : memref<!tpu.dma_semaphore, #tpu.memory_space<semaphore_mem>>)
        %dma_start3A_645 = arith.constant 1 : i32
        %dma_start3A_646 = arith.constant 32 : i32
        %dma_start3A_647 = arith.constant 0 : i32
        %dma_start3A_648 = tpu.memref_slice %arg18[%dma_start3A_646, %dma_start3A_647] : memref<64x128xf32, #tpu.memory_space<vmem>> -> memref<32x128xf32, #tpu.memory_space<vmem>>
        %dma_start3A_649 = arith.constant 32 : i32
        %dma_start3A_650 = tpu.memref_slice %arg10[%dma_start3A_645, %dma_start3A_649] : memref<3x64xi32, #tpu.memory_space<vmem>> -> memref<1x32xi32, #tpu.memory_space<vmem>>
        %dma_start3A_651 = tpu.memref_squeeze %dma_start3A_650 : memref<1x32xi32, #tpu.memory_space<vmem>> -> memref<32xi32, #tpu.memory_space<vmem>>
        %dma_start3A_652 = arith.constant 0 : i32
        %dma_start3A_653 = arith.constant 0 : i32
        %dma_start3A_654 = tpu.memref_slice %arg2[%dma_start3A_652, %dma_start3A_653] : memref<10000x128xf32, #tpu.memory_space<hbm>> -> memref<10000x128xf32, #tpu.memory_space<hbm>>
        tpu.enqueue_indirect_dma source(%dma_start3A_654 : memref<10000x128xf32, #tpu.memory_space<hbm>>) target(%dma_start3A_648 : memref<32x128xf32, #tpu.memory_space<vmem>>) offsets(%dma_start3A_651 : memref<32xi32, #tpu.memory_space<vmem>>) semaphore(%arg34 : memref<!tpu.dma_semaphore, #tpu.memory_space<semaphore_mem>>)
      } else {
      }
      %add3A_284 = arith.constant 1 : i32
      %add3A_285 = arith.addi %add3A_243, %add3A_284 : i32
      %dma_wait3A_286 = arith.constant 1 : i32
      %dma_wait3A_287 = arith.constant 0 : i32
      %dma_wait3A_288 = arith.constant 0 : i32
      %dma_wait3A_289 = tpu.memref_slice %arg16[%dma_wait3A_287, %dma_wait3A_288] : memref<64x128xf32, #tpu.memory_space<vmem>> -> memref<32x128xf32, #tpu.memory_space<vmem>>
      %dma_wait3A_290 = arith.constant 0 : i32
      %dma_wait3A_291 = tpu.memref_slice %arg8[%dma_wait3A_286, %dma_wait3A_290] : memref<3x64xi32, #tpu.memory_space<vmem>> -> memref<1x32xi32, #tpu.memory_space<vmem>>
      %dma_wait3A_292 = tpu.memref_squeeze %dma_wait3A_291 : memref<1x32xi32, #tpu.memory_space<vmem>> -> memref<32xi32, #tpu.memory_space<vmem>>
      %dma_wait3A_293 = arith.constant 0 : i32
      %dma_wait3A_294 = arith.constant 0 : i32
      %dma_wait3A_295 = tpu.memref_slice %arg2[%dma_wait3A_293, %dma_wait3A_294] : memref<10000x128xf32, #tpu.memory_space<hbm>> -> memref<10000x128xf32, #tpu.memory_space<hbm>>
      tpu.wait_indirect_dma semaphore(%arg29 : memref<!tpu.dma_semaphore, #tpu.memory_space<semaphore_mem>>) src(%dma_wait3A_295 : memref<10000x128xf32, #tpu.memory_space<hbm>>) dst(%dma_wait3A_289 : memref<32x128xf32, #tpu.memory_space<vmem>>)
      %dma_wait3A_296 = arith.constant 1 : i32
      %dma_wait3A_297 = arith.constant 32 : i32
      %dma_wait3A_298 = arith.constant 0 : i32
      %dma_wait3A_299 = tpu.memref_slice %arg16[%dma_wait3A_297, %dma_wait3A_298] : memref<64x128xf32, #tpu.memory_space<vmem>> -> memref<32x128xf32, #tpu.memory_space<vmem>>
      %dma_wait3A_300 = arith.constant 32 : i32
      %dma_wait3A_301 = tpu.memref_slice %arg8[%dma_wait3A_296, %dma_wait3A_300] : memref<3x64xi32, #tpu.memory_space<vmem>> -> memref<1x32xi32, #tpu.memory_space<vmem>>
      %dma_wait3A_302 = tpu.memref_squeeze %dma_wait3A_301 : memref<1x32xi32, #tpu.memory_space<vmem>> -> memref<32xi32, #tpu.memory_space<vmem>>
      %dma_wait3A_303 = arith.constant 0 : i32
      %dma_wait3A_304 = arith.constant 0 : i32
      %dma_wait3A_305 = tpu.memref_slice %arg2[%dma_wait3A_303, %dma_wait3A_304] : memref<10000x128xf32, #tpu.memory_space<hbm>> -> memref<10000x128xf32, #tpu.memory_space<hbm>>
      tpu.wait_indirect_dma semaphore(%arg30 : memref<!tpu.dma_semaphore, #tpu.memory_space<semaphore_mem>>) src(%dma_wait3A_305 : memref<10000x128xf32, #tpu.memory_space<hbm>>) dst(%dma_wait3A_299 : memref<32x128xf32, #tpu.memory_space<vmem>>)
      %scan3A_306 = arith.constant 0 : i32
      %scan3A_307 = arith.constant 4 : i32
      %scan3A_308 = arith.addi %scan3A_306, %scan3A_307 : i32
      %scan3A_309 = arith.constant 1 : i32
      scf.for %scan3A_606 = %scan3A_306 to %scan3A_308 step %scan3A_309  : i32 {
        %mul3A_607 = arith.constant 16 : i32
        %mul3A_608 = arith.muli %scan3A_606, %mul3A_607 : i32
        %add3A_609 = arith.constant 0 : i32
        %add3A_610 = arith.addi %add3A_609, %mul3A_608 : i32
        %get3A = arith.constant 2 : i32
        %get3A_611 = arith.constant 0 : i32
        %get3A_612 = tpu.memref_slice %arg8[%get3A, %get3A_611] : memref<3x64xi32, #tpu.memory_space<vmem>> -> memref<1x64xi32, #tpu.memory_space<vmem>>
        %get3A_613 = tpu.memref_squeeze %get3A_612 : memref<1x64xi32, #tpu.memory_space<vmem>> -> memref<64xi32, #tpu.memory_space<vmem>>
        %get3A_614 = arith.index_cast %add3A_610 : i32 to index
        %get3A_615 = tpu.vector_load %get3A_613[%get3A_614] {strides = array<i32>} : memref<64xi32, #tpu.memory_space<vmem>>, vector<16xi32>,
        %bitcast3A = vector.bitcast %get3A_615 : vector<16xi32> to vector<16xf32>
        %scan3A_616 = arith.constant 0 : i32
        %scan3A_617 = arith.constant 16 : i32
        %scan3A_618 = arith.addi %scan3A_616, %scan3A_617 : i32
        %scan3A_619 = arith.constant 1 : i32
        scf.for %scan3A_621 = %scan3A_616 to %scan3A_618 step %scan3A_619  : i32 {
          %mul3A_622 = arith.constant 1 : i32
          %mul3A_623 = arith.muli %scan3A_621, %mul3A_622 : i32
          %add3A_624 = arith.constant 0 : i32
          %add3A_625 = arith.addi %add3A_624, %mul3A_623 : i32
          %broadcast_in_dim3A = vector.broadcast %add3A_625 : i32 to vector<16x1xi32>
          %gather3A = vector.shape_cast %broadcast_in_dim3A : vector<16x1xi32> to vector<16xi32>
          %gather3A_626 = tpu.dynamic_gather %bitcast3A[%gather3A] in [0] : vector<16xf32>, vector<16xi32> -> vector<16xf32>
          %add3A_627 = arith.addi %add3A_610, %add3A_625 : i32
          %get3A_628 = arith.index_cast %add3A_627 : i32 to index
          %get3A_629 = arith.constant 0 : index
          %get3A_630 = tpu.vector_load %arg16[%get3A_628, %get3A_629] {strides = array<i32>} : memref<64x128xf32, #tpu.memory_space<vmem>>, vector<16xf32>,
          %mul3A_631 = arith.mulf %get3A_630, %gather3A_626 : vector<16xf32>
          %swap3A = arith.index_cast %add3A_627 : i32 to index
          %swap3A_632 = arith.constant 0 : index
          %swap3A_633 = tpu.vector_load %arg16[%swap3A, %swap3A_632] {strides = array<i32>} : memref<64x128xf32, #tpu.memory_space<vmem>>, vector<16xf32>,
          tpu.vector_store %arg16[%swap3A, %swap3A_632], %mul3A_631 {strides = array<i32>} : memref<64x128xf32, #tpu.memory_space<vmem>>, vector<16xf32>,
          %get3A_634 = arith.index_cast %add3A_627 : i32 to index
          %get3A_635 = arith.constant 16 : index
          %get3A_636 = tpu.vector_load %arg16[%get3A_634, %get3A_635] {strides = array<i32>} : memref<64x128xf32, #tpu.memory_space<vmem>>, vector<16xf32>,
          %mul3A_637 = arith.mulf %get3A_636, %gather3A_626 : vector<16xf32>
          %swap3A_638 = arith.index_cast %add3A_627 : i32 to index
          %swap3A_639 = arith.constant 16 : index
          %swap3A_640 = tpu.vector_load %arg16[%swap3A_638, %swap3A_639] {strides = array<i32>} : memref<64x128xf32, #tpu.memory_space<vmem>>, vector<16xf32>,
          tpu.vector_store %arg16[%swap3A_638, %swap3A_639], %mul3A_637 {strides = array<i32>} : memref<64x128xf32, #tpu.memory_space<vmem>>, vector<16xf32>,
          %get3A_641 = arith.index_cast %add3A_627 : i32 to index
          %get3A_642 = arith.constant 32 : index
          %get3A_643 = tpu.vector_load %arg16[%get3A_641, %get3A_642] {strides = array<i32>} : memref<64x128xf32, #tpu.memory_space<vmem>>, vector<16xf32>,
          %mul3A_644 = arith.mulf %get3A_643, %gather3A_626 : vector<16xf32>
          %swap3A_645 = arith.index_cast %add3A_627 : i32 to index
          %swap3A_646 = arith.constant 32 : index
          %swap3A_647 = tpu.vector_load %arg16[%swap3A_645, %swap3A_646] {strides = array<i32>} : memref<64x128xf32, #tpu.memory_space<vmem>>, vector<16xf32>,
          tpu.vector_store %arg16[%swap3A_645, %swap3A_646], %mul3A_644 {strides = array<i32>} : memref<64x128xf32, #tpu.memory_space<vmem>>, vector<16xf32>,
          %get3A_648 = arith.index_cast %add3A_627 : i32 to index
          %get3A_649 = arith.constant 48 : index
          %get3A_650 = tpu.vector_load %arg16[%get3A_648, %get3A_649] {strides = array<i32>} : memref<64x128xf32, #tpu.memory_space<vmem>>, vector<16xf32>,
          %mul3A_651 = arith.mulf %get3A_650, %gather3A_626 : vector<16xf32>
          %swap3A_652 = arith.index_cast %add3A_627 : i32 to index
          %swap3A_653 = arith.constant 48 : index
          %swap3A_654 = tpu.vector_load %arg16[%swap3A_652, %swap3A_653] {strides = array<i32>} : memref<64x128xf32, #tpu.memory_space<vmem>>, vector<16xf32>,
          tpu.vector_store %arg16[%swap3A_652, %swap3A_653], %mul3A_651 {strides = array<i32>} : memref<64x128xf32, #tpu.memory_space<vmem>>, vector<16xf32>,
          %get3A_655 = arith.index_cast %add3A_627 : i32 to index
          %get3A_656 = arith.constant 64 : index
          %get3A_657 = tpu.vector_load %arg16[%get3A_655, %get3A_656] {strides = array<i32>} : memref<64x128xf32, #tpu.memory_space<vmem>>, vector<16xf32>,
          %mul3A_658 = arith.mulf %get3A_657, %gather3A_626 : vector<16xf32>
          %swap3A_659 = arith.index_cast %add3A_627 : i32 to index
          %swap3A_660 = arith.constant 64 : index
          %swap3A_661 = tpu.vector_load %arg16[%swap3A_659, %swap3A_660] {strides = array<i32>} : memref<64x128xf32, #tpu.memory_space<vmem>>, vector<16xf32>,
          tpu.vector_store %arg16[%swap3A_659, %swap3A_660], %mul3A_658 {strides = array<i32>} : memref<64x128xf32, #tpu.memory_space<vmem>>, vector<16xf32>,
          %get3A_662 = arith.index_cast %add3A_627 : i32 to index
          %get3A_663 = arith.constant 80 : index
          %get3A_664 = tpu.vector_load %arg16[%get3A_662, %get3A_663] {strides = array<i32>} : memref<64x128xf32, #tpu.memory_space<vmem>>, vector<16xf32>,
          %mul3A_665 = arith.mulf %get3A_664, %gather3A_626 : vector<16xf32>
          %swap3A_666 = arith.index_cast %add3A_627 : i32 to index
          %swap3A_667 = arith.constant 80 : index
          %swap3A_668 = tpu.vector_load %arg16[%swap3A_666, %swap3A_667] {strides = array<i32>} : memref<64x128xf32, #tpu.memory_space<vmem>>, vector<16xf32>,
          tpu.vector_store %arg16[%swap3A_666, %swap3A_667], %mul3A_665 {strides = array<i32>} : memref<64x128xf32, #tpu.memory_space<vmem>>, vector<16xf32>,
          %get3A_669 = arith.index_cast %add3A_627 : i32 to index
          %get3A_670 = arith.constant 96 : index
          %get3A_671 = tpu.vector_load %arg16[%get3A_669, %get3A_670] {strides = array<i32>} : memref<64x128xf32, #tpu.memory_space<vmem>>, vector<16xf32>,
          %mul3A_672 = arith.mulf %get3A_671, %gather3A_626 : vector<16xf32>
          %swap3A_673 = arith.index_cast %add3A_627 : i32 to index
          %swap3A_674 = arith.constant 96 : index
          %swap3A_675 = tpu.vector_load %arg16[%swap3A_673, %swap3A_674] {strides = array<i32>} : memref<64x128xf32, #tpu.memory_space<vmem>>, vector<16xf32>,
          tpu.vector_store %arg16[%swap3A_673, %swap3A_674], %mul3A_672 {strides = array<i32>} : memref<64x128xf32, #tpu.memory_space<vmem>>, vector<16xf32>,
          %get3A_676 = arith.index_cast %add3A_627 : i32 to index
          %get3A_677 = arith.constant 112 : index
          %get3A_678 = tpu.vector_load %arg16[%get3A_676, %get3A_677] {strides = array<i32>} : memref<64x128xf32, #tpu.memory_space<vmem>>, vector<16xf32>,
          %mul3A_679 = arith.mulf %get3A_678, %gather3A_626 : vector<16xf32>
          %swap3A_680 = arith.index_cast %add3A_627 : i32 to index
          %swap3A_681 = arith.constant 112 : index
          %swap3A_682 = tpu.vector_load %arg16[%swap3A_680, %swap3A_681] {strides = array<i32>} : memref<64x128xf32, #tpu.memory_space<vmem>>, vector<16xf32>,
          tpu.vector_store %arg16[%swap3A_680, %swap3A_681], %mul3A_679 {strides = array<i32>} : memref<64x128xf32, #tpu.memory_space<vmem>>, vector<16xf32>,
        }
        %scan3A_620 = arith.constant 16 : i32
      }
      %scan3A_310 = arith.constant 4 : i32
      %dma_start3A_311 = arith.constant 0 : i32
      %dma_start3A_312 = arith.constant 0 : i32
      %dma_start3A_313 = tpu.memref_slice %arg8[%dma_start3A_311, %dma_start3A_312] : memref<3x64xi32, #tpu.memory_space<vmem>> -> memref<1x64xi32, #tpu.memory_space<vmem>>
      %dma_start3A_314 = tpu.memref_squeeze %dma_start3A_313 : memref<1x64xi32, #tpu.memory_space<vmem>> -> memref<64xi32, #tpu.memory_space<vmem>>
      %dma_start3A_315 = arith.constant 0 : i32
      %dma_start3A_316 = arith.constant 0 : i32
      %dma_start3A_317 = tpu.memref_slice %arg6[%dma_start3A_315, %dma_start3A_316] : memref<10240x128xf32, #tpu.memory_space<vmem_shared>> -> memref<10240x128xf32, #tpu.memory_space<vmem_shared>>
      tpu.enqueue_indirect_dma source(%arg16 : memref<64x128xf32, #tpu.memory_space<vmem>>) target(%dma_start3A_317 : memref<10240x128xf32, #tpu.memory_space<vmem_shared>>) offsets(%dma_start3A_314 : memref<64xi32, #tpu.memory_space<vmem>>) semaphore(%arg36 : memref<!tpu.dma_semaphore, #tpu.memory_space<semaphore_mem>>) {add = true}
      %ge3A_318 = arith.constant 1 : i32
      %ge3A_319 = arith.cmpi sge, %add3A_285, %ge3A_318 : i32
      %add3A_320 = arith.constant 4 : i32
      %add3A_321 = arith.addi %add3A_285, %add3A_320 : i32
      %sub3A_322 = arith.constant 1 : i32
      %sub3A_323 = arith.subi %add3A_321, %sub3A_322 : i32
      %lt3A_324 = arith.constant 160 : i32
      %lt3A_325 = arith.cmpi slt, %sub3A_323, %lt3A_324 : i32
      %and3A_326 = arith.andi %ge3A_319, %lt3A_325 : i1
      %convert_element_type3A_327 = arith.extui %and3A_326 : i1 to i32
      %cond3A_328 = arith.constant 0 : i32
      %cond3A_329 = arith.cmpi ne, %convert_element_type3A_327, %cond3A_328 : i32
      scf.if %cond3A_329 {
        %dma_wait3A_606 = arith.constant 0 : i32
        %dma_wait3A_607 = arith.constant 0 : i32
        %dma_wait3A_608 = tpu.memref_slice %arg7[%dma_wait3A_606, %dma_wait3A_607] : memref<3x64xi32, #tpu.memory_space<vmem>> -> memref<1x64xi32, #tpu.memory_space<vmem>>
        %dma_wait3A_609 = tpu.memref_squeeze %dma_wait3A_608 : memref<1x64xi32, #tpu.memory_space<vmem>> -> memref<64xi32, #tpu.memory_space<vmem>>
        %dma_wait3A_610 = arith.constant 0 : i32
        %dma_wait3A_611 = arith.constant 0 : i32
        %dma_wait3A_612 = tpu.memref_slice %arg6[%dma_wait3A_610, %dma_wait3A_611] : memref<10240x128xf32, #tpu.memory_space<vmem_shared>> -> memref<10240x128xf32, #tpu.memory_space<vmem_shared>>
        tpu.wait_indirect_dma semaphore(%arg35 : memref<!tpu.dma_semaphore, #tpu.memory_space<semaphore_mem>>) src(%arg15 : memref<64x128xf32, #tpu.memory_space<vmem>>) dst(%dma_wait3A_612 : memref<10240x128xf32, #tpu.memory_space<vmem_shared>>)
        %sub3A_613 = arith.constant 1 : i32
        %sub3A_614 = arith.subi %add3A_285, %sub3A_613 : i32
        %add3A_615 = arith.constant 8 : i32
        %add3A_616 = arith.addi %sub3A_614, %add3A_615 : i32
        %lt3A_617 = arith.constant 160 : i32
        %lt3A_618 = arith.cmpi slt, %add3A_616, %lt3A_617 : i32
        %convert_element_type3A_619 = arith.extui %lt3A_618 : i1 to i32
        %cond3A_620 = arith.constant 0 : i32
        %cond3A_621 = arith.cmpi ne, %convert_element_type3A_619, %cond3A_620 : i32
        scf.if %cond3A_621 {
          %sub3A_655 = arith.constant 1 : i32
          %sub3A_656 = arith.subi %add3A_285, %sub3A_655 : i32
          %add3A_657 = arith.constant 8 : i32
          %add3A_658 = arith.addi %sub3A_656, %add3A_657 : i32
          %add3A_659 = arith.addi %mul3A_4, %add3A_658 : i32
          %dma_start3A_660 = arith.constant 0 : i32
          %dma_start3A_661 = arith.constant 0 : i32
          %dma_start3A_662 = tpu.memref_slice %arg3[%dma_start3A_660, %add3A_659, %dma_start3A_661] : memref<3x5120x64xi32, #tpu.memory_space<hbm>> -> memref<3x1x64xi32, #tpu.memory_space<hbm>>
          %dma_start3A_663 = tpu.memref_squeeze %dma_start3A_662 : memref<3x1x64xi32, #tpu.memory_space<hbm>> -> memref<3x64xi32, #tpu.memory_space<hbm>>
          %dma_start3A_664 = arith.constant 0 : i32
          %dma_start3A_665 = arith.constant 0 : i32
          %dma_start3A_666 = tpu.memref_slice %arg3[%dma_start3A_664, %add3A_659, %dma_start3A_665] : memref<3x5120x64xi32, #tpu.memory_space<hbm>> -> memref<3x1x64xi32, #tpu.memory_space<hbm>>
          %dma_start3A_667 = tpu.memref_squeeze %dma_start3A_666 : memref<3x1x64xi32, #tpu.memory_space<hbm>> -> memref<3x64xi32, #tpu.memory_space<hbm>>
          tpu.enqueue_dma source(%dma_start3A_667 : memref<3x64xi32, #tpu.memory_space<hbm>>) target(%arg7 : memref<3x64xi32, #tpu.memory_space<vmem>>) target_semaphore(%arg19 : memref<!tpu.dma_semaphore, #tpu.memory_space<semaphore_mem>>)
        } else {
        }
        %add3A_622 = arith.constant 4 : i32
        %add3A_623 = arith.addi %add3A_285, %add3A_622 : i32
        %sub3A_624 = arith.constant 1 : i32
        %sub3A_625 = arith.subi %add3A_623, %sub3A_624 : i32
        %add3A_626 = arith.addi %mul3A_4, %sub3A_625 : i32
        %dma_wait3A_627 = arith.constant 0 : i32
        %dma_wait3A_628 = arith.constant 0 : i32
        %dma_wait3A_629 = tpu.memref_slice %arg3[%dma_wait3A_627, %add3A_626, %dma_wait3A_628] : memref<3x5120x64xi32, #tpu.memory_space<hbm>> -> memref<3x1x64xi32, #tpu.memory_space<hbm>>
        %dma_wait3A_630 = tpu.memref_squeeze %dma_wait3A_629 : memref<3x1x64xi32, #tpu.memory_space<hbm>> -> memref<3x64xi32, #tpu.memory_space<hbm>>
        %dma_wait3A_631 = arith.constant 0 : i32
        %dma_wait3A_632 = arith.constant 0 : i32
        %dma_wait3A_633 = tpu.memref_slice %arg3[%dma_wait3A_631, %add3A_626, %dma_wait3A_632] : memref<3x5120x64xi32, #tpu.memory_space<hbm>> -> memref<3x1x64xi32, #tpu.memory_space<hbm>>
        %dma_wait3A_634 = tpu.memref_squeeze %dma_wait3A_633 : memref<3x1x64xi32, #tpu.memory_space<hbm>> -> memref<3x64xi32, #tpu.memory_space<hbm>>
        tpu.wait_dma2 semaphore(%arg23 : memref<!tpu.dma_semaphore, #tpu.memory_space<semaphore_mem>>) src(%dma_wait3A_634 : memref<3x64xi32, #tpu.memory_space<hbm>>) dst(%arg11 : memref<3x64xi32, #tpu.memory_space<vmem>>)
        %dma_start3A_635 = arith.constant 1 : i32
        %dma_start3A_636 = arith.constant 0 : i32
        %dma_start3A_637 = arith.constant 0 : i32
        %dma_start3A_638 = tpu.memref_slice %arg15[%dma_start3A_636, %dma_start3A_637] : memref<64x128xf32, #tpu.memory_space<vmem>> -> memref<32x128xf32, #tpu.memory_space<vmem>>
        %dma_start3A_639 = arith.constant 0 : i32
        %dma_start3A_640 = tpu.memref_slice %arg11[%dma_start3A_635, %dma_start3A_639] : memref<3x64xi32, #tpu.memory_space<vmem>> -> memref<1x32xi32, #tpu.memory_space<vmem>>
        %dma_start3A_641 = tpu.memref_squeeze %dma_start3A_640 : memref<1x32xi32, #tpu.memory_space<vmem>> -> memref<32xi32, #tpu.memory_space<vmem>>
        %dma_start3A_642 = arith.constant 0 : i32
        %dma_start3A_643 = arith.constant 0 : i32
        %dma_start3A_644 = tpu.memref_slice %arg2[%dma_start3A_642, %dma_start3A_643] : memref<10000x128xf32, #tpu.memory_space<hbm>> -> memref<10000x128xf32, #tpu.memory_space<hbm>>
        tpu.enqueue_indirect_dma source(%dma_start3A_644 : memref<10000x128xf32, #tpu.memory_space<hbm>>) target(%dma_start3A_638 : memref<32x128xf32, #tpu.memory_space<vmem>>) offsets(%dma_start3A_641 : memref<32xi32, #tpu.memory_space<vmem>>) semaphore(%arg27 : memref<!tpu.dma_semaphore, #tpu.memory_space<semaphore_mem>>)
        %dma_start3A_645 = arith.constant 1 : i32
        %dma_start3A_646 = arith.constant 32 : i32
        %dma_start3A_647 = arith.constant 0 : i32
        %dma_start3A_648 = tpu.memref_slice %arg15[%dma_start3A_646, %dma_start3A_647] : memref<64x128xf32, #tpu.memory_space<vmem>> -> memref<32x128xf32, #tpu.memory_space<vmem>>
        %dma_start3A_649 = arith.constant 32 : i32
        %dma_start3A_650 = tpu.memref_slice %arg11[%dma_start3A_645, %dma_start3A_649] : memref<3x64xi32, #tpu.memory_space<vmem>> -> memref<1x32xi32, #tpu.memory_space<vmem>>
        %dma_start3A_651 = tpu.memref_squeeze %dma_start3A_650 : memref<1x32xi32, #tpu.memory_space<vmem>> -> memref<32xi32, #tpu.memory_space<vmem>>
        %dma_start3A_652 = arith.constant 0 : i32
        %dma_start3A_653 = arith.constant 0 : i32
        %dma_start3A_654 = tpu.memref_slice %arg2[%dma_start3A_652, %dma_start3A_653] : memref<10000x128xf32, #tpu.memory_space<hbm>> -> memref<10000x128xf32, #tpu.memory_space<hbm>>
        tpu.enqueue_indirect_dma source(%dma_start3A_654 : memref<10000x128xf32, #tpu.memory_space<hbm>>) target(%dma_start3A_648 : memref<32x128xf32, #tpu.memory_space<vmem>>) offsets(%dma_start3A_651 : memref<32xi32, #tpu.memory_space<vmem>>) semaphore(%arg28 : memref<!tpu.dma_semaphore, #tpu.memory_space<semaphore_mem>>)
      } else {
      }
      %add3A_330 = arith.constant 2 : i32
      %add3A_331 = arith.addi %add3A_243, %add3A_330 : i32
      %dma_wait3A_332 = arith.constant 1 : i32
      %dma_wait3A_333 = arith.constant 0 : i32
      %dma_wait3A_334 = arith.constant 0 : i32
      %dma_wait3A_335 = tpu.memref_slice %arg17[%dma_wait3A_333, %dma_wait3A_334] : memref<64x128xf32, #tpu.memory_space<vmem>> -> memref<32x128xf32, #tpu.memory_space<vmem>>
      %dma_wait3A_336 = arith.constant 0 : i32
      %dma_wait3A_337 = tpu.memref_slice %arg9[%dma_wait3A_332, %dma_wait3A_336] : memref<3x64xi32, #tpu.memory_space<vmem>> -> memref<1x32xi32, #tpu.memory_space<vmem>>
      %dma_wait3A_338 = tpu.memref_squeeze %dma_wait3A_337 : memref<1x32xi32, #tpu.memory_space<vmem>> -> memref<32xi32, #tpu.memory_space<vmem>>
      %dma_wait3A_339 = arith.constant 0 : i32
      %dma_wait3A_340 = arith.constant 0 : i32
      %dma_wait3A_341 = tpu.memref_slice %arg2[%dma_wait3A_339, %dma_wait3A_340] : memref<10000x128xf32, #tpu.memory_space<hbm>> -> memref<10000x128xf32, #tpu.memory_space<hbm>>
      tpu.wait_indirect_dma semaphore(%arg31 : memref<!tpu.dma_semaphore, #tpu.memory_space<semaphore_mem>>) src(%dma_wait3A_341 : memref<10000x128xf32, #tpu.memory_space<hbm>>) dst(%dma_wait3A_335 : memref<32x128xf32, #tpu.memory_space<vmem>>)
      %dma_wait3A_342 = arith.constant 1 : i32
      %dma_wait3A_343 = arith.constant 32 : i32
      %dma_wait3A_344 = arith.constant 0 : i32
      %dma_wait3A_345 = tpu.memref_slice %arg17[%dma_wait3A_343, %dma_wait3A_344] : memref<64x128xf32, #tpu.memory_space<vmem>> -> memref<32x128xf32, #tpu.memory_space<vmem>>
      %dma_wait3A_346 = arith.constant 32 : i32
      %dma_wait3A_347 = tpu.memref_slice %arg9[%dma_wait3A_342, %dma_wait3A_346] : memref<3x64xi32, #tpu.memory_space<vmem>> -> memref<1x32xi32, #tpu.memory_space<vmem>>
      %dma_wait3A_348 = tpu.memref_squeeze %dma_wait3A_347 : memref<1x32xi32, #tpu.memory_space<vmem>> -> memref<32xi32, #tpu.memory_space<vmem>>
      %dma_wait3A_349 = arith.constant 0 : i32
      %dma_wait3A_350 = arith.constant 0 : i32
      %dma_wait3A_351 = tpu.memref_slice %arg2[%dma_wait3A_349, %dma_wait3A_350] : memref<10000x128xf32, #tpu.memory_space<hbm>> -> memref<10000x128xf32, #tpu.memory_space<hbm>>
      tpu.wait_indirect_dma semaphore(%arg32 : memref<!tpu.dma_semaphore, #tpu.memory_space<semaphore_mem>>) src(%dma_wait3A_351 : memref<10000x128xf32, #tpu.memory_space<hbm>>) dst(%dma_wait3A_345 : memref<32x128xf32, #tpu.memory_space<vmem>>)
      %scan3A_352 = arith.constant 0 : i32
      %scan3A_353 = arith.constant 4 : i32
      %scan3A_354 = arith.addi %scan3A_352, %scan3A_353 : i32
      %scan3A_355 = arith.constant 1 : i32
      scf.for %scan3A_606 = %scan3A_352 to %scan3A_354 step %scan3A_355  : i32 {
        %mul3A_607 = arith.constant 16 : i32
        %mul3A_608 = arith.muli %scan3A_606, %mul3A_607 : i32
        %add3A_609 = arith.constant 0 : i32
        %add3A_610 = arith.addi %add3A_609, %mul3A_608 : i32
        %get3A = arith.constant 2 : i32
        %get3A_611 = arith.constant 0 : i32
        %get3A_612 = tpu.memref_slice %arg9[%get3A, %get3A_611] : memref<3x64xi32, #tpu.memory_space<vmem>> -> memref<1x64xi32, #tpu.memory_space<vmem>>
        %get3A_613 = tpu.memref_squeeze %get3A_612 : memref<1x64xi32, #tpu.memory_space<vmem>> -> memref<64xi32, #tpu.memory_space<vmem>>
        %get3A_614 = arith.index_cast %add3A_610 : i32 to index
        %get3A_615 = tpu.vector_load %get3A_613[%get3A_614] {strides = array<i32>} : memref<64xi32, #tpu.memory_space<vmem>>, vector<16xi32>,
        %bitcast3A = vector.bitcast %get3A_615 : vector<16xi32> to vector<16xf32>
        %scan3A_616 = arith.constant 0 : i32
        %scan3A_617 = arith.constant 16 : i32
        %scan3A_618 = arith.addi %scan3A_616, %scan3A_617 : i32
        %scan3A_619 = arith.constant 1 : i32
        scf.for %scan3A_621 = %scan3A_616 to %scan3A_618 step %scan3A_619  : i32 {
          %mul3A_622 = arith.constant 1 : i32
          %mul3A_623 = arith.muli %scan3A_621, %mul3A_622 : i32
          %add3A_624 = arith.constant 0 : i32
          %add3A_625 = arith.addi %add3A_624, %mul3A_623 : i32
          %broadcast_in_dim3A = vector.broadcast %add3A_625 : i32 to vector<16x1xi32>
          %gather3A = vector.shape_cast %broadcast_in_dim3A : vector<16x1xi32> to vector<16xi32>
          %gather3A_626 = tpu.dynamic_gather %bitcast3A[%gather3A] in [0] : vector<16xf32>, vector<16xi32> -> vector<16xf32>
          %add3A_627 = arith.addi %add3A_610, %add3A_625 : i32
          %get3A_628 = arith.index_cast %add3A_627 : i32 to index
          %get3A_629 = arith.constant 0 : index
          %get3A_630 = tpu.vector_load %arg17[%get3A_628, %get3A_629] {strides = array<i32>} : memref<64x128xf32, #tpu.memory_space<vmem>>, vector<16xf32>,
          %mul3A_631 = arith.mulf %get3A_630, %gather3A_626 : vector<16xf32>
          %swap3A = arith.index_cast %add3A_627 : i32 to index
          %swap3A_632 = arith.constant 0 : index
          %swap3A_633 = tpu.vector_load %arg17[%swap3A, %swap3A_632] {strides = array<i32>} : memref<64x128xf32, #tpu.memory_space<vmem>>, vector<16xf32>,
          tpu.vector_store %arg17[%swap3A, %swap3A_632], %mul3A_631 {strides = array<i32>} : memref<64x128xf32, #tpu.memory_space<vmem>>, vector<16xf32>,
          %get3A_634 = arith.index_cast %add3A_627 : i32 to index
          %get3A_635 = arith.constant 16 : index
          %get3A_636 = tpu.vector_load %arg17[%get3A_634, %get3A_635] {strides = array<i32>} : memref<64x128xf32, #tpu.memory_space<vmem>>, vector<16xf32>,
          %mul3A_637 = arith.mulf %get3A_636, %gather3A_626 : vector<16xf32>
          %swap3A_638 = arith.index_cast %add3A_627 : i32 to index
          %swap3A_639 = arith.constant 16 : index
          %swap3A_640 = tpu.vector_load %arg17[%swap3A_638, %swap3A_639] {strides = array<i32>} : memref<64x128xf32, #tpu.memory_space<vmem>>, vector<16xf32>,
          tpu.vector_store %arg17[%swap3A_638, %swap3A_639], %mul3A_637 {strides = array<i32>} : memref<64x128xf32, #tpu.memory_space<vmem>>, vector<16xf32>,
          %get3A_641 = arith.index_cast %add3A_627 : i32 to index
          %get3A_642 = arith.constant 32 : index
          %get3A_643 = tpu.vector_load %arg17[%get3A_641, %get3A_642] {strides = array<i32>} : memref<64x128xf32, #tpu.memory_space<vmem>>, vector<16xf32>,
          %mul3A_644 = arith.mulf %get3A_643, %gather3A_626 : vector<16xf32>
          %swap3A_645 = arith.index_cast %add3A_627 : i32 to index
          %swap3A_646 = arith.constant 32 : index
          %swap3A_647 = tpu.vector_load %arg17[%swap3A_645, %swap3A_646] {strides = array<i32>} : memref<64x128xf32, #tpu.memory_space<vmem>>, vector<16xf32>,
          tpu.vector_store %arg17[%swap3A_645, %swap3A_646], %mul3A_644 {strides = array<i32>} : memref<64x128xf32, #tpu.memory_space<vmem>>, vector<16xf32>,
          %get3A_648 = arith.index_cast %add3A_627 : i32 to index
          %get3A_649 = arith.constant 48 : index
          %get3A_650 = tpu.vector_load %arg17[%get3A_648, %get3A_649] {strides = array<i32>} : memref<64x128xf32, #tpu.memory_space<vmem>>, vector<16xf32>,
          %mul3A_651 = arith.mulf %get3A_650, %gather3A_626 : vector<16xf32>
          %swap3A_652 = arith.index_cast %add3A_627 : i32 to index
          %swap3A_653 = arith.constant 48 : index
          %swap3A_654 = tpu.vector_load %arg17[%swap3A_652, %swap3A_653] {strides = array<i32>} : memref<64x128xf32, #tpu.memory_space<vmem>>, vector<16xf32>,
          tpu.vector_store %arg17[%swap3A_652, %swap3A_653], %mul3A_651 {strides = array<i32>} : memref<64x128xf32, #tpu.memory_space<vmem>>, vector<16xf32>,
          %get3A_655 = arith.index_cast %add3A_627 : i32 to index
          %get3A_656 = arith.constant 64 : index
          %get3A_657 = tpu.vector_load %arg17[%get3A_655, %get3A_656] {strides = array<i32>} : memref<64x128xf32, #tpu.memory_space<vmem>>, vector<16xf32>,
          %mul3A_658 = arith.mulf %get3A_657, %gather3A_626 : vector<16xf32>
          %swap3A_659 = arith.index_cast %add3A_627 : i32 to index
          %swap3A_660 = arith.constant 64 : index
          %swap3A_661 = tpu.vector_load %arg17[%swap3A_659, %swap3A_660] {strides = array<i32>} : memref<64x128xf32, #tpu.memory_space<vmem>>, vector<16xf32>,
          tpu.vector_store %arg17[%swap3A_659, %swap3A_660], %mul3A_658 {strides = array<i32>} : memref<64x128xf32, #tpu.memory_space<vmem>>, vector<16xf32>,
          %get3A_662 = arith.index_cast %add3A_627 : i32 to index
          %get3A_663 = arith.constant 80 : index
          %get3A_664 = tpu.vector_load %arg17[%get3A_662, %get3A_663] {strides = array<i32>} : memref<64x128xf32, #tpu.memory_space<vmem>>, vector<16xf32>,
          %mul3A_665 = arith.mulf %get3A_664, %gather3A_626 : vector<16xf32>
          %swap3A_666 = arith.index_cast %add3A_627 : i32 to index
          %swap3A_667 = arith.constant 80 : index
          %swap3A_668 = tpu.vector_load %arg17[%swap3A_666, %swap3A_667] {strides = array<i32>} : memref<64x128xf32, #tpu.memory_space<vmem>>, vector<16xf32>,
          tpu.vector_store %arg17[%swap3A_666, %swap3A_667], %mul3A_665 {strides = array<i32>} : memref<64x128xf32, #tpu.memory_space<vmem>>, vector<16xf32>,
          %get3A_669 = arith.index_cast %add3A_627 : i32 to index
          %get3A_670 = arith.constant 96 : index
          %get3A_671 = tpu.vector_load %arg17[%get3A_669, %get3A_670] {strides = array<i32>} : memref<64x128xf32, #tpu.memory_space<vmem>>, vector<16xf32>,
          %mul3A_672 = arith.mulf %get3A_671, %gather3A_626 : vector<16xf32>
          %swap3A_673 = arith.index_cast %add3A_627 : i32 to index
          %swap3A_674 = arith.constant 96 : index
          %swap3A_675 = tpu.vector_load %arg17[%swap3A_673, %swap3A_674] {strides = array<i32>} : memref<64x128xf32, #tpu.memory_space<vmem>>, vector<16xf32>,
          tpu.vector_store %arg17[%swap3A_673, %swap3A_674], %mul3A_672 {strides = array<i32>} : memref<64x128xf32, #tpu.memory_space<vmem>>, vector<16xf32>,
          %get3A_676 = arith.index_cast %add3A_627 : i32 to index
          %get3A_677 = arith.constant 112 : index
          %get3A_678 = tpu.vector_load %arg17[%get3A_676, %get3A_677] {strides = array<i32>} : memref<64x128xf32, #tpu.memory_space<vmem>>, vector<16xf32>,
          %mul3A_679 = arith.mulf %get3A_678, %gather3A_626 : vector<16xf32>
          %swap3A_680 = arith.index_cast %add3A_627 : i32 to index
          %swap3A_681 = arith.constant 112 : index
          %swap3A_682 = tpu.vector_load %arg17[%swap3A_680, %swap3A_681] {strides = array<i32>} : memref<64x128xf32, #tpu.memory_space<vmem>>, vector<16xf32>,
          tpu.vector_store %arg17[%swap3A_680, %swap3A_681], %mul3A_679 {strides = array<i32>} : memref<64x128xf32, #tpu.memory_space<vmem>>, vector<16xf32>,
        }
        %scan3A_620 = arith.constant 16 : i32
      }
      %scan3A_356 = arith.constant 4 : i32
      %dma_start3A_357 = arith.constant 0 : i32
      %dma_start3A_358 = arith.constant 0 : i32
      %dma_start3A_359 = tpu.memref_slice %arg9[%dma_start3A_357, %dma_start3A_358] : memref<3x64xi32, #tpu.memory_space<vmem>> -> memref<1x64xi32, #tpu.memory_space<vmem>>
      %dma_start3A_360 = tpu.memref_squeeze %dma_start3A_359 : memref<1x64xi32, #tpu.memory_space<vmem>> -> memref<64xi32, #tpu.memory_space<vmem>>
      %dma_start3A_361 = arith.constant 0 : i32
      %dma_start3A_362 = arith.constant 0 : i32
      %dma_start3A_363 = tpu.memref_slice %arg6[%dma_start3A_361, %dma_start3A_362] : memref<10240x128xf32, #tpu.memory_space<vmem_shared>> -> memref<10240x128xf32, #tpu.memory_space<vmem_shared>>
      tpu.enqueue_indirect_dma source(%arg17 : memref<64x128xf32, #tpu.memory_space<vmem>>) target(%dma_start3A_363 : memref<10240x128xf32, #tpu.memory_space<vmem_shared>>) offsets(%dma_start3A_360 : memref<64xi32, #tpu.memory_space<vmem>>) semaphore(%arg37 : memref<!tpu.dma_semaphore, #tpu.memory_space<semaphore_mem>>) {add = true}
      %ge3A_364 = arith.constant 1 : i32
      %ge3A_365 = arith.cmpi sge, %add3A_331, %ge3A_364 : i32
      %add3A_366 = arith.constant 4 : i32
      %add3A_367 = arith.addi %add3A_331, %add3A_366 : i32
      %sub3A_368 = arith.constant 1 : i32
      %sub3A_369 = arith.subi %add3A_367, %sub3A_368 : i32
      %lt3A_370 = arith.constant 160 : i32
      %lt3A_371 = arith.cmpi slt, %sub3A_369, %lt3A_370 : i32
      %and3A_372 = arith.andi %ge3A_365, %lt3A_371 : i1
      %convert_element_type3A_373 = arith.extui %and3A_372 : i1 to i32
      %cond3A_374 = arith.constant 0 : i32
      %cond3A_375 = arith.cmpi ne, %convert_element_type3A_373, %cond3A_374 : i32
      scf.if %cond3A_375 {
        %dma_wait3A_606 = arith.constant 0 : i32
        %dma_wait3A_607 = arith.constant 0 : i32
        %dma_wait3A_608 = tpu.memref_slice %arg8[%dma_wait3A_606, %dma_wait3A_607] : memref<3x64xi32, #tpu.memory_space<vmem>> -> memref<1x64xi32, #tpu.memory_space<vmem>>
        %dma_wait3A_609 = tpu.memref_squeeze %dma_wait3A_608 : memref<1x64xi32, #tpu.memory_space<vmem>> -> memref<64xi32, #tpu.memory_space<vmem>>
        %dma_wait3A_610 = arith.constant 0 : i32
        %dma_wait3A_611 = arith.constant 0 : i32
        %dma_wait3A_612 = tpu.memref_slice %arg6[%dma_wait3A_610, %dma_wait3A_611] : memref<10240x128xf32, #tpu.memory_space<vmem_shared>> -> memref<10240x128xf32, #tpu.memory_space<vmem_shared>>
        tpu.wait_indirect_dma semaphore(%arg36 : memref<!tpu.dma_semaphore, #tpu.memory_space<semaphore_mem>>) src(%arg16 : memref<64x128xf32, #tpu.memory_space<vmem>>) dst(%dma_wait3A_612 : memref<10240x128xf32, #tpu.memory_space<vmem_shared>>)
        %sub3A_613 = arith.constant 1 : i32
        %sub3A_614 = arith.subi %add3A_331, %sub3A_613 : i32
        %add3A_615 = arith.constant 8 : i32
        %add3A_616 = arith.addi %sub3A_614, %add3A_615 : i32
        %lt3A_617 = arith.constant 160 : i32
        %lt3A_618 = arith.cmpi slt, %add3A_616, %lt3A_617 : i32
        %convert_element_type3A_619 = arith.extui %lt3A_618 : i1 to i32
        %cond3A_620 = arith.constant 0 : i32
        %cond3A_621 = arith.cmpi ne, %convert_element_type3A_619, %cond3A_620 : i32
        scf.if %cond3A_621 {
          %sub3A_655 = arith.constant 1 : i32
          %sub3A_656 = arith.subi %add3A_331, %sub3A_655 : i32
          %add3A_657 = arith.constant 8 : i32
          %add3A_658 = arith.addi %sub3A_656, %add3A_657 : i32
          %add3A_659 = arith.addi %mul3A_4, %add3A_658 : i32
          %dma_start3A_660 = arith.constant 0 : i32
          %dma_start3A_661 = arith.constant 0 : i32
          %dma_start3A_662 = tpu.memref_slice %arg3[%dma_start3A_660, %add3A_659, %dma_start3A_661] : memref<3x5120x64xi32, #tpu.memory_space<hbm>> -> memref<3x1x64xi32, #tpu.memory_space<hbm>>
          %dma_start3A_663 = tpu.memref_squeeze %dma_start3A_662 : memref<3x1x64xi32, #tpu.memory_space<hbm>> -> memref<3x64xi32, #tpu.memory_space<hbm>>
          %dma_start3A_664 = arith.constant 0 : i32
          %dma_start3A_665 = arith.constant 0 : i32
          %dma_start3A_666 = tpu.memref_slice %arg3[%dma_start3A_664, %add3A_659, %dma_start3A_665] : memref<3x5120x64xi32, #tpu.memory_space<hbm>> -> memref<3x1x64xi32, #tpu.memory_space<hbm>>
          %dma_start3A_667 = tpu.memref_squeeze %dma_start3A_666 : memref<3x1x64xi32, #tpu.memory_space<hbm>> -> memref<3x64xi32, #tpu.memory_space<hbm>>
          tpu.enqueue_dma source(%dma_start3A_667 : memref<3x64xi32, #tpu.memory_space<hbm>>) target(%arg8 : memref<3x64xi32, #tpu.memory_space<vmem>>) target_semaphore(%arg20 : memref<!tpu.dma_semaphore, #tpu.memory_space<semaphore_mem>>)
        } else {
        }
        %add3A_622 = arith.constant 4 : i32
        %add3A_623 = arith.addi %add3A_331, %add3A_622 : i32
        %sub3A_624 = arith.constant 1 : i32
        %sub3A_625 = arith.subi %add3A_623, %sub3A_624 : i32
        %add3A_626 = arith.addi %mul3A_4, %sub3A_625 : i32
        %dma_wait3A_627 = arith.constant 0 : i32
        %dma_wait3A_628 = arith.constant 0 : i32
        %dma_wait3A_629 = tpu.memref_slice %arg3[%dma_wait3A_627, %add3A_626, %dma_wait3A_628] : memref<3x5120x64xi32, #tpu.memory_space<hbm>> -> memref<3x1x64xi32, #tpu.memory_space<hbm>>
        %dma_wait3A_630 = tpu.memref_squeeze %dma_wait3A_629 : memref<3x1x64xi32, #tpu.memory_space<hbm>> -> memref<3x64xi32, #tpu.memory_space<hbm>>
        %dma_wait3A_631 = arith.constant 0 : i32
        %dma_wait3A_632 = arith.constant 0 : i32
        %dma_wait3A_633 = tpu.memref_slice %arg3[%dma_wait3A_631, %add3A_626, %dma_wait3A_632] : memref<3x5120x64xi32, #tpu.memory_space<hbm>> -> memref<3x1x64xi32, #tpu.memory_space<hbm>>
        %dma_wait3A_634 = tpu.memref_squeeze %dma_wait3A_633 : memref<3x1x64xi32, #tpu.memory_space<hbm>> -> memref<3x64xi32, #tpu.memory_space<hbm>>
        tpu.wait_dma2 semaphore(%arg24 : memref<!tpu.dma_semaphore, #tpu.memory_space<semaphore_mem>>) src(%dma_wait3A_634 : memref<3x64xi32, #tpu.memory_space<hbm>>) dst(%arg12 : memref<3x64xi32, #tpu.memory_space<vmem>>)
        %dma_start3A_635 = arith.constant 1 : i32
        %dma_start3A_636 = arith.constant 0 : i32
        %dma_start3A_637 = arith.constant 0 : i32
        %dma_start3A_638 = tpu.memref_slice %arg16[%dma_start3A_636, %dma_start3A_637] : memref<64x128xf32, #tpu.memory_space<vmem>> -> memref<32x128xf32, #tpu.memory_space<vmem>>
        %dma_start3A_639 = arith.constant 0 : i32
        %dma_start3A_640 = tpu.memref_slice %arg12[%dma_start3A_635, %dma_start3A_639] : memref<3x64xi32, #tpu.memory_space<vmem>> -> memref<1x32xi32, #tpu.memory_space<vmem>>
        %dma_start3A_641 = tpu.memref_squeeze %dma_start3A_640 : memref<1x32xi32, #tpu.memory_space<vmem>> -> memref<32xi32, #tpu.memory_space<vmem>>
        %dma_start3A_642 = arith.constant 0 : i32
        %dma_start3A_643 = arith.constant 0 : i32
        %dma_start3A_644 = tpu.memref_slice %arg2[%dma_start3A_642, %dma_start3A_643] : memref<10000x128xf32, #tpu.memory_space<hbm>> -> memref<10000x128xf32, #tpu.memory_space<hbm>>
        tpu.enqueue_indirect_dma source(%dma_start3A_644 : memref<10000x128xf32, #tpu.memory_space<hbm>>) target(%dma_start3A_638 : memref<32x128xf32, #tpu.memory_space<vmem>>) offsets(%dma_start3A_641 : memref<32xi32, #tpu.memory_space<vmem>>) semaphore(%arg29 : memref<!tpu.dma_semaphore, #tpu.memory_space<semaphore_mem>>)
        %dma_start3A_645 = arith.constant 1 : i32
        %dma_start3A_646 = arith.constant 32 : i32
        %dma_start3A_647 = arith.constant 0 : i32
        %dma_start3A_648 = tpu.memref_slice %arg16[%dma_start3A_646, %dma_start3A_647] : memref<64x128xf32, #tpu.memory_space<vmem>> -> memref<32x128xf32, #tpu.memory_space<vmem>>
        %dma_start3A_649 = arith.constant 32 : i32
        %dma_start3A_650 = tpu.memref_slice %arg12[%dma_start3A_645, %dma_start3A_649] : memref<3x64xi32, #tpu.memory_space<vmem>> -> memref<1x32xi32, #tpu.memory_space<vmem>>
        %dma_start3A_651 = tpu.memref_squeeze %dma_start3A_650 : memref<1x32xi32, #tpu.memory_space<vmem>> -> memref<32xi32, #tpu.memory_space<vmem>>
        %dma_start3A_652 = arith.constant 0 : i32
        %dma_start3A_653 = arith.constant 0 : i32
        %dma_start3A_654 = tpu.memref_slice %arg2[%dma_start3A_652, %dma_start3A_653] : memref<10000x128xf32, #tpu.memory_space<hbm>> -> memref<10000x128xf32, #tpu.memory_space<hbm>>
        tpu.enqueue_indirect_dma source(%dma_start3A_654 : memref<10000x128xf32, #tpu.memory_space<hbm>>) target(%dma_start3A_648 : memref<32x128xf32, #tpu.memory_space<vmem>>) offsets(%dma_start3A_651 : memref<32xi32, #tpu.memory_space<vmem>>) semaphore(%arg30 : memref<!tpu.dma_semaphore, #tpu.memory_space<semaphore_mem>>)
      } else {
      }
      %add3A_376 = arith.constant 3 : i32
      %add3A_377 = arith.addi %add3A_243, %add3A_376 : i32
      %dma_wait3A_378 = arith.constant 1 : i32
      %dma_wait3A_379 = arith.constant 0 : i32
      %dma_wait3A_380 = arith.constant 0 : i32
      %dma_wait3A_381 = tpu.memref_slice %arg18[%dma_wait3A_379, %dma_wait3A_380] : memref<64x128xf32, #tpu.memory_space<vmem>> -> memref<32x128xf32, #tpu.memory_space<vmem>>
      %dma_wait3A_382 = arith.constant 0 : i32
      %dma_wait3A_383 = tpu.memref_slice %arg10[%dma_wait3A_378, %dma_wait3A_382] : memref<3x64xi32, #tpu.memory_space<vmem>> -> memref<1x32xi32, #tpu.memory_space<vmem>>
      %dma_wait3A_384 = tpu.memref_squeeze %dma_wait3A_383 : memref<1x32xi32, #tpu.memory_space<vmem>> -> memref<32xi32, #tpu.memory_space<vmem>>
      %dma_wait3A_385 = arith.constant 0 : i32
      %dma_wait3A_386 = arith.constant 0 : i32
      %dma_wait3A_387 = tpu.memref_slice %arg2[%dma_wait3A_385, %dma_wait3A_386] : memref<10000x128xf32, #tpu.memory_space<hbm>> -> memref<10000x128xf32, #tpu.memory_space<hbm>>
      tpu.wait_indirect_dma semaphore(%arg33 : memref<!tpu.dma_semaphore, #tpu.memory_space<semaphore_mem>>) src(%dma_wait3A_387 : memref<10000x128xf32, #tpu.memory_space<hbm>>) dst(%dma_wait3A_381 : memref<32x128xf32, #tpu.memory_space<vmem>>)
      %dma_wait3A_388 = arith.constant 1 : i32
      %dma_wait3A_389 = arith.constant 32 : i32
      %dma_wait3A_390 = arith.constant 0 : i32
      %dma_wait3A_391 = tpu.memref_slice %arg18[%dma_wait3A_389, %dma_wait3A_390] : memref<64x128xf32, #tpu.memory_space<vmem>> -> memref<32x128xf32, #tpu.memory_space<vmem>>
      %dma_wait3A_392 = arith.constant 32 : i32
      %dma_wait3A_393 = tpu.memref_slice %arg10[%dma_wait3A_388, %dma_wait3A_392] : memref<3x64xi32, #tpu.memory_space<vmem>> -> memref<1x32xi32, #tpu.memory_space<vmem>>
      %dma_wait3A_394 = tpu.memref_squeeze %dma_wait3A_393 : memref<1x32xi32, #tpu.memory_space<vmem>> -> memref<32xi32, #tpu.memory_space<vmem>>
      %dma_wait3A_395 = arith.constant 0 : i32
      %dma_wait3A_396 = arith.constant 0 : i32
      %dma_wait3A_397 = tpu.memref_slice %arg2[%dma_wait3A_395, %dma_wait3A_396] : memref<10000x128xf32, #tpu.memory_space<hbm>> -> memref<10000x128xf32, #tpu.memory_space<hbm>>
      tpu.wait_indirect_dma semaphore(%arg34 : memref<!tpu.dma_semaphore, #tpu.memory_space<semaphore_mem>>) src(%dma_wait3A_397 : memref<10000x128xf32, #tpu.memory_space<hbm>>) dst(%dma_wait3A_391 : memref<32x128xf32, #tpu.memory_space<vmem>>)
      %scan3A_398 = arith.constant 0 : i32
      %scan3A_399 = arith.constant 4 : i32
      %scan3A_400 = arith.addi %scan3A_398, %scan3A_399 : i32
      %scan3A_401 = arith.constant 1 : i32
      scf.for %scan3A_606 = %scan3A_398 to %scan3A_400 step %scan3A_401  : i32 {
        %mul3A_607 = arith.constant 16 : i32
        %mul3A_608 = arith.muli %scan3A_606, %mul3A_607 : i32
        %add3A_609 = arith.constant 0 : i32
        %add3A_610 = arith.addi %add3A_609, %mul3A_608 : i32
        %get3A = arith.constant 2 : i32
        %get3A_611 = arith.constant 0 : i32
        %get3A_612 = tpu.memref_slice %arg10[%get3A, %get3A_611] : memref<3x64xi32, #tpu.memory_space<vmem>> -> memref<1x64xi32, #tpu.memory_space<vmem>>
        %get3A_613 = tpu.memref_squeeze %get3A_612 : memref<1x64xi32, #tpu.memory_space<vmem>> -> memref<64xi32, #tpu.memory_space<vmem>>
        %get3A_614 = arith.index_cast %add3A_610 : i32 to index
        %get3A_615 = tpu.vector_load %get3A_613[%get3A_614] {strides = array<i32>} : memref<64xi32, #tpu.memory_space<vmem>>, vector<16xi32>,
        %bitcast3A = vector.bitcast %get3A_615 : vector<16xi32> to vector<16xf32>
        %scan3A_616 = arith.constant 0 : i32
        %scan3A_617 = arith.constant 16 : i32
        %scan3A_618 = arith.addi %scan3A_616, %scan3A_617 : i32
        %scan3A_619 = arith.constant 1 : i32
        scf.for %scan3A_621 = %scan3A_616 to %scan3A_618 step %scan3A_619  : i32 {
          %mul3A_622 = arith.constant 1 : i32
          %mul3A_623 = arith.muli %scan3A_621, %mul3A_622 : i32
          %add3A_624 = arith.constant 0 : i32
          %add3A_625 = arith.addi %add3A_624, %mul3A_623 : i32
          %broadcast_in_dim3A = vector.broadcast %add3A_625 : i32 to vector<16x1xi32>
          %gather3A = vector.shape_cast %broadcast_in_dim3A : vector<16x1xi32> to vector<16xi32>
          %gather3A_626 = tpu.dynamic_gather %bitcast3A[%gather3A] in [0] : vector<16xf32>, vector<16xi32> -> vector<16xf32>
          %add3A_627 = arith.addi %add3A_610, %add3A_625 : i32
          %get3A_628 = arith.index_cast %add3A_627 : i32 to index
          %get3A_629 = arith.constant 0 : index
          %get3A_630 = tpu.vector_load %arg18[%get3A_628, %get3A_629] {strides = array<i32>} : memref<64x128xf32, #tpu.memory_space<vmem>>, vector<16xf32>,
          %mul3A_631 = arith.mulf %get3A_630, %gather3A_626 : vector<16xf32>
          %swap3A = arith.index_cast %add3A_627 : i32 to index
          %swap3A_632 = arith.constant 0 : index
          %swap3A_633 = tpu.vector_load %arg18[%swap3A, %swap3A_632] {strides = array<i32>} : memref<64x128xf32, #tpu.memory_space<vmem>>, vector<16xf32>,
          tpu.vector_store %arg18[%swap3A, %swap3A_632], %mul3A_631 {strides = array<i32>} : memref<64x128xf32, #tpu.memory_space<vmem>>, vector<16xf32>,
          %get3A_634 = arith.index_cast %add3A_627 : i32 to index
          %get3A_635 = arith.constant 16 : index
          %get3A_636 = tpu.vector_load %arg18[%get3A_634, %get3A_635] {strides = array<i32>} : memref<64x128xf32, #tpu.memory_space<vmem>>, vector<16xf32>,
          %mul3A_637 = arith.mulf %get3A_636, %gather3A_626 : vector<16xf32>
          %swap3A_638 = arith.index_cast %add3A_627 : i32 to index
          %swap3A_639 = arith.constant 16 : index
          %swap3A_640 = tpu.vector_load %arg18[%swap3A_638, %swap3A_639] {strides = array<i32>} : memref<64x128xf32, #tpu.memory_space<vmem>>, vector<16xf32>,
          tpu.vector_store %arg18[%swap3A_638, %swap3A_639], %mul3A_637 {strides = array<i32>} : memref<64x128xf32, #tpu.memory_space<vmem>>, vector<16xf32>,
          %get3A_641 = arith.index_cast %add3A_627 : i32 to index
          %get3A_642 = arith.constant 32 : index
          %get3A_643 = tpu.vector_load %arg18[%get3A_641, %get3A_642] {strides = array<i32>} : memref<64x128xf32, #tpu.memory_space<vmem>>, vector<16xf32>,
          %mul3A_644 = arith.mulf %get3A_643, %gather3A_626 : vector<16xf32>
          %swap3A_645 = arith.index_cast %add3A_627 : i32 to index
          %swap3A_646 = arith.constant 32 : index
          %swap3A_647 = tpu.vector_load %arg18[%swap3A_645, %swap3A_646] {strides = array<i32>} : memref<64x128xf32, #tpu.memory_space<vmem>>, vector<16xf32>,
          tpu.vector_store %arg18[%swap3A_645, %swap3A_646], %mul3A_644 {strides = array<i32>} : memref<64x128xf32, #tpu.memory_space<vmem>>, vector<16xf32>,
          %get3A_648 = arith.index_cast %add3A_627 : i32 to index
          %get3A_649 = arith.constant 48 : index
          %get3A_650 = tpu.vector_load %arg18[%get3A_648, %get3A_649] {strides = array<i32>} : memref<64x128xf32, #tpu.memory_space<vmem>>, vector<16xf32>,
          %mul3A_651 = arith.mulf %get3A_650, %gather3A_626 : vector<16xf32>
          %swap3A_652 = arith.index_cast %add3A_627 : i32 to index
          %swap3A_653 = arith.constant 48 : index
          %swap3A_654 = tpu.vector_load %arg18[%swap3A_652, %swap3A_653] {strides = array<i32>} : memref<64x128xf32, #tpu.memory_space<vmem>>, vector<16xf32>,
          tpu.vector_store %arg18[%swap3A_652, %swap3A_653], %mul3A_651 {strides = array<i32>} : memref<64x128xf32, #tpu.memory_space<vmem>>, vector<16xf32>,
          %get3A_655 = arith.index_cast %add3A_627 : i32 to index
          %get3A_656 = arith.constant 64 : index
          %get3A_657 = tpu.vector_load %arg18[%get3A_655, %get3A_656] {strides = array<i32>} : memref<64x128xf32, #tpu.memory_space<vmem>>, vector<16xf32>,
          %mul3A_658 = arith.mulf %get3A_657, %gather3A_626 : vector<16xf32>
          %swap3A_659 = arith.index_cast %add3A_627 : i32 to index
          %swap3A_660 = arith.constant 64 : index
          %swap3A_661 = tpu.vector_load %arg18[%swap3A_659, %swap3A_660] {strides = array<i32>} : memref<64x128xf32, #tpu.memory_space<vmem>>, vector<16xf32>,
          tpu.vector_store %arg18[%swap3A_659, %swap3A_660], %mul3A_658 {strides = array<i32>} : memref<64x128xf32, #tpu.memory_space<vmem>>, vector<16xf32>,
          %get3A_662 = arith.index_cast %add3A_627 : i32 to index
          %get3A_663 = arith.constant 80 : index
          %get3A_664 = tpu.vector_load %arg18[%get3A_662, %get3A_663] {strides = array<i32>} : memref<64x128xf32, #tpu.memory_space<vmem>>, vector<16xf32>,
          %mul3A_665 = arith.mulf %get3A_664, %gather3A_626 : vector<16xf32>
          %swap3A_666 = arith.index_cast %add3A_627 : i32 to index
          %swap3A_667 = arith.constant 80 : index
          %swap3A_668 = tpu.vector_load %arg18[%swap3A_666, %swap3A_667] {strides = array<i32>} : memref<64x128xf32, #tpu.memory_space<vmem>>, vector<16xf32>,
          tpu.vector_store %arg18[%swap3A_666, %swap3A_667], %mul3A_665 {strides = array<i32>} : memref<64x128xf32, #tpu.memory_space<vmem>>, vector<16xf32>,
          %get3A_669 = arith.index_cast %add3A_627 : i32 to index
          %get3A_670 = arith.constant 96 : index
          %get3A_671 = tpu.vector_load %arg18[%get3A_669, %get3A_670] {strides = array<i32>} : memref<64x128xf32, #tpu.memory_space<vmem>>, vector<16xf32>,
          %mul3A_672 = arith.mulf %get3A_671, %gather3A_626 : vector<16xf32>
          %swap3A_673 = arith.index_cast %add3A_627 : i32 to index
          %swap3A_674 = arith.constant 96 : index
          %swap3A_675 = tpu.vector_load %arg18[%swap3A_673, %swap3A_674] {strides = array<i32>} : memref<64x128xf32, #tpu.memory_space<vmem>>, vector<16xf32>,
          tpu.vector_store %arg18[%swap3A_673, %swap3A_674], %mul3A_672 {strides = array<i32>} : memref<64x128xf32, #tpu.memory_space<vmem>>, vector<16xf32>,
          %get3A_676 = arith.index_cast %add3A_627 : i32 to index
          %get3A_677 = arith.constant 112 : index
          %get3A_678 = tpu.vector_load %arg18[%get3A_676, %get3A_677] {strides = array<i32>} : memref<64x128xf32, #tpu.memory_space<vmem>>, vector<16xf32>,
          %mul3A_679 = arith.mulf %get3A_678, %gather3A_626 : vector<16xf32>
          %swap3A_680 = arith.index_cast %add3A_627 : i32 to index
          %swap3A_681 = arith.constant 112 : index
          %swap3A_682 = tpu.vector_load %arg18[%swap3A_680, %swap3A_681] {strides = array<i32>} : memref<64x128xf32, #tpu.memory_space<vmem>>, vector<16xf32>,
          tpu.vector_store %arg18[%swap3A_680, %swap3A_681], %mul3A_679 {strides = array<i32>} : memref<64x128xf32, #tpu.memory_space<vmem>>, vector<16xf32>,
        }
        %scan3A_620 = arith.constant 16 : i32
      }
      %scan3A_402 = arith.constant 4 : i32
      %dma_start3A_403 = arith.constant 0 : i32
      %dma_start3A_404 = arith.constant 0 : i32
      %dma_start3A_405 = tpu.memref_slice %arg10[%dma_start3A_403, %dma_start3A_404] : memref<3x64xi32, #tpu.memory_space<vmem>> -> memref<1x64xi32, #tpu.memory_space<vmem>>
      %dma_start3A_406 = tpu.memref_squeeze %dma_start3A_405 : memref<1x64xi32, #tpu.memory_space<vmem>> -> memref<64xi32, #tpu.memory_space<vmem>>
      %dma_start3A_407 = arith.constant 0 : i32
      %dma_start3A_408 = arith.constant 0 : i32
      %dma_start3A_409 = tpu.memref_slice %arg6[%dma_start3A_407, %dma_start3A_408] : memref<10240x128xf32, #tpu.memory_space<vmem_shared>> -> memref<10240x128xf32, #tpu.memory_space<vmem_shared>>
      tpu.enqueue_indirect_dma source(%arg18 : memref<64x128xf32, #tpu.memory_space<vmem>>) target(%dma_start3A_409 : memref<10240x128xf32, #tpu.memory_space<vmem_shared>>) offsets(%dma_start3A_406 : memref<64xi32, #tpu.memory_space<vmem>>) semaphore(%arg38 : memref<!tpu.dma_semaphore, #tpu.memory_space<semaphore_mem>>) {add = true}
      %ge3A_410 = arith.constant 1 : i32
      %ge3A_411 = arith.cmpi sge, %add3A_377, %ge3A_410 : i32
      %add3A_412 = arith.constant 4 : i32
      %add3A_413 = arith.addi %add3A_377, %add3A_412 : i32
      %sub3A_414 = arith.constant 1 : i32
      %sub3A_415 = arith.subi %add3A_413, %sub3A_414 : i32
      %lt3A_416 = arith.constant 160 : i32
      %lt3A_417 = arith.cmpi slt, %sub3A_415, %lt3A_416 : i32
      %and3A_418 = arith.andi %ge3A_411, %lt3A_417 : i1
      %convert_element_type3A_419 = arith.extui %and3A_418 : i1 to i32
      %cond3A_420 = arith.constant 0 : i32
      %cond3A_421 = arith.cmpi ne, %convert_element_type3A_419, %cond3A_420 : i32
      scf.if %cond3A_421 {
        %dma_wait3A_606 = arith.constant 0 : i32
        %dma_wait3A_607 = arith.constant 0 : i32
        %dma_wait3A_608 = tpu.memref_slice %arg9[%dma_wait3A_606, %dma_wait3A_607] : memref<3x64xi32, #tpu.memory_space<vmem>> -> memref<1x64xi32, #tpu.memory_space<vmem>>
        %dma_wait3A_609 = tpu.memref_squeeze %dma_wait3A_608 : memref<1x64xi32, #tpu.memory_space<vmem>> -> memref<64xi32, #tpu.memory_space<vmem>>
        %dma_wait3A_610 = arith.constant 0 : i32
        %dma_wait3A_611 = arith.constant 0 : i32
        %dma_wait3A_612 = tpu.memref_slice %arg6[%dma_wait3A_610, %dma_wait3A_611] : memref<10240x128xf32, #tpu.memory_space<vmem_shared>> -> memref<10240x128xf32, #tpu.memory_space<vmem_shared>>
        tpu.wait_indirect_dma semaphore(%arg37 : memref<!tpu.dma_semaphore, #tpu.memory_space<semaphore_mem>>) src(%arg17 : memref<64x128xf32, #tpu.memory_space<vmem>>) dst(%dma_wait3A_612 : memref<10240x128xf32, #tpu.memory_space<vmem_shared>>)
        %sub3A_613 = arith.constant 1 : i32
        %sub3A_614 = arith.subi %add3A_377, %sub3A_613 : i32
        %add3A_615 = arith.constant 8 : i32
        %add3A_616 = arith.addi %sub3A_614, %add3A_615 : i32
        %lt3A_617 = arith.constant 160 : i32
        %lt3A_618 = arith.cmpi slt, %add3A_616, %lt3A_617 : i32
        %convert_element_type3A_619 = arith.extui %lt3A_618 : i1 to i32
        %cond3A_620 = arith.constant 0 : i32
        %cond3A_621 = arith.cmpi ne, %convert_element_type3A_619, %cond3A_620 : i32
        scf.if %cond3A_621 {
          %sub3A_655 = arith.constant 1 : i32
          %sub3A_656 = arith.subi %add3A_377, %sub3A_655 : i32
          %add3A_657 = arith.constant 8 : i32
          %add3A_658 = arith.addi %sub3A_656, %add3A_657 : i32
          %add3A_659 = arith.addi %mul3A_4, %add3A_658 : i32
          %dma_start3A_660 = arith.constant 0 : i32
          %dma_start3A_661 = arith.constant 0 : i32
          %dma_start3A_662 = tpu.memref_slice %arg3[%dma_start3A_660, %add3A_659, %dma_start3A_661] : memref<3x5120x64xi32, #tpu.memory_space<hbm>> -> memref<3x1x64xi32, #tpu.memory_space<hbm>>
          %dma_start3A_663 = tpu.memref_squeeze %dma_start3A_662 : memref<3x1x64xi32, #tpu.memory_space<hbm>> -> memref<3x64xi32, #tpu.memory_space<hbm>>
          %dma_start3A_664 = arith.constant 0 : i32
          %dma_start3A_665 = arith.constant 0 : i32
          %dma_start3A_666 = tpu.memref_slice %arg3[%dma_start3A_664, %add3A_659, %dma_start3A_665] : memref<3x5120x64xi32, #tpu.memory_space<hbm>> -> memref<3x1x64xi32, #tpu.memory_space<hbm>>
          %dma_start3A_667 = tpu.memref_squeeze %dma_start3A_666 : memref<3x1x64xi32, #tpu.memory_space<hbm>> -> memref<3x64xi32, #tpu.memory_space<hbm>>
          tpu.enqueue_dma source(%dma_start3A_667 : memref<3x64xi32, #tpu.memory_space<hbm>>) target(%arg9 : memref<3x64xi32, #tpu.memory_space<vmem>>) target_semaphore(%arg21 : memref<!tpu.dma_semaphore, #tpu.memory_space<semaphore_mem>>)
        } else {
        }
        %add3A_622 = arith.constant 4 : i32
        %add3A_623 = arith.addi %add3A_377, %add3A_622 : i32
        %sub3A_624 = arith.constant 1 : i32
        %sub3A_625 = arith.subi %add3A_623, %sub3A_624 : i32
        %add3A_626 = arith.addi %mul3A_4, %sub3A_625 : i32
        %dma_wait3A_627 = arith.constant 0 : i32
        %dma_wait3A_628 = arith.constant 0 : i32
        %dma_wait3A_629 = tpu.memref_slice %arg3[%dma_wait3A_627, %add3A_626, %dma_wait3A_628] : memref<3x5120x64xi32, #tpu.memory_space<hbm>> -> memref<3x1x64xi32, #tpu.memory_space<hbm>>
        %dma_wait3A_630 = tpu.memref_squeeze %dma_wait3A_629 : memref<3x1x64xi32, #tpu.memory_space<hbm>> -> memref<3x64xi32, #tpu.memory_space<hbm>>
        %dma_wait3A_631 = arith.constant 0 : i32
        %dma_wait3A_632 = arith.constant 0 : i32
        %dma_wait3A_633 = tpu.memref_slice %arg3[%dma_wait3A_631, %add3A_626, %dma_wait3A_632] : memref<3x5120x64xi32, #tpu.memory_space<hbm>> -> memref<3x1x64xi32, #tpu.memory_space<hbm>>
        %dma_wait3A_634 = tpu.memref_squeeze %dma_wait3A_633 : memref<3x1x64xi32, #tpu.memory_space<hbm>> -> memref<3x64xi32, #tpu.memory_space<hbm>>
        tpu.wait_dma2 semaphore(%arg25 : memref<!tpu.dma_semaphore, #tpu.memory_space<semaphore_mem>>) src(%dma_wait3A_634 : memref<3x64xi32, #tpu.memory_space<hbm>>) dst(%arg13 : memref<3x64xi32, #tpu.memory_space<vmem>>)
        %dma_start3A_635 = arith.constant 1 : i32
        %dma_start3A_636 = arith.constant 0 : i32
        %dma_start3A_637 = arith.constant 0 : i32
        %dma_start3A_638 = tpu.memref_slice %arg17[%dma_start3A_636, %dma_start3A_637] : memref<64x128xf32, #tpu.memory_space<vmem>> -> memref<32x128xf32, #tpu.memory_space<vmem>>
        %dma_start3A_639 = arith.constant 0 : i32
        %dma_start3A_640 = tpu.memref_slice %arg13[%dma_start3A_635, %dma_start3A_639] : memref<3x64xi32, #tpu.memory_space<vmem>> -> memref<1x32xi32, #tpu.memory_space<vmem>>
        %dma_start3A_641 = tpu.memref_squeeze %dma_start3A_640 : memref<1x32xi32, #tpu.memory_space<vmem>> -> memref<32xi32, #tpu.memory_space<vmem>>
        %dma_start3A_642 = arith.constant 0 : i32
        %dma_start3A_643 = arith.constant 0 : i32
        %dma_start3A_644 = tpu.memref_slice %arg2[%dma_start3A_642, %dma_start3A_643] : memref<10000x128xf32, #tpu.memory_space<hbm>> -> memref<10000x128xf32, #tpu.memory_space<hbm>>
        tpu.enqueue_indirect_dma source(%dma_start3A_644 : memref<10000x128xf32, #tpu.memory_space<hbm>>) target(%dma_start3A_638 : memref<32x128xf32, #tpu.memory_space<vmem>>) offsets(%dma_start3A_641 : memref<32xi32, #tpu.memory_space<vmem>>) semaphore(%arg31 : memref<!tpu.dma_semaphore, #tpu.memory_space<semaphore_mem>>)
        %dma_start3A_645 = arith.constant 1 : i32
        %dma_start3A_646 = arith.constant 32 : i32
        %dma_start3A_647 = arith.constant 0 : i32
        %dma_start3A_648 = tpu.memref_slice %arg17[%dma_start3A_646, %dma_start3A_647] : memref<64x128xf32, #tpu.memory_space<vmem>> -> memref<32x128xf32, #tpu.memory_space<vmem>>
        %dma_start3A_649 = arith.constant 32 : i32
        %dma_start3A_650 = tpu.memref_slice %arg13[%dma_start3A_645, %dma_start3A_649] : memref<3x64xi32, #tpu.memory_space<vmem>> -> memref<1x32xi32, #tpu.memory_space<vmem>>
        %dma_start3A_651 = tpu.memref_squeeze %dma_start3A_650 : memref<1x32xi32, #tpu.memory_space<vmem>> -> memref<32xi32, #tpu.memory_space<vmem>>
        %dma_start3A_652 = arith.constant 0 : i32
        %dma_start3A_653 = arith.constant 0 : i32
        %dma_start3A_654 = tpu.memref_slice %arg2[%dma_start3A_652, %dma_start3A_653] : memref<10000x128xf32, #tpu.memory_space<hbm>> -> memref<10000x128xf32, #tpu.memory_space<hbm>>
        tpu.enqueue_indirect_dma source(%dma_start3A_654 : memref<10000x128xf32, #tpu.memory_space<hbm>>) target(%dma_start3A_648 : memref<32x128xf32, #tpu.memory_space<vmem>>) offsets(%dma_start3A_651 : memref<32xi32, #tpu.memory_space<vmem>>) semaphore(%arg32 : memref<!tpu.dma_semaphore, #tpu.memory_space<semaphore_mem>>)
      } else {
      }
      %add3A_422 = arith.constant 4 : i32
      %add3A_423 = arith.addi %add3A_243, %add3A_422 : i32
      %dma_wait3A_424 = arith.constant 1 : i32
      %dma_wait3A_425 = arith.constant 0 : i32
      %dma_wait3A_426 = arith.constant 0 : i32
      %dma_wait3A_427 = tpu.memref_slice %arg15[%dma_wait3A_425, %dma_wait3A_426] : memref<64x128xf32, #tpu.memory_space<vmem>> -> memref<32x128xf32, #tpu.memory_space<vmem>>
      %dma_wait3A_428 = arith.constant 0 : i32
      %dma_wait3A_429 = tpu.memref_slice %arg11[%dma_wait3A_424, %dma_wait3A_428] : memref<3x64xi32, #tpu.memory_space<vmem>> -> memref<1x32xi32, #tpu.memory_space<vmem>>
      %dma_wait3A_430 = tpu.memref_squeeze %dma_wait3A_429 : memref<1x32xi32, #tpu.memory_space<vmem>> -> memref<32xi32, #tpu.memory_space<vmem>>
      %dma_wait3A_431 = arith.constant 0 : i32
      %dma_wait3A_432 = arith.constant 0 : i32
      %dma_wait3A_433 = tpu.memref_slice %arg2[%dma_wait3A_431, %dma_wait3A_432] : memref<10000x128xf32, #tpu.memory_space<hbm>> -> memref<10000x128xf32, #tpu.memory_space<hbm>>
      tpu.wait_indirect_dma semaphore(%arg27 : memref<!tpu.dma_semaphore, #tpu.memory_space<semaphore_mem>>) src(%dma_wait3A_433 : memref<10000x128xf32, #tpu.memory_space<hbm>>) dst(%dma_wait3A_427 : memref<32x128xf32, #tpu.memory_space<vmem>>)
      %dma_wait3A_434 = arith.constant 1 : i32
      %dma_wait3A_435 = arith.constant 32 : i32
      %dma_wait3A_436 = arith.constant 0 : i32
      %dma_wait3A_437 = tpu.memref_slice %arg15[%dma_wait3A_435, %dma_wait3A_436] : memref<64x128xf32, #tpu.memory_space<vmem>> -> memref<32x128xf32, #tpu.memory_space<vmem>>
      %dma_wait3A_438 = arith.constant 32 : i32
      %dma_wait3A_439 = tpu.memref_slice %arg11[%dma_wait3A_434, %dma_wait3A_438] : memref<3x64xi32, #tpu.memory_space<vmem>> -> memref<1x32xi32, #tpu.memory_space<vmem>>
      %dma_wait3A_440 = tpu.memref_squeeze %dma_wait3A_439 : memref<1x32xi32, #tpu.memory_space<vmem>> -> memref<32xi32, #tpu.memory_space<vmem>>
      %dma_wait3A_441 = arith.constant 0 : i32
      %dma_wait3A_442 = arith.constant 0 : i32
      %dma_wait3A_443 = tpu.memref_slice %arg2[%dma_wait3A_441, %dma_wait3A_442] : memref<10000x128xf32, #tpu.memory_space<hbm>> -> memref<10000x128xf32, #tpu.memory_space<hbm>>
      tpu.wait_indirect_dma semaphore(%arg28 : memref<!tpu.dma_semaphore, #tpu.memory_space<semaphore_mem>>) src(%dma_wait3A_443 : memref<10000x128xf32, #tpu.memory_space<hbm>>) dst(%dma_wait3A_437 : memref<32x128xf32, #tpu.memory_space<vmem>>)
      %scan3A_444 = arith.constant 0 : i32
      %scan3A_445 = arith.constant 4 : i32
      %scan3A_446 = arith.addi %scan3A_444, %scan3A_445 : i32
      %scan3A_447 = arith.constant 1 : i32
      scf.for %scan3A_606 = %scan3A_444 to %scan3A_446 step %scan3A_447  : i32 {
        %mul3A_607 = arith.constant 16 : i32
        %mul3A_608 = arith.muli %scan3A_606, %mul3A_607 : i32
        %add3A_609 = arith.constant 0 : i32
        %add3A_610 = arith.addi %add3A_609, %mul3A_608 : i32
        %get3A = arith.constant 2 : i32
        %get3A_611 = arith.constant 0 : i32
        %get3A_612 = tpu.memref_slice %arg11[%get3A, %get3A_611] : memref<3x64xi32, #tpu.memory_space<vmem>> -> memref<1x64xi32, #tpu.memory_space<vmem>>
        %get3A_613 = tpu.memref_squeeze %get3A_612 : memref<1x64xi32, #tpu.memory_space<vmem>> -> memref<64xi32, #tpu.memory_space<vmem>>
        %get3A_614 = arith.index_cast %add3A_610 : i32 to index
        %get3A_615 = tpu.vector_load %get3A_613[%get3A_614] {strides = array<i32>} : memref<64xi32, #tpu.memory_space<vmem>>, vector<16xi32>,
        %bitcast3A = vector.bitcast %get3A_615 : vector<16xi32> to vector<16xf32>
        %scan3A_616 = arith.constant 0 : i32
        %scan3A_617 = arith.constant 16 : i32
        %scan3A_618 = arith.addi %scan3A_616, %scan3A_617 : i32
        %scan3A_619 = arith.constant 1 : i32
        scf.for %scan3A_621 = %scan3A_616 to %scan3A_618 step %scan3A_619  : i32 {
          %mul3A_622 = arith.constant 1 : i32
          %mul3A_623 = arith.muli %scan3A_621, %mul3A_622 : i32
          %add3A_624 = arith.constant 0 : i32
          %add3A_625 = arith.addi %add3A_624, %mul3A_623 : i32
          %broadcast_in_dim3A = vector.broadcast %add3A_625 : i32 to vector<16x1xi32>
          %gather3A = vector.shape_cast %broadcast_in_dim3A : vector<16x1xi32> to vector<16xi32>
          %gather3A_626 = tpu.dynamic_gather %bitcast3A[%gather3A] in [0] : vector<16xf32>, vector<16xi32> -> vector<16xf32>
          %add3A_627 = arith.addi %add3A_610, %add3A_625 : i32
          %get3A_628 = arith.index_cast %add3A_627 : i32 to index
          %get3A_629 = arith.constant 0 : index
          %get3A_630 = tpu.vector_load %arg15[%get3A_628, %get3A_629] {strides = array<i32>} : memref<64x128xf32, #tpu.memory_space<vmem>>, vector<16xf32>,
          %mul3A_631 = arith.mulf %get3A_630, %gather3A_626 : vector<16xf32>
          %swap3A = arith.index_cast %add3A_627 : i32 to index
          %swap3A_632 = arith.constant 0 : index
          %swap3A_633 = tpu.vector_load %arg15[%swap3A, %swap3A_632] {strides = array<i32>} : memref<64x128xf32, #tpu.memory_space<vmem>>, vector<16xf32>,
          tpu.vector_store %arg15[%swap3A, %swap3A_632], %mul3A_631 {strides = array<i32>} : memref<64x128xf32, #tpu.memory_space<vmem>>, vector<16xf32>,
          %get3A_634 = arith.index_cast %add3A_627 : i32 to index
          %get3A_635 = arith.constant 16 : index
          %get3A_636 = tpu.vector_load %arg15[%get3A_634, %get3A_635] {strides = array<i32>} : memref<64x128xf32, #tpu.memory_space<vmem>>, vector<16xf32>,
          %mul3A_637 = arith.mulf %get3A_636, %gather3A_626 : vector<16xf32>
          %swap3A_638 = arith.index_cast %add3A_627 : i32 to index
          %swap3A_639 = arith.constant 16 : index
          %swap3A_640 = tpu.vector_load %arg15[%swap3A_638, %swap3A_639] {strides = array<i32>} : memref<64x128xf32, #tpu.memory_space<vmem>>, vector<16xf32>,
          tpu.vector_store %arg15[%swap3A_638, %swap3A_639], %mul3A_637 {strides = array<i32>} : memref<64x128xf32, #tpu.memory_space<vmem>>, vector<16xf32>,
          %get3A_641 = arith.index_cast %add3A_627 : i32 to index
          %get3A_642 = arith.constant 32 : index
          %get3A_643 = tpu.vector_load %arg15[%get3A_641, %get3A_642] {strides = array<i32>} : memref<64x128xf32, #tpu.memory_space<vmem>>, vector<16xf32>,
          %mul3A_644 = arith.mulf %get3A_643, %gather3A_626 : vector<16xf32>
          %swap3A_645 = arith.index_cast %add3A_627 : i32 to index
          %swap3A_646 = arith.constant 32 : index
          %swap3A_647 = tpu.vector_load %arg15[%swap3A_645, %swap3A_646] {strides = array<i32>} : memref<64x128xf32, #tpu.memory_space<vmem>>, vector<16xf32>,
          tpu.vector_store %arg15[%swap3A_645, %swap3A_646], %mul3A_644 {strides = array<i32>} : memref<64x128xf32, #tpu.memory_space<vmem>>, vector<16xf32>,
          %get3A_648 = arith.index_cast %add3A_627 : i32 to index
          %get3A_649 = arith.constant 48 : index
          %get3A_650 = tpu.vector_load %arg15[%get3A_648, %get3A_649] {strides = array<i32>} : memref<64x128xf32, #tpu.memory_space<vmem>>, vector<16xf32>,
          %mul3A_651 = arith.mulf %get3A_650, %gather3A_626 : vector<16xf32>
          %swap3A_652 = arith.index_cast %add3A_627 : i32 to index
          %swap3A_653 = arith.constant 48 : index
          %swap3A_654 = tpu.vector_load %arg15[%swap3A_652, %swap3A_653] {strides = array<i32>} : memref<64x128xf32, #tpu.memory_space<vmem>>, vector<16xf32>,
          tpu.vector_store %arg15[%swap3A_652, %swap3A_653], %mul3A_651 {strides = array<i32>} : memref<64x128xf32, #tpu.memory_space<vmem>>, vector<16xf32>,
          %get3A_655 = arith.index_cast %add3A_627 : i32 to index
          %get3A_656 = arith.constant 64 : index
          %get3A_657 = tpu.vector_load %arg15[%get3A_655, %get3A_656] {strides = array<i32>} : memref<64x128xf32, #tpu.memory_space<vmem>>, vector<16xf32>,
          %mul3A_658 = arith.mulf %get3A_657, %gather3A_626 : vector<16xf32>
          %swap3A_659 = arith.index_cast %add3A_627 : i32 to index
          %swap3A_660 = arith.constant 64 : index
          %swap3A_661 = tpu.vector_load %arg15[%swap3A_659, %swap3A_660] {strides = array<i32>} : memref<64x128xf32, #tpu.memory_space<vmem>>, vector<16xf32>,
          tpu.vector_store %arg15[%swap3A_659, %swap3A_660], %mul3A_658 {strides = array<i32>} : memref<64x128xf32, #tpu.memory_space<vmem>>, vector<16xf32>,
          %get3A_662 = arith.index_cast %add3A_627 : i32 to index
          %get3A_663 = arith.constant 80 : index
          %get3A_664 = tpu.vector_load %arg15[%get3A_662, %get3A_663] {strides = array<i32>} : memref<64x128xf32, #tpu.memory_space<vmem>>, vector<16xf32>,
          %mul3A_665 = arith.mulf %get3A_664, %gather3A_626 : vector<16xf32>
          %swap3A_666 = arith.index_cast %add3A_627 : i32 to index
          %swap3A_667 = arith.constant 80 : index
          %swap3A_668 = tpu.vector_load %arg15[%swap3A_666, %swap3A_667] {strides = array<i32>} : memref<64x128xf32, #tpu.memory_space<vmem>>, vector<16xf32>,
          tpu.vector_store %arg15[%swap3A_666, %swap3A_667], %mul3A_665 {strides = array<i32>} : memref<64x128xf32, #tpu.memory_space<vmem>>, vector<16xf32>,
          %get3A_669 = arith.index_cast %add3A_627 : i32 to index
          %get3A_670 = arith.constant 96 : index
          %get3A_671 = tpu.vector_load %arg15[%get3A_669, %get3A_670] {strides = array<i32>} : memref<64x128xf32, #tpu.memory_space<vmem>>, vector<16xf32>,
          %mul3A_672 = arith.mulf %get3A_671, %gather3A_626 : vector<16xf32>
          %swap3A_673 = arith.index_cast %add3A_627 : i32 to index
          %swap3A_674 = arith.constant 96 : index
          %swap3A_675 = tpu.vector_load %arg15[%swap3A_673, %swap3A_674] {strides = array<i32>} : memref<64x128xf32, #tpu.memory_space<vmem>>, vector<16xf32>,
          tpu.vector_store %arg15[%swap3A_673, %swap3A_674], %mul3A_672 {strides = array<i32>} : memref<64x128xf32, #tpu.memory_space<vmem>>, vector<16xf32>,
          %get3A_676 = arith.index_cast %add3A_627 : i32 to index
          %get3A_677 = arith.constant 112 : index
          %get3A_678 = tpu.vector_load %arg15[%get3A_676, %get3A_677] {strides = array<i32>} : memref<64x128xf32, #tpu.memory_space<vmem>>, vector<16xf32>,
          %mul3A_679 = arith.mulf %get3A_678, %gather3A_626 : vector<16xf32>
          %swap3A_680 = arith.index_cast %add3A_627 : i32 to index
          %swap3A_681 = arith.constant 112 : index
          %swap3A_682 = tpu.vector_load %arg15[%swap3A_680, %swap3A_681] {strides = array<i32>} : memref<64x128xf32, #tpu.memory_space<vmem>>, vector<16xf32>,
          tpu.vector_store %arg15[%swap3A_680, %swap3A_681], %mul3A_679 {strides = array<i32>} : memref<64x128xf32, #tpu.memory_space<vmem>>, vector<16xf32>,
        }
        %scan3A_620 = arith.constant 16 : i32
      }
      %scan3A_448 = arith.constant 4 : i32
      %dma_start3A_449 = arith.constant 0 : i32
      %dma_start3A_450 = arith.constant 0 : i32
      %dma_start3A_451 = tpu.memref_slice %arg11[%dma_start3A_449, %dma_start3A_450] : memref<3x64xi32, #tpu.memory_space<vmem>> -> memref<1x64xi32, #tpu.memory_space<vmem>>
      %dma_start3A_452 = tpu.memref_squeeze %dma_start3A_451 : memref<1x64xi32, #tpu.memory_space<vmem>> -> memref<64xi32, #tpu.memory_space<vmem>>
      %dma_start3A_453 = arith.constant 0 : i32
      %dma_start3A_454 = arith.constant 0 : i32
      %dma_start3A_455 = tpu.memref_slice %arg6[%dma_start3A_453, %dma_start3A_454] : memref<10240x128xf32, #tpu.memory_space<vmem_shared>> -> memref<10240x128xf32, #tpu.memory_space<vmem_shared>>
      tpu.enqueue_indirect_dma source(%arg15 : memref<64x128xf32, #tpu.memory_space<vmem>>) target(%dma_start3A_455 : memref<10240x128xf32, #tpu.memory_space<vmem_shared>>) offsets(%dma_start3A_452 : memref<64xi32, #tpu.memory_space<vmem>>) semaphore(%arg35 : memref<!tpu.dma_semaphore, #tpu.memory_space<semaphore_mem>>) {add = true}
      %ge3A_456 = arith.constant 1 : i32
      %ge3A_457 = arith.cmpi sge, %add3A_423, %ge3A_456 : i32
      %add3A_458 = arith.constant 4 : i32
      %add3A_459 = arith.addi %add3A_423, %add3A_458 : i32
      %sub3A_460 = arith.constant 1 : i32
      %sub3A_461 = arith.subi %add3A_459, %sub3A_460 : i32
      %lt3A_462 = arith.constant 160 : i32
      %lt3A_463 = arith.cmpi slt, %sub3A_461, %lt3A_462 : i32
      %and3A_464 = arith.andi %ge3A_457, %lt3A_463 : i1
      %convert_element_type3A_465 = arith.extui %and3A_464 : i1 to i32
      %cond3A_466 = arith.constant 0 : i32
      %cond3A_467 = arith.cmpi ne, %convert_element_type3A_465, %cond3A_466 : i32
      scf.if %cond3A_467 {
        %dma_wait3A_606 = arith.constant 0 : i32
        %dma_wait3A_607 = arith.constant 0 : i32
        %dma_wait3A_608 = tpu.memref_slice %arg10[%dma_wait3A_606, %dma_wait3A_607] : memref<3x64xi32, #tpu.memory_space<vmem>> -> memref<1x64xi32, #tpu.memory_space<vmem>>
        %dma_wait3A_609 = tpu.memref_squeeze %dma_wait3A_608 : memref<1x64xi32, #tpu.memory_space<vmem>> -> memref<64xi32, #tpu.memory_space<vmem>>
        %dma_wait3A_610 = arith.constant 0 : i32
        %dma_wait3A_611 = arith.constant 0 : i32
        %dma_wait3A_612 = tpu.memref_slice %arg6[%dma_wait3A_610, %dma_wait3A_611] : memref<10240x128xf32, #tpu.memory_space<vmem_shared>> -> memref<10240x128xf32, #tpu.memory_space<vmem_shared>>
        tpu.wait_indirect_dma semaphore(%arg38 : memref<!tpu.dma_semaphore, #tpu.memory_space<semaphore_mem>>) src(%arg18 : memref<64x128xf32, #tpu.memory_space<vmem>>) dst(%dma_wait3A_612 : memref<10240x128xf32, #tpu.memory_space<vmem_shared>>)
        %sub3A_613 = arith.constant 1 : i32
        %sub3A_614 = arith.subi %add3A_423, %sub3A_613 : i32
        %add3A_615 = arith.constant 8 : i32
        %add3A_616 = arith.addi %sub3A_614, %add3A_615 : i32
        %lt3A_617 = arith.constant 160 : i32
        %lt3A_618 = arith.cmpi slt, %add3A_616, %lt3A_617 : i32
        %convert_element_type3A_619 = arith.extui %lt3A_618 : i1 to i32
        %cond3A_620 = arith.constant 0 : i32
        %cond3A_621 = arith.cmpi ne, %convert_element_type3A_619, %cond3A_620 : i32
        scf.if %cond3A_621 {
          %sub3A_655 = arith.constant 1 : i32
          %sub3A_656 = arith.subi %add3A_423, %sub3A_655 : i32
          %add3A_657 = arith.constant 8 : i32
          %add3A_658 = arith.addi %sub3A_656, %add3A_657 : i32
          %add3A_659 = arith.addi %mul3A_4, %add3A_658 : i32
          %dma_start3A_660 = arith.constant 0 : i32
          %dma_start3A_661 = arith.constant 0 : i32
          %dma_start3A_662 = tpu.memref_slice %arg3[%dma_start3A_660, %add3A_659, %dma_start3A_661] : memref<3x5120x64xi32, #tpu.memory_space<hbm>> -> memref<3x1x64xi32, #tpu.memory_space<hbm>>
          %dma_start3A_663 = tpu.memref_squeeze %dma_start3A_662 : memref<3x1x64xi32, #tpu.memory_space<hbm>> -> memref<3x64xi32, #tpu.memory_space<hbm>>
          %dma_start3A_664 = arith.constant 0 : i32
          %dma_start3A_665 = arith.constant 0 : i32
          %dma_start3A_666 = tpu.memref_slice %arg3[%dma_start3A_664, %add3A_659, %dma_start3A_665] : memref<3x5120x64xi32, #tpu.memory_space<hbm>> -> memref<3x1x64xi32, #tpu.memory_space<hbm>>
          %dma_start3A_667 = tpu.memref_squeeze %dma_start3A_666 : memref<3x1x64xi32, #tpu.memory_space<hbm>> -> memref<3x64xi32, #tpu.memory_space<hbm>>
          tpu.enqueue_dma source(%dma_start3A_667 : memref<3x64xi32, #tpu.memory_space<hbm>>) target(%arg10 : memref<3x64xi32, #tpu.memory_space<vmem>>) target_semaphore(%arg22 : memref<!tpu.dma_semaphore, #tpu.memory_space<semaphore_mem>>)
        } else {
        }
        %add3A_622 = arith.constant 4 : i32
        %add3A_623 = arith.addi %add3A_423, %add3A_622 : i32
        %sub3A_624 = arith.constant 1 : i32
        %sub3A_625 = arith.subi %add3A_623, %sub3A_624 : i32
        %add3A_626 = arith.addi %mul3A_4, %sub3A_625 : i32
        %dma_wait3A_627 = arith.constant 0 : i32
        %dma_wait3A_628 = arith.constant 0 : i32
        %dma_wait3A_629 = tpu.memref_slice %arg3[%dma_wait3A_627, %add3A_626, %dma_wait3A_628] : memref<3x5120x64xi32, #tpu.memory_space<hbm>> -> memref<3x1x64xi32, #tpu.memory_space<hbm>>
        %dma_wait3A_630 = tpu.memref_squeeze %dma_wait3A_629 : memref<3x1x64xi32, #tpu.memory_space<hbm>> -> memref<3x64xi32, #tpu.memory_space<hbm>>
        %dma_wait3A_631 = arith.constant 0 : i32
        %dma_wait3A_632 = arith.constant 0 : i32
        %dma_wait3A_633 = tpu.memref_slice %arg3[%dma_wait3A_631, %add3A_626, %dma_wait3A_632] : memref<3x5120x64xi32, #tpu.memory_space<hbm>> -> memref<3x1x64xi32, #tpu.memory_space<hbm>>
        %dma_wait3A_634 = tpu.memref_squeeze %dma_wait3A_633 : memref<3x1x64xi32, #tpu.memory_space<hbm>> -> memref<3x64xi32, #tpu.memory_space<hbm>>
        tpu.wait_dma2 semaphore(%arg26 : memref<!tpu.dma_semaphore, #tpu.memory_space<semaphore_mem>>) src(%dma_wait3A_634 : memref<3x64xi32, #tpu.memory_space<hbm>>) dst(%arg14 : memref<3x64xi32, #tpu.memory_space<vmem>>)
        %dma_start3A_635 = arith.constant 1 : i32
        %dma_start3A_636 = arith.constant 0 : i32
        %dma_start3A_637 = arith.constant 0 : i32
        %dma_start3A_638 = tpu.memref_slice %arg18[%dma_start3A_636, %dma_start3A_637] : memref<64x128xf32, #tpu.memory_space<vmem>> -> memref<32x128xf32, #tpu.memory_space<vmem>>
        %dma_start3A_639 = arith.constant 0 : i32
        %dma_start3A_640 = tpu.memref_slice %arg14[%dma_start3A_635, %dma_start3A_639] : memref<3x64xi32, #tpu.memory_space<vmem>> -> memref<1x32xi32, #tpu.memory_space<vmem>>
        %dma_start3A_641 = tpu.memref_squeeze %dma_start3A_640 : memref<1x32xi32, #tpu.memory_space<vmem>> -> memref<32xi32, #tpu.memory_space<vmem>>
        %dma_start3A_642 = arith.constant 0 : i32
        %dma_start3A_643 = arith.constant 0 : i32
        %dma_start3A_644 = tpu.memref_slice %arg2[%dma_start3A_642, %dma_start3A_643] : memref<10000x128xf32, #tpu.memory_space<hbm>> -> memref<10000x128xf32, #tpu.memory_space<hbm>>
        tpu.enqueue_indirect_dma source(%dma_start3A_644 : memref<10000x128xf32, #tpu.memory_space<hbm>>) target(%dma_start3A_638 : memref<32x128xf32, #tpu.memory_space<vmem>>) offsets(%dma_start3A_641 : memref<32xi32, #tpu.memory_space<vmem>>) semaphore(%arg33 : memref<!tpu.dma_semaphore, #tpu.memory_space<semaphore_mem>>)
        %dma_start3A_645 = arith.constant 1 : i32
        %dma_start3A_646 = arith.constant 32 : i32
        %dma_start3A_647 = arith.constant 0 : i32
        %dma_start3A_648 = tpu.memref_slice %arg18[%dma_start3A_646, %dma_start3A_647] : memref<64x128xf32, #tpu.memory_space<vmem>> -> memref<32x128xf32, #tpu.memory_space<vmem>>
        %dma_start3A_649 = arith.constant 32 : i32
        %dma_start3A_650 = tpu.memref_slice %arg14[%dma_start3A_645, %dma_start3A_649] : memref<3x64xi32, #tpu.memory_space<vmem>> -> memref<1x32xi32, #tpu.memory_space<vmem>>
        %dma_start3A_651 = tpu.memref_squeeze %dma_start3A_650 : memref<1x32xi32, #tpu.memory_space<vmem>> -> memref<32xi32, #tpu.memory_space<vmem>>
        %dma_start3A_652 = arith.constant 0 : i32
        %dma_start3A_653 = arith.constant 0 : i32
        %dma_start3A_654 = tpu.memref_slice %arg2[%dma_start3A_652, %dma_start3A_653] : memref<10000x128xf32, #tpu.memory_space<hbm>> -> memref<10000x128xf32, #tpu.memory_space<hbm>>
        tpu.enqueue_indirect_dma source(%dma_start3A_654 : memref<10000x128xf32, #tpu.memory_space<hbm>>) target(%dma_start3A_648 : memref<32x128xf32, #tpu.memory_space<vmem>>) offsets(%dma_start3A_651 : memref<32xi32, #tpu.memory_space<vmem>>) semaphore(%arg34 : memref<!tpu.dma_semaphore, #tpu.memory_space<semaphore_mem>>)
      } else {
      }
      %add3A_468 = arith.constant 5 : i32
      %add3A_469 = arith.addi %add3A_243, %add3A_468 : i32
      %dma_wait3A_470 = arith.constant 1 : i32
      %dma_wait3A_471 = arith.constant 0 : i32
      %dma_wait3A_472 = arith.constant 0 : i32
      %dma_wait3A_473 = tpu.memref_slice %arg16[%dma_wait3A_471, %dma_wait3A_472] : memref<64x128xf32, #tpu.memory_space<vmem>> -> memref<32x128xf32, #tpu.memory_space<vmem>>
      %dma_wait3A_474 = arith.constant 0 : i32
      %dma_wait3A_475 = tpu.memref_slice %arg12[%dma_wait3A_470, %dma_wait3A_474] : memref<3x64xi32, #tpu.memory_space<vmem>> -> memref<1x32xi32, #tpu.memory_space<vmem>>
      %dma_wait3A_476 = tpu.memref_squeeze %dma_wait3A_475 : memref<1x32xi32, #tpu.memory_space<vmem>> -> memref<32xi32, #tpu.memory_space<vmem>>
      %dma_wait3A_477 = arith.constant 0 : i32
      %dma_wait3A_478 = arith.constant 0 : i32
      %dma_wait3A_479 = tpu.memref_slice %arg2[%dma_wait3A_477, %dma_wait3A_478] : memref<10000x128xf32, #tpu.memory_space<hbm>> -> memref<10000x128xf32, #tpu.memory_space<hbm>>
      tpu.wait_indirect_dma semaphore(%arg29 : memref<!tpu.dma_semaphore, #tpu.memory_space<semaphore_mem>>) src(%dma_wait3A_479 : memref<10000x128xf32, #tpu.memory_space<hbm>>) dst(%dma_wait3A_473 : memref<32x128xf32, #tpu.memory_space<vmem>>)
      %dma_wait3A_480 = arith.constant 1 : i32
      %dma_wait3A_481 = arith.constant 32 : i32
      %dma_wait3A_482 = arith.constant 0 : i32
      %dma_wait3A_483 = tpu.memref_slice %arg16[%dma_wait3A_481, %dma_wait3A_482] : memref<64x128xf32, #tpu.memory_space<vmem>> -> memref<32x128xf32, #tpu.memory_space<vmem>>
      %dma_wait3A_484 = arith.constant 32 : i32
      %dma_wait3A_485 = tpu.memref_slice %arg12[%dma_wait3A_480, %dma_wait3A_484] : memref<3x64xi32, #tpu.memory_space<vmem>> -> memref<1x32xi32, #tpu.memory_space<vmem>>
      %dma_wait3A_486 = tpu.memref_squeeze %dma_wait3A_485 : memref<1x32xi32, #tpu.memory_space<vmem>> -> memref<32xi32, #tpu.memory_space<vmem>>
      %dma_wait3A_487 = arith.constant 0 : i32
      %dma_wait3A_488 = arith.constant 0 : i32
      %dma_wait3A_489 = tpu.memref_slice %arg2[%dma_wait3A_487, %dma_wait3A_488] : memref<10000x128xf32, #tpu.memory_space<hbm>> -> memref<10000x128xf32, #tpu.memory_space<hbm>>
      tpu.wait_indirect_dma semaphore(%arg30 : memref<!tpu.dma_semaphore, #tpu.memory_space<semaphore_mem>>) src(%dma_wait3A_489 : memref<10000x128xf32, #tpu.memory_space<hbm>>) dst(%dma_wait3A_483 : memref<32x128xf32, #tpu.memory_space<vmem>>)
      %scan3A_490 = arith.constant 0 : i32
      %scan3A_491 = arith.constant 4 : i32
      %scan3A_492 = arith.addi %scan3A_490, %scan3A_491 : i32
      %scan3A_493 = arith.constant 1 : i32
      scf.for %scan3A_606 = %scan3A_490 to %scan3A_492 step %scan3A_493  : i32 {
        %mul3A_607 = arith.constant 16 : i32
        %mul3A_608 = arith.muli %scan3A_606, %mul3A_607 : i32
        %add3A_609 = arith.constant 0 : i32
        %add3A_610 = arith.addi %add3A_609, %mul3A_608 : i32
        %get3A = arith.constant 2 : i32
        %get3A_611 = arith.constant 0 : i32
        %get3A_612 = tpu.memref_slice %arg12[%get3A, %get3A_611] : memref<3x64xi32, #tpu.memory_space<vmem>> -> memref<1x64xi32, #tpu.memory_space<vmem>>
        %get3A_613 = tpu.memref_squeeze %get3A_612 : memref<1x64xi32, #tpu.memory_space<vmem>> -> memref<64xi32, #tpu.memory_space<vmem>>
        %get3A_614 = arith.index_cast %add3A_610 : i32 to index
        %get3A_615 = tpu.vector_load %get3A_613[%get3A_614] {strides = array<i32>} : memref<64xi32, #tpu.memory_space<vmem>>, vector<16xi32>,
        %bitcast3A = vector.bitcast %get3A_615 : vector<16xi32> to vector<16xf32>
        %scan3A_616 = arith.constant 0 : i32
        %scan3A_617 = arith.constant 16 : i32
        %scan3A_618 = arith.addi %scan3A_616, %scan3A_617 : i32
        %scan3A_619 = arith.constant 1 : i32
        scf.for %scan3A_621 = %scan3A_616 to %scan3A_618 step %scan3A_619  : i32 {
          %mul3A_622 = arith.constant 1 : i32
          %mul3A_623 = arith.muli %scan3A_621, %mul3A_622 : i32
          %add3A_624 = arith.constant 0 : i32
          %add3A_625 = arith.addi %add3A_624, %mul3A_623 : i32
          %broadcast_in_dim3A = vector.broadcast %add3A_625 : i32 to vector<16x1xi32>
          %gather3A = vector.shape_cast %broadcast_in_dim3A : vector<16x1xi32> to vector<16xi32>
          %gather3A_626 = tpu.dynamic_gather %bitcast3A[%gather3A] in [0] : vector<16xf32>, vector<16xi32> -> vector<16xf32>
          %add3A_627 = arith.addi %add3A_610, %add3A_625 : i32
          %get3A_628 = arith.index_cast %add3A_627 : i32 to index
          %get3A_629 = arith.constant 0 : index
          %get3A_630 = tpu.vector_load %arg16[%get3A_628, %get3A_629] {strides = array<i32>} : memref<64x128xf32, #tpu.memory_space<vmem>>, vector<16xf32>,
          %mul3A_631 = arith.mulf %get3A_630, %gather3A_626 : vector<16xf32>
          %swap3A = arith.index_cast %add3A_627 : i32 to index
          %swap3A_632 = arith.constant 0 : index
          %swap3A_633 = tpu.vector_load %arg16[%swap3A, %swap3A_632] {strides = array<i32>} : memref<64x128xf32, #tpu.memory_space<vmem>>, vector<16xf32>,
          tpu.vector_store %arg16[%swap3A, %swap3A_632], %mul3A_631 {strides = array<i32>} : memref<64x128xf32, #tpu.memory_space<vmem>>, vector<16xf32>,
          %get3A_634 = arith.index_cast %add3A_627 : i32 to index
          %get3A_635 = arith.constant 16 : index
          %get3A_636 = tpu.vector_load %arg16[%get3A_634, %get3A_635] {strides = array<i32>} : memref<64x128xf32, #tpu.memory_space<vmem>>, vector<16xf32>,
          %mul3A_637 = arith.mulf %get3A_636, %gather3A_626 : vector<16xf32>
          %swap3A_638 = arith.index_cast %add3A_627 : i32 to index
          %swap3A_639 = arith.constant 16 : index
          %swap3A_640 = tpu.vector_load %arg16[%swap3A_638, %swap3A_639] {strides = array<i32>} : memref<64x128xf32, #tpu.memory_space<vmem>>, vector<16xf32>,
          tpu.vector_store %arg16[%swap3A_638, %swap3A_639], %mul3A_637 {strides = array<i32>} : memref<64x128xf32, #tpu.memory_space<vmem>>, vector<16xf32>,
          %get3A_641 = arith.index_cast %add3A_627 : i32 to index
          %get3A_642 = arith.constant 32 : index
          %get3A_643 = tpu.vector_load %arg16[%get3A_641, %get3A_642] {strides = array<i32>} : memref<64x128xf32, #tpu.memory_space<vmem>>, vector<16xf32>,
          %mul3A_644 = arith.mulf %get3A_643, %gather3A_626 : vector<16xf32>
          %swap3A_645 = arith.index_cast %add3A_627 : i32 to index
          %swap3A_646 = arith.constant 32 : index
          %swap3A_647 = tpu.vector_load %arg16[%swap3A_645, %swap3A_646] {strides = array<i32>} : memref<64x128xf32, #tpu.memory_space<vmem>>, vector<16xf32>,
          tpu.vector_store %arg16[%swap3A_645, %swap3A_646], %mul3A_644 {strides = array<i32>} : memref<64x128xf32, #tpu.memory_space<vmem>>, vector<16xf32>,
          %get3A_648 = arith.index_cast %add3A_627 : i32 to index
          %get3A_649 = arith.constant 48 : index
          %get3A_650 = tpu.vector_load %arg16[%get3A_648, %get3A_649] {strides = array<i32>} : memref<64x128xf32, #tpu.memory_space<vmem>>, vector<16xf32>,
          %mul3A_651 = arith.mulf %get3A_650, %gather3A_626 : vector<16xf32>
          %swap3A_652 = arith.index_cast %add3A_627 : i32 to index
          %swap3A_653 = arith.constant 48 : index
          %swap3A_654 = tpu.vector_load %arg16[%swap3A_652, %swap3A_653] {strides = array<i32>} : memref<64x128xf32, #tpu.memory_space<vmem>>, vector<16xf32>,
          tpu.vector_store %arg16[%swap3A_652, %swap3A_653], %mul3A_651 {strides = array<i32>} : memref<64x128xf32, #tpu.memory_space<vmem>>, vector<16xf32>,
          %get3A_655 = arith.index_cast %add3A_627 : i32 to index
          %get3A_656 = arith.constant 64 : index
          %get3A_657 = tpu.vector_load %arg16[%get3A_655, %get3A_656] {strides = array<i32>} : memref<64x128xf32, #tpu.memory_space<vmem>>, vector<16xf32>,
          %mul3A_658 = arith.mulf %get3A_657, %gather3A_626 : vector<16xf32>
          %swap3A_659 = arith.index_cast %add3A_627 : i32 to index
          %swap3A_660 = arith.constant 64 : index
          %swap3A_661 = tpu.vector_load %arg16[%swap3A_659, %swap3A_660] {strides = array<i32>} : memref<64x128xf32, #tpu.memory_space<vmem>>, vector<16xf32>,
          tpu.vector_store %arg16[%swap3A_659, %swap3A_660], %mul3A_658 {strides = array<i32>} : memref<64x128xf32, #tpu.memory_space<vmem>>, vector<16xf32>,
          %get3A_662 = arith.index_cast %add3A_627 : i32 to index
          %get3A_663 = arith.constant 80 : index
          %get3A_664 = tpu.vector_load %arg16[%get3A_662, %get3A_663] {strides = array<i32>} : memref<64x128xf32, #tpu.memory_space<vmem>>, vector<16xf32>,
          %mul3A_665 = arith.mulf %get3A_664, %gather3A_626 : vector<16xf32>
          %swap3A_666 = arith.index_cast %add3A_627 : i32 to index
          %swap3A_667 = arith.constant 80 : index
          %swap3A_668 = tpu.vector_load %arg16[%swap3A_666, %swap3A_667] {strides = array<i32>} : memref<64x128xf32, #tpu.memory_space<vmem>>, vector<16xf32>,
          tpu.vector_store %arg16[%swap3A_666, %swap3A_667], %mul3A_665 {strides = array<i32>} : memref<64x128xf32, #tpu.memory_space<vmem>>, vector<16xf32>,
          %get3A_669 = arith.index_cast %add3A_627 : i32 to index
          %get3A_670 = arith.constant 96 : index
          %get3A_671 = tpu.vector_load %arg16[%get3A_669, %get3A_670] {strides = array<i32>} : memref<64x128xf32, #tpu.memory_space<vmem>>, vector<16xf32>,
          %mul3A_672 = arith.mulf %get3A_671, %gather3A_626 : vector<16xf32>
          %swap3A_673 = arith.index_cast %add3A_627 : i32 to index
          %swap3A_674 = arith.constant 96 : index
          %swap3A_675 = tpu.vector_load %arg16[%swap3A_673, %swap3A_674] {strides = array<i32>} : memref<64x128xf32, #tpu.memory_space<vmem>>, vector<16xf32>,
          tpu.vector_store %arg16[%swap3A_673, %swap3A_674], %mul3A_672 {strides = array<i32>} : memref<64x128xf32, #tpu.memory_space<vmem>>, vector<16xf32>,
          %get3A_676 = arith.index_cast %add3A_627 : i32 to index
          %get3A_677 = arith.constant 112 : index
          %get3A_678 = tpu.vector_load %arg16[%get3A_676, %get3A_677] {strides = array<i32>} : memref<64x128xf32, #tpu.memory_space<vmem>>, vector<16xf32>,
          %mul3A_679 = arith.mulf %get3A_678, %gather3A_626 : vector<16xf32>
          %swap3A_680 = arith.index_cast %add3A_627 : i32 to index
          %swap3A_681 = arith.constant 112 : index
          %swap3A_682 = tpu.vector_load %arg16[%swap3A_680, %swap3A_681] {strides = array<i32>} : memref<64x128xf32, #tpu.memory_space<vmem>>, vector<16xf32>,
          tpu.vector_store %arg16[%swap3A_680, %swap3A_681], %mul3A_679 {strides = array<i32>} : memref<64x128xf32, #tpu.memory_space<vmem>>, vector<16xf32>,
        }
        %scan3A_620 = arith.constant 16 : i32
      }
      %scan3A_494 = arith.constant 4 : i32
      %dma_start3A_495 = arith.constant 0 : i32
      %dma_start3A_496 = arith.constant 0 : i32
      %dma_start3A_497 = tpu.memref_slice %arg12[%dma_start3A_495, %dma_start3A_496] : memref<3x64xi32, #tpu.memory_space<vmem>> -> memref<1x64xi32, #tpu.memory_space<vmem>>
      %dma_start3A_498 = tpu.memref_squeeze %dma_start3A_497 : memref<1x64xi32, #tpu.memory_space<vmem>> -> memref<64xi32, #tpu.memory_space<vmem>>
      %dma_start3A_499 = arith.constant 0 : i32
      %dma_start3A_500 = arith.constant 0 : i32
      %dma_start3A_501 = tpu.memref_slice %arg6[%dma_start3A_499, %dma_start3A_500] : memref<10240x128xf32, #tpu.memory_space<vmem_shared>> -> memref<10240x128xf32, #tpu.memory_space<vmem_shared>>
      tpu.enqueue_indirect_dma source(%arg16 : memref<64x128xf32, #tpu.memory_space<vmem>>) target(%dma_start3A_501 : memref<10240x128xf32, #tpu.memory_space<vmem_shared>>) offsets(%dma_start3A_498 : memref<64xi32, #tpu.memory_space<vmem>>) semaphore(%arg36 : memref<!tpu.dma_semaphore, #tpu.memory_space<semaphore_mem>>) {add = true}
      %ge3A_502 = arith.constant 1 : i32
      %ge3A_503 = arith.cmpi sge, %add3A_469, %ge3A_502 : i32
      %add3A_504 = arith.constant 4 : i32
      %add3A_505 = arith.addi %add3A_469, %add3A_504 : i32
      %sub3A_506 = arith.constant 1 : i32
      %sub3A_507 = arith.subi %add3A_505, %sub3A_506 : i32
      %lt3A_508 = arith.constant 160 : i32
      %lt3A_509 = arith.cmpi slt, %sub3A_507, %lt3A_508 : i32
      %and3A_510 = arith.andi %ge3A_503, %lt3A_509 : i1
      %convert_element_type3A_511 = arith.extui %and3A_510 : i1 to i32
      %cond3A_512 = arith.constant 0 : i32
      %cond3A_513 = arith.cmpi ne, %convert_element_type3A_511, %cond3A_512 : i32
      scf.if %cond3A_513 {
        %dma_wait3A_606 = arith.constant 0 : i32
        %dma_wait3A_607 = arith.constant 0 : i32
        %dma_wait3A_608 = tpu.memref_slice %arg11[%dma_wait3A_606, %dma_wait3A_607] : memref<3x64xi32, #tpu.memory_space<vmem>> -> memref<1x64xi32, #tpu.memory_space<vmem>>
        %dma_wait3A_609 = tpu.memref_squeeze %dma_wait3A_608 : memref<1x64xi32, #tpu.memory_space<vmem>> -> memref<64xi32, #tpu.memory_space<vmem>>
        %dma_wait3A_610 = arith.constant 0 : i32
        %dma_wait3A_611 = arith.constant 0 : i32
        %dma_wait3A_612 = tpu.memref_slice %arg6[%dma_wait3A_610, %dma_wait3A_611] : memref<10240x128xf32, #tpu.memory_space<vmem_shared>> -> memref<10240x128xf32, #tpu.memory_space<vmem_shared>>
        tpu.wait_indirect_dma semaphore(%arg35 : memref<!tpu.dma_semaphore, #tpu.memory_space<semaphore_mem>>) src(%arg15 : memref<64x128xf32, #tpu.memory_space<vmem>>) dst(%dma_wait3A_612 : memref<10240x128xf32, #tpu.memory_space<vmem_shared>>)
        %sub3A_613 = arith.constant 1 : i32
        %sub3A_614 = arith.subi %add3A_469, %sub3A_613 : i32
        %add3A_615 = arith.constant 8 : i32
        %add3A_616 = arith.addi %sub3A_614, %add3A_615 : i32
        %lt3A_617 = arith.constant 160 : i32
        %lt3A_618 = arith.cmpi slt, %add3A_616, %lt3A_617 : i32
        %convert_element_type3A_619 = arith.extui %lt3A_618 : i1 to i32
        %cond3A_620 = arith.constant 0 : i32
        %cond3A_621 = arith.cmpi ne, %convert_element_type3A_619, %cond3A_620 : i32
        scf.if %cond3A_621 {
          %sub3A_655 = arith.constant 1 : i32
          %sub3A_656 = arith.subi %add3A_469, %sub3A_655 : i32
          %add3A_657 = arith.constant 8 : i32
          %add3A_658 = arith.addi %sub3A_656, %add3A_657 : i32
          %add3A_659 = arith.addi %mul3A_4, %add3A_658 : i32
          %dma_start3A_660 = arith.constant 0 : i32
          %dma_start3A_661 = arith.constant 0 : i32
          %dma_start3A_662 = tpu.memref_slice %arg3[%dma_start3A_660, %add3A_659, %dma_start3A_661] : memref<3x5120x64xi32, #tpu.memory_space<hbm>> -> memref<3x1x64xi32, #tpu.memory_space<hbm>>
          %dma_start3A_663 = tpu.memref_squeeze %dma_start3A_662 : memref<3x1x64xi32, #tpu.memory_space<hbm>> -> memref<3x64xi32, #tpu.memory_space<hbm>>
          %dma_start3A_664 = arith.constant 0 : i32
          %dma_start3A_665 = arith.constant 0 : i32
          %dma_start3A_666 = tpu.memref_slice %arg3[%dma_start3A_664, %add3A_659, %dma_start3A_665] : memref<3x5120x64xi32, #tpu.memory_space<hbm>> -> memref<3x1x64xi32, #tpu.memory_space<hbm>>
          %dma_start3A_667 = tpu.memref_squeeze %dma_start3A_666 : memref<3x1x64xi32, #tpu.memory_space<hbm>> -> memref<3x64xi32, #tpu.memory_space<hbm>>
          tpu.enqueue_dma source(%dma_start3A_667 : memref<3x64xi32, #tpu.memory_space<hbm>>) target(%arg11 : memref<3x64xi32, #tpu.memory_space<vmem>>) target_semaphore(%arg23 : memref<!tpu.dma_semaphore, #tpu.memory_space<semaphore_mem>>)
        } else {
        }
        %add3A_622 = arith.constant 4 : i32
        %add3A_623 = arith.addi %add3A_469, %add3A_622 : i32
        %sub3A_624 = arith.constant 1 : i32
        %sub3A_625 = arith.subi %add3A_623, %sub3A_624 : i32
        %add3A_626 = arith.addi %mul3A_4, %sub3A_625 : i32
        %dma_wait3A_627 = arith.constant 0 : i32
        %dma_wait3A_628 = arith.constant 0 : i32
        %dma_wait3A_629 = tpu.memref_slice %arg3[%dma_wait3A_627, %add3A_626, %dma_wait3A_628] : memref<3x5120x64xi32, #tpu.memory_space<hbm>> -> memref<3x1x64xi32, #tpu.memory_space<hbm>>
        %dma_wait3A_630 = tpu.memref_squeeze %dma_wait3A_629 : memref<3x1x64xi32, #tpu.memory_space<hbm>> -> memref<3x64xi32, #tpu.memory_space<hbm>>
        %dma_wait3A_631 = arith.constant 0 : i32
        %dma_wait3A_632 = arith.constant 0 : i32
        %dma_wait3A_633 = tpu.memref_slice %arg3[%dma_wait3A_631, %add3A_626, %dma_wait3A_632] : memref<3x5120x64xi32, #tpu.memory_space<hbm>> -> memref<3x1x64xi32, #tpu.memory_space<hbm>>
        %dma_wait3A_634 = tpu.memref_squeeze %dma_wait3A_633 : memref<3x1x64xi32, #tpu.memory_space<hbm>> -> memref<3x64xi32, #tpu.memory_space<hbm>>
        tpu.wait_dma2 semaphore(%arg19 : memref<!tpu.dma_semaphore, #tpu.memory_space<semaphore_mem>>) src(%dma_wait3A_634 : memref<3x64xi32, #tpu.memory_space<hbm>>) dst(%arg7 : memref<3x64xi32, #tpu.memory_space<vmem>>)
        %dma_start3A_635 = arith.constant 1 : i32
        %dma_start3A_636 = arith.constant 0 : i32
        %dma_start3A_637 = arith.constant 0 : i32
        %dma_start3A_638 = tpu.memref_slice %arg15[%dma_start3A_636, %dma_start3A_637] : memref<64x128xf32, #tpu.memory_space<vmem>> -> memref<32x128xf32, #tpu.memory_space<vmem>>
        %dma_start3A_639 = arith.constant 0 : i32
        %dma_start3A_640 = tpu.memref_slice %arg7[%dma_start3A_635, %dma_start3A_639] : memref<3x64xi32, #tpu.memory_space<vmem>> -> memref<1x32xi32, #tpu.memory_space<vmem>>
        %dma_start3A_641 = tpu.memref_squeeze %dma_start3A_640 : memref<1x32xi32, #tpu.memory_space<vmem>> -> memref<32xi32, #tpu.memory_space<vmem>>
        %dma_start3A_642 = arith.constant 0 : i32
        %dma_start3A_643 = arith.constant 0 : i32
        %dma_start3A_644 = tpu.memref_slice %arg2[%dma_start3A_642, %dma_start3A_643] : memref<10000x128xf32, #tpu.memory_space<hbm>> -> memref<10000x128xf32, #tpu.memory_space<hbm>>
        tpu.enqueue_indirect_dma source(%dma_start3A_644 : memref<10000x128xf32, #tpu.memory_space<hbm>>) target(%dma_start3A_638 : memref<32x128xf32, #tpu.memory_space<vmem>>) offsets(%dma_start3A_641 : memref<32xi32, #tpu.memory_space<vmem>>) semaphore(%arg27 : memref<!tpu.dma_semaphore, #tpu.memory_space<semaphore_mem>>)
        %dma_start3A_645 = arith.constant 1 : i32
        %dma_start3A_646 = arith.constant 32 : i32
        %dma_start3A_647 = arith.constant 0 : i32
        %dma_start3A_648 = tpu.memref_slice %arg15[%dma_start3A_646, %dma_start3A_647] : memref<64x128xf32, #tpu.memory_space<vmem>> -> memref<32x128xf32, #tpu.memory_space<vmem>>
        %dma_start3A_649 = arith.constant 32 : i32
        %dma_start3A_650 = tpu.memref_slice %arg7[%dma_start3A_645, %dma_start3A_649] : memref<3x64xi32, #tpu.memory_space<vmem>> -> memref<1x32xi32, #tpu.memory_space<vmem>>
        %dma_start3A_651 = tpu.memref_squeeze %dma_start3A_650 : memref<1x32xi32, #tpu.memory_space<vmem>> -> memref<32xi32, #tpu.memory_space<vmem>>
        %dma_start3A_652 = arith.constant 0 : i32
        %dma_start3A_653 = arith.constant 0 : i32
        %dma_start3A_654 = tpu.memref_slice %arg2[%dma_start3A_652, %dma_start3A_653] : memref<10000x128xf32, #tpu.memory_space<hbm>> -> memref<10000x128xf32, #tpu.memory_space<hbm>>
        tpu.enqueue_indirect_dma source(%dma_start3A_654 : memref<10000x128xf32, #tpu.memory_space<hbm>>) target(%dma_start3A_648 : memref<32x128xf32, #tpu.memory_space<vmem>>) offsets(%dma_start3A_651 : memref<32xi32, #tpu.memory_space<vmem>>) semaphore(%arg28 : memref<!tpu.dma_semaphore, #tpu.memory_space<semaphore_mem>>)
      } else {
      }
      %add3A_514 = arith.constant 6 : i32
      %add3A_515 = arith.addi %add3A_243, %add3A_514 : i32
      %dma_wait3A_516 = arith.constant 1 : i32
      %dma_wait3A_517 = arith.constant 0 : i32
      %dma_wait3A_518 = arith.constant 0 : i32
      %dma_wait3A_519 = tpu.memref_slice %arg17[%dma_wait3A_517, %dma_wait3A_518] : memref<64x128xf32, #tpu.memory_space<vmem>> -> memref<32x128xf32, #tpu.memory_space<vmem>>
      %dma_wait3A_520 = arith.constant 0 : i32
      %dma_wait3A_521 = tpu.memref_slice %arg13[%dma_wait3A_516, %dma_wait3A_520] : memref<3x64xi32, #tpu.memory_space<vmem>> -> memref<1x32xi32, #tpu.memory_space<vmem>>
      %dma_wait3A_522 = tpu.memref_squeeze %dma_wait3A_521 : memref<1x32xi32, #tpu.memory_space<vmem>> -> memref<32xi32, #tpu.memory_space<vmem>>
      %dma_wait3A_523 = arith.constant 0 : i32
      %dma_wait3A_524 = arith.constant 0 : i32
      %dma_wait3A_525 = tpu.memref_slice %arg2[%dma_wait3A_523, %dma_wait3A_524] : memref<10000x128xf32, #tpu.memory_space<hbm>> -> memref<10000x128xf32, #tpu.memory_space<hbm>>
      tpu.wait_indirect_dma semaphore(%arg31 : memref<!tpu.dma_semaphore, #tpu.memory_space<semaphore_mem>>) src(%dma_wait3A_525 : memref<10000x128xf32, #tpu.memory_space<hbm>>) dst(%dma_wait3A_519 : memref<32x128xf32, #tpu.memory_space<vmem>>)
      %dma_wait3A_526 = arith.constant 1 : i32
      %dma_wait3A_527 = arith.constant 32 : i32
      %dma_wait3A_528 = arith.constant 0 : i32
      %dma_wait3A_529 = tpu.memref_slice %arg17[%dma_wait3A_527, %dma_wait3A_528] : memref<64x128xf32, #tpu.memory_space<vmem>> -> memref<32x128xf32, #tpu.memory_space<vmem>>
      %dma_wait3A_530 = arith.constant 32 : i32
      %dma_wait3A_531 = tpu.memref_slice %arg13[%dma_wait3A_526, %dma_wait3A_530] : memref<3x64xi32, #tpu.memory_space<vmem>> -> memref<1x32xi32, #tpu.memory_space<vmem>>
      %dma_wait3A_532 = tpu.memref_squeeze %dma_wait3A_531 : memref<1x32xi32, #tpu.memory_space<vmem>> -> memref<32xi32, #tpu.memory_space<vmem>>
      %dma_wait3A_533 = arith.constant 0 : i32
      %dma_wait3A_534 = arith.constant 0 : i32
      %dma_wait3A_535 = tpu.memref_slice %arg2[%dma_wait3A_533, %dma_wait3A_534] : memref<10000x128xf32, #tpu.memory_space<hbm>> -> memref<10000x128xf32, #tpu.memory_space<hbm>>
      tpu.wait_indirect_dma semaphore(%arg32 : memref<!tpu.dma_semaphore, #tpu.memory_space<semaphore_mem>>) src(%dma_wait3A_535 : memref<10000x128xf32, #tpu.memory_space<hbm>>) dst(%dma_wait3A_529 : memref<32x128xf32, #tpu.memory_space<vmem>>)
      %scan3A_536 = arith.constant 0 : i32
      %scan3A_537 = arith.constant 4 : i32
      %scan3A_538 = arith.addi %scan3A_536, %scan3A_537 : i32
      %scan3A_539 = arith.constant 1 : i32
      scf.for %scan3A_606 = %scan3A_536 to %scan3A_538 step %scan3A_539  : i32 {
        %mul3A_607 = arith.constant 16 : i32
        %mul3A_608 = arith.muli %scan3A_606, %mul3A_607 : i32
        %add3A_609 = arith.constant 0 : i32
        %add3A_610 = arith.addi %add3A_609, %mul3A_608 : i32
        %get3A = arith.constant 2 : i32
        %get3A_611 = arith.constant 0 : i32
        %get3A_612 = tpu.memref_slice %arg13[%get3A, %get3A_611] : memref<3x64xi32, #tpu.memory_space<vmem>> -> memref<1x64xi32, #tpu.memory_space<vmem>>
        %get3A_613 = tpu.memref_squeeze %get3A_612 : memref<1x64xi32, #tpu.memory_space<vmem>> -> memref<64xi32, #tpu.memory_space<vmem>>
        %get3A_614 = arith.index_cast %add3A_610 : i32 to index
        %get3A_615 = tpu.vector_load %get3A_613[%get3A_614] {strides = array<i32>} : memref<64xi32, #tpu.memory_space<vmem>>, vector<16xi32>,
        %bitcast3A = vector.bitcast %get3A_615 : vector<16xi32> to vector<16xf32>
        %scan3A_616 = arith.constant 0 : i32
        %scan3A_617 = arith.constant 16 : i32
        %scan3A_618 = arith.addi %scan3A_616, %scan3A_617 : i32
        %scan3A_619 = arith.constant 1 : i32
        scf.for %scan3A_621 = %scan3A_616 to %scan3A_618 step %scan3A_619  : i32 {
          %mul3A_622 = arith.constant 1 : i32
          %mul3A_623 = arith.muli %scan3A_621, %mul3A_622 : i32
          %add3A_624 = arith.constant 0 : i32
          %add3A_625 = arith.addi %add3A_624, %mul3A_623 : i32
          %broadcast_in_dim3A = vector.broadcast %add3A_625 : i32 to vector<16x1xi32>
          %gather3A = vector.shape_cast %broadcast_in_dim3A : vector<16x1xi32> to vector<16xi32>
          %gather3A_626 = tpu.dynamic_gather %bitcast3A[%gather3A] in [0] : vector<16xf32>, vector<16xi32> -> vector<16xf32>
          %add3A_627 = arith.addi %add3A_610, %add3A_625 : i32
          %get3A_628 = arith.index_cast %add3A_627 : i32 to index
          %get3A_629 = arith.constant 0 : index
          %get3A_630 = tpu.vector_load %arg17[%get3A_628, %get3A_629] {strides = array<i32>} : memref<64x128xf32, #tpu.memory_space<vmem>>, vector<16xf32>,
          %mul3A_631 = arith.mulf %get3A_630, %gather3A_626 : vector<16xf32>
          %swap3A = arith.index_cast %add3A_627 : i32 to index
          %swap3A_632 = arith.constant 0 : index
          %swap3A_633 = tpu.vector_load %arg17[%swap3A, %swap3A_632] {strides = array<i32>} : memref<64x128xf32, #tpu.memory_space<vmem>>, vector<16xf32>,
          tpu.vector_store %arg17[%swap3A, %swap3A_632], %mul3A_631 {strides = array<i32>} : memref<64x128xf32, #tpu.memory_space<vmem>>, vector<16xf32>,
          %get3A_634 = arith.index_cast %add3A_627 : i32 to index
          %get3A_635 = arith.constant 16 : index
          %get3A_636 = tpu.vector_load %arg17[%get3A_634, %get3A_635] {strides = array<i32>} : memref<64x128xf32, #tpu.memory_space<vmem>>, vector<16xf32>,
          %mul3A_637 = arith.mulf %get3A_636, %gather3A_626 : vector<16xf32>
          %swap3A_638 = arith.index_cast %add3A_627 : i32 to index
          %swap3A_639 = arith.constant 16 : index
          %swap3A_640 = tpu.vector_load %arg17[%swap3A_638, %swap3A_639] {strides = array<i32>} : memref<64x128xf32, #tpu.memory_space<vmem>>, vector<16xf32>,
          tpu.vector_store %arg17[%swap3A_638, %swap3A_639], %mul3A_637 {strides = array<i32>} : memref<64x128xf32, #tpu.memory_space<vmem>>, vector<16xf32>,
          %get3A_641 = arith.index_cast %add3A_627 : i32 to index
          %get3A_642 = arith.constant 32 : index
          %get3A_643 = tpu.vector_load %arg17[%get3A_641, %get3A_642] {strides = array<i32>} : memref<64x128xf32, #tpu.memory_space<vmem>>, vector<16xf32>,
          %mul3A_644 = arith.mulf %get3A_643, %gather3A_626 : vector<16xf32>
          %swap3A_645 = arith.index_cast %add3A_627 : i32 to index
          %swap3A_646 = arith.constant 32 : index
          %swap3A_647 = tpu.vector_load %arg17[%swap3A_645, %swap3A_646] {strides = array<i32>} : memref<64x128xf32, #tpu.memory_space<vmem>>, vector<16xf32>,
          tpu.vector_store %arg17[%swap3A_645, %swap3A_646], %mul3A_644 {strides = array<i32>} : memref<64x128xf32, #tpu.memory_space<vmem>>, vector<16xf32>,
          %get3A_648 = arith.index_cast %add3A_627 : i32 to index
          %get3A_649 = arith.constant 48 : index
          %get3A_650 = tpu.vector_load %arg17[%get3A_648, %get3A_649] {strides = array<i32>} : memref<64x128xf32, #tpu.memory_space<vmem>>, vector<16xf32>,
          %mul3A_651 = arith.mulf %get3A_650, %gather3A_626 : vector<16xf32>
          %swap3A_652 = arith.index_cast %add3A_627 : i32 to index
          %swap3A_653 = arith.constant 48 : index
          %swap3A_654 = tpu.vector_load %arg17[%swap3A_652, %swap3A_653] {strides = array<i32>} : memref<64x128xf32, #tpu.memory_space<vmem>>, vector<16xf32>,
          tpu.vector_store %arg17[%swap3A_652, %swap3A_653], %mul3A_651 {strides = array<i32>} : memref<64x128xf32, #tpu.memory_space<vmem>>, vector<16xf32>,
          %get3A_655 = arith.index_cast %add3A_627 : i32 to index
          %get3A_656 = arith.constant 64 : index
          %get3A_657 = tpu.vector_load %arg17[%get3A_655, %get3A_656] {strides = array<i32>} : memref<64x128xf32, #tpu.memory_space<vmem>>, vector<16xf32>,
          %mul3A_658 = arith.mulf %get3A_657, %gather3A_626 : vector<16xf32>
          %swap3A_659 = arith.index_cast %add3A_627 : i32 to index
          %swap3A_660 = arith.constant 64 : index
          %swap3A_661 = tpu.vector_load %arg17[%swap3A_659, %swap3A_660] {strides = array<i32>} : memref<64x128xf32, #tpu.memory_space<vmem>>, vector<16xf32>,
          tpu.vector_store %arg17[%swap3A_659, %swap3A_660], %mul3A_658 {strides = array<i32>} : memref<64x128xf32, #tpu.memory_space<vmem>>, vector<16xf32>,
          %get3A_662 = arith.index_cast %add3A_627 : i32 to index
          %get3A_663 = arith.constant 80 : index
          %get3A_664 = tpu.vector_load %arg17[%get3A_662, %get3A_663] {strides = array<i32>} : memref<64x128xf32, #tpu.memory_space<vmem>>, vector<16xf32>,
          %mul3A_665 = arith.mulf %get3A_664, %gather3A_626 : vector<16xf32>
          %swap3A_666 = arith.index_cast %add3A_627 : i32 to index
          %swap3A_667 = arith.constant 80 : index
          %swap3A_668 = tpu.vector_load %arg17[%swap3A_666, %swap3A_667] {strides = array<i32>} : memref<64x128xf32, #tpu.memory_space<vmem>>, vector<16xf32>,
          tpu.vector_store %arg17[%swap3A_666, %swap3A_667], %mul3A_665 {strides = array<i32>} : memref<64x128xf32, #tpu.memory_space<vmem>>, vector<16xf32>,
          %get3A_669 = arith.index_cast %add3A_627 : i32 to index
          %get3A_670 = arith.constant 96 : index
          %get3A_671 = tpu.vector_load %arg17[%get3A_669, %get3A_670] {strides = array<i32>} : memref<64x128xf32, #tpu.memory_space<vmem>>, vector<16xf32>,
          %mul3A_672 = arith.mulf %get3A_671, %gather3A_626 : vector<16xf32>
          %swap3A_673 = arith.index_cast %add3A_627 : i32 to index
          %swap3A_674 = arith.constant 96 : index
          %swap3A_675 = tpu.vector_load %arg17[%swap3A_673, %swap3A_674] {strides = array<i32>} : memref<64x128xf32, #tpu.memory_space<vmem>>, vector<16xf32>,
          tpu.vector_store %arg17[%swap3A_673, %swap3A_674], %mul3A_672 {strides = array<i32>} : memref<64x128xf32, #tpu.memory_space<vmem>>, vector<16xf32>,
          %get3A_676 = arith.index_cast %add3A_627 : i32 to index
          %get3A_677 = arith.constant 112 : index
          %get3A_678 = tpu.vector_load %arg17[%get3A_676, %get3A_677] {strides = array<i32>} : memref<64x128xf32, #tpu.memory_space<vmem>>, vector<16xf32>,
          %mul3A_679 = arith.mulf %get3A_678, %gather3A_626 : vector<16xf32>
          %swap3A_680 = arith.index_cast %add3A_627 : i32 to index
          %swap3A_681 = arith.constant 112 : index
          %swap3A_682 = tpu.vector_load %arg17[%swap3A_680, %swap3A_681] {strides = array<i32>} : memref<64x128xf32, #tpu.memory_space<vmem>>, vector<16xf32>,
          tpu.vector_store %arg17[%swap3A_680, %swap3A_681], %mul3A_679 {strides = array<i32>} : memref<64x128xf32, #tpu.memory_space<vmem>>, vector<16xf32>,
        }
        %scan3A_620 = arith.constant 16 : i32
      }
      %scan3A_540 = arith.constant 4 : i32
      %dma_start3A_541 = arith.constant 0 : i32
      %dma_start3A_542 = arith.constant 0 : i32
      %dma_start3A_543 = tpu.memref_slice %arg13[%dma_start3A_541, %dma_start3A_542] : memref<3x64xi32, #tpu.memory_space<vmem>> -> memref<1x64xi32, #tpu.memory_space<vmem>>
      %dma_start3A_544 = tpu.memref_squeeze %dma_start3A_543 : memref<1x64xi32, #tpu.memory_space<vmem>> -> memref<64xi32, #tpu.memory_space<vmem>>
      %dma_start3A_545 = arith.constant 0 : i32
      %dma_start3A_546 = arith.constant 0 : i32
      %dma_start3A_547 = tpu.memref_slice %arg6[%dma_start3A_545, %dma_start3A_546] : memref<10240x128xf32, #tpu.memory_space<vmem_shared>> -> memref<10240x128xf32, #tpu.memory_space<vmem_shared>>
      tpu.enqueue_indirect_dma source(%arg17 : memref<64x128xf32, #tpu.memory_space<vmem>>) target(%dma_start3A_547 : memref<10240x128xf32, #tpu.memory_space<vmem_shared>>) offsets(%dma_start3A_544 : memref<64xi32, #tpu.memory_space<vmem>>) semaphore(%arg37 : memref<!tpu.dma_semaphore, #tpu.memory_space<semaphore_mem>>) {add = true}
      %ge3A_548 = arith.constant 1 : i32
      %ge3A_549 = arith.cmpi sge, %add3A_515, %ge3A_548 : i32
      %add3A_550 = arith.constant 4 : i32
      %add3A_551 = arith.addi %add3A_515, %add3A_550 : i32
      %sub3A_552 = arith.constant 1 : i32
      %sub3A_553 = arith.subi %add3A_551, %sub3A_552 : i32
      %lt3A_554 = arith.constant 160 : i32
      %lt3A_555 = arith.cmpi slt, %sub3A_553, %lt3A_554 : i32
      %and3A_556 = arith.andi %ge3A_549, %lt3A_555 : i1
      %convert_element_type3A_557 = arith.extui %and3A_556 : i1 to i32
      %cond3A_558 = arith.constant 0 : i32
      %cond3A_559 = arith.cmpi ne, %convert_element_type3A_557, %cond3A_558 : i32
      scf.if %cond3A_559 {
        %dma_wait3A_606 = arith.constant 0 : i32
        %dma_wait3A_607 = arith.constant 0 : i32
        %dma_wait3A_608 = tpu.memref_slice %arg12[%dma_wait3A_606, %dma_wait3A_607] : memref<3x64xi32, #tpu.memory_space<vmem>> -> memref<1x64xi32, #tpu.memory_space<vmem>>
        %dma_wait3A_609 = tpu.memref_squeeze %dma_wait3A_608 : memref<1x64xi32, #tpu.memory_space<vmem>> -> memref<64xi32, #tpu.memory_space<vmem>>
        %dma_wait3A_610 = arith.constant 0 : i32
        %dma_wait3A_611 = arith.constant 0 : i32
        %dma_wait3A_612 = tpu.memref_slice %arg6[%dma_wait3A_610, %dma_wait3A_611] : memref<10240x128xf32, #tpu.memory_space<vmem_shared>> -> memref<10240x128xf32, #tpu.memory_space<vmem_shared>>
        tpu.wait_indirect_dma semaphore(%arg36 : memref<!tpu.dma_semaphore, #tpu.memory_space<semaphore_mem>>) src(%arg16 : memref<64x128xf32, #tpu.memory_space<vmem>>) dst(%dma_wait3A_612 : memref<10240x128xf32, #tpu.memory_space<vmem_shared>>)
        %sub3A_613 = arith.constant 1 : i32
        %sub3A_614 = arith.subi %add3A_515, %sub3A_613 : i32
        %add3A_615 = arith.constant 8 : i32
        %add3A_616 = arith.addi %sub3A_614, %add3A_615 : i32
        %lt3A_617 = arith.constant 160 : i32
        %lt3A_618 = arith.cmpi slt, %add3A_616, %lt3A_617 : i32
        %convert_element_type3A_619 = arith.extui %lt3A_618 : i1 to i32
        %cond3A_620 = arith.constant 0 : i32
        %cond3A_621 = arith.cmpi ne, %convert_element_type3A_619, %cond3A_620 : i32
        scf.if %cond3A_621 {
          %sub3A_655 = arith.constant 1 : i32
          %sub3A_656 = arith.subi %add3A_515, %sub3A_655 : i32
          %add3A_657 = arith.constant 8 : i32
          %add3A_658 = arith.addi %sub3A_656, %add3A_657 : i32
          %add3A_659 = arith.addi %mul3A_4, %add3A_658 : i32
          %dma_start3A_660 = arith.constant 0 : i32
          %dma_start3A_661 = arith.constant 0 : i32
          %dma_start3A_662 = tpu.memref_slice %arg3[%dma_start3A_660, %add3A_659, %dma_start3A_661] : memref<3x5120x64xi32, #tpu.memory_space<hbm>> -> memref<3x1x64xi32, #tpu.memory_space<hbm>>
          %dma_start3A_663 = tpu.memref_squeeze %dma_start3A_662 : memref<3x1x64xi32, #tpu.memory_space<hbm>> -> memref<3x64xi32, #tpu.memory_space<hbm>>
          %dma_start3A_664 = arith.constant 0 : i32
          %dma_start3A_665 = arith.constant 0 : i32
          %dma_start3A_666 = tpu.memref_slice %arg3[%dma_start3A_664, %add3A_659, %dma_start3A_665] : memref<3x5120x64xi32, #tpu.memory_space<hbm>> -> memref<3x1x64xi32, #tpu.memory_space<hbm>>
          %dma_start3A_667 = tpu.memref_squeeze %dma_start3A_666 : memref<3x1x64xi32, #tpu.memory_space<hbm>> -> memref<3x64xi32, #tpu.memory_space<hbm>>
          tpu.enqueue_dma source(%dma_start3A_667 : memref<3x64xi32, #tpu.memory_space<hbm>>) target(%arg12 : memref<3x64xi32, #tpu.memory_space<vmem>>) target_semaphore(%arg24 : memref<!tpu.dma_semaphore, #tpu.memory_space<semaphore_mem>>)
        } else {
        }
        %add3A_622 = arith.constant 4 : i32
        %add3A_623 = arith.addi %add3A_515, %add3A_622 : i32
        %sub3A_624 = arith.constant 1 : i32
        %sub3A_625 = arith.subi %add3A_623, %sub3A_624 : i32
        %add3A_626 = arith.addi %mul3A_4, %sub3A_625 : i32
        %dma_wait3A_627 = arith.constant 0 : i32
        %dma_wait3A_628 = arith.constant 0 : i32
        %dma_wait3A_629 = tpu.memref_slice %arg3[%dma_wait3A_627, %add3A_626, %dma_wait3A_628] : memref<3x5120x64xi32, #tpu.memory_space<hbm>> -> memref<3x1x64xi32, #tpu.memory_space<hbm>>
        %dma_wait3A_630 = tpu.memref_squeeze %dma_wait3A_629 : memref<3x1x64xi32, #tpu.memory_space<hbm>> -> memref<3x64xi32, #tpu.memory_space<hbm>>
        %dma_wait3A_631 = arith.constant 0 : i32
        %dma_wait3A_632 = arith.constant 0 : i32
        %dma_wait3A_633 = tpu.memref_slice %arg3[%dma_wait3A_631, %add3A_626, %dma_wait3A_632] : memref<3x5120x64xi32, #tpu.memory_space<hbm>> -> memref<3x1x64xi32, #tpu.memory_space<hbm>>
        %dma_wait3A_634 = tpu.memref_squeeze %dma_wait3A_633 : memref<3x1x64xi32, #tpu.memory_space<hbm>> -> memref<3x64xi32, #tpu.memory_space<hbm>>
        tpu.wait_dma2 semaphore(%arg20 : memref<!tpu.dma_semaphore, #tpu.memory_space<semaphore_mem>>) src(%dma_wait3A_634 : memref<3x64xi32, #tpu.memory_space<hbm>>) dst(%arg8 : memref<3x64xi32, #tpu.memory_space<vmem>>)
        %dma_start3A_635 = arith.constant 1 : i32
        %dma_start3A_636 = arith.constant 0 : i32
        %dma_start3A_637 = arith.constant 0 : i32
        %dma_start3A_638 = tpu.memref_slice %arg16[%dma_start3A_636, %dma_start3A_637] : memref<64x128xf32, #tpu.memory_space<vmem>> -> memref<32x128xf32, #tpu.memory_space<vmem>>
        %dma_start3A_639 = arith.constant 0 : i32
        %dma_start3A_640 = tpu.memref_slice %arg8[%dma_start3A_635, %dma_start3A_639] : memref<3x64xi32, #tpu.memory_space<vmem>> -> memref<1x32xi32, #tpu.memory_space<vmem>>
        %dma_start3A_641 = tpu.memref_squeeze %dma_start3A_640 : memref<1x32xi32, #tpu.memory_space<vmem>> -> memref<32xi32, #tpu.memory_space<vmem>>
        %dma_start3A_642 = arith.constant 0 : i32
        %dma_start3A_643 = arith.constant 0 : i32
        %dma_start3A_644 = tpu.memref_slice %arg2[%dma_start3A_642, %dma_start3A_643] : memref<10000x128xf32, #tpu.memory_space<hbm>> -> memref<10000x128xf32, #tpu.memory_space<hbm>>
        tpu.enqueue_indirect_dma source(%dma_start3A_644 : memref<10000x128xf32, #tpu.memory_space<hbm>>) target(%dma_start3A_638 : memref<32x128xf32, #tpu.memory_space<vmem>>) offsets(%dma_start3A_641 : memref<32xi32, #tpu.memory_space<vmem>>) semaphore(%arg29 : memref<!tpu.dma_semaphore, #tpu.memory_space<semaphore_mem>>)
        %dma_start3A_645 = arith.constant 1 : i32
        %dma_start3A_646 = arith.constant 32 : i32
        %dma_start3A_647 = arith.constant 0 : i32
        %dma_start3A_648 = tpu.memref_slice %arg16[%dma_start3A_646, %dma_start3A_647] : memref<64x128xf32, #tpu.memory_space<vmem>> -> memref<32x128xf32, #tpu.memory_space<vmem>>
        %dma_start3A_649 = arith.constant 32 : i32
        %dma_start3A_650 = tpu.memref_slice %arg8[%dma_start3A_645, %dma_start3A_649] : memref<3x64xi32, #tpu.memory_space<vmem>> -> memref<1x32xi32, #tpu.memory_space<vmem>>
        %dma_start3A_651 = tpu.memref_squeeze %dma_start3A_650 : memref<1x32xi32, #tpu.memory_space<vmem>> -> memref<32xi32, #tpu.memory_space<vmem>>
        %dma_start3A_652 = arith.constant 0 : i32
        %dma_start3A_653 = arith.constant 0 : i32
        %dma_start3A_654 = tpu.memref_slice %arg2[%dma_start3A_652, %dma_start3A_653] : memref<10000x128xf32, #tpu.memory_space<hbm>> -> memref<10000x128xf32, #tpu.memory_space<hbm>>
        tpu.enqueue_indirect_dma source(%dma_start3A_654 : memref<10000x128xf32, #tpu.memory_space<hbm>>) target(%dma_start3A_648 : memref<32x128xf32, #tpu.memory_space<vmem>>) offsets(%dma_start3A_651 : memref<32xi32, #tpu.memory_space<vmem>>) semaphore(%arg30 : memref<!tpu.dma_semaphore, #tpu.memory_space<semaphore_mem>>)
      } else {
      }
      %add3A_560 = arith.constant 7 : i32
      %add3A_561 = arith.addi %add3A_243, %add3A_560 : i32
      %dma_wait3A_562 = arith.constant 1 : i32
      %dma_wait3A_563 = arith.constant 0 : i32
      %dma_wait3A_564 = arith.constant 0 : i32
      %dma_wait3A_565 = tpu.memref_slice %arg18[%dma_wait3A_563, %dma_wait3A_564] : memref<64x128xf32, #tpu.memory_space<vmem>> -> memref<32x128xf32, #tpu.memory_space<vmem>>
      %dma_wait3A_566 = arith.constant 0 : i32
      %dma_wait3A_567 = tpu.memref_slice %arg14[%dma_wait3A_562, %dma_wait3A_566] : memref<3x64xi32, #tpu.memory_space<vmem>> -> memref<1x32xi32, #tpu.memory_space<vmem>>
      %dma_wait3A_568 = tpu.memref_squeeze %dma_wait3A_567 : memref<1x32xi32, #tpu.memory_space<vmem>> -> memref<32xi32, #tpu.memory_space<vmem>>
      %dma_wait3A_569 = arith.constant 0 : i32
      %dma_wait3A_570 = arith.constant 0 : i32
      %dma_wait3A_571 = tpu.memref_slice %arg2[%dma_wait3A_569, %dma_wait3A_570] : memref<10000x128xf32, #tpu.memory_space<hbm>> -> memref<10000x128xf32, #tpu.memory_space<hbm>>
      tpu.wait_indirect_dma semaphore(%arg33 : memref<!tpu.dma_semaphore, #tpu.memory_space<semaphore_mem>>) src(%dma_wait3A_571 : memref<10000x128xf32, #tpu.memory_space<hbm>>) dst(%dma_wait3A_565 : memref<32x128xf32, #tpu.memory_space<vmem>>)
      %dma_wait3A_572 = arith.constant 1 : i32
      %dma_wait3A_573 = arith.constant 32 : i32
      %dma_wait3A_574 = arith.constant 0 : i32
      %dma_wait3A_575 = tpu.memref_slice %arg18[%dma_wait3A_573, %dma_wait3A_574] : memref<64x128xf32, #tpu.memory_space<vmem>> -> memref<32x128xf32, #tpu.memory_space<vmem>>
      %dma_wait3A_576 = arith.constant 32 : i32
      %dma_wait3A_577 = tpu.memref_slice %arg14[%dma_wait3A_572, %dma_wait3A_576] : memref<3x64xi32, #tpu.memory_space<vmem>> -> memref<1x32xi32, #tpu.memory_space<vmem>>
      %dma_wait3A_578 = tpu.memref_squeeze %dma_wait3A_577 : memref<1x32xi32, #tpu.memory_space<vmem>> -> memref<32xi32, #tpu.memory_space<vmem>>
      %dma_wait3A_579 = arith.constant 0 : i32
      %dma_wait3A_580 = arith.constant 0 : i32
      %dma_wait3A_581 = tpu.memref_slice %arg2[%dma_wait3A_579, %dma_wait3A_580] : memref<10000x128xf32, #tpu.memory_space<hbm>> -> memref<10000x128xf32, #tpu.memory_space<hbm>>
      tpu.wait_indirect_dma semaphore(%arg34 : memref<!tpu.dma_semaphore, #tpu.memory_space<semaphore_mem>>) src(%dma_wait3A_581 : memref<10000x128xf32, #tpu.memory_space<hbm>>) dst(%dma_wait3A_575 : memref<32x128xf32, #tpu.memory_space<vmem>>)
      %scan3A_582 = arith.constant 0 : i32
      %scan3A_583 = arith.constant 4 : i32
      %scan3A_584 = arith.addi %scan3A_582, %scan3A_583 : i32
      %scan3A_585 = arith.constant 1 : i32
      scf.for %scan3A_606 = %scan3A_582 to %scan3A_584 step %scan3A_585  : i32 {
        %mul3A_607 = arith.constant 16 : i32
        %mul3A_608 = arith.muli %scan3A_606, %mul3A_607 : i32
        %add3A_609 = arith.constant 0 : i32
        %add3A_610 = arith.addi %add3A_609, %mul3A_608 : i32
        %get3A = arith.constant 2 : i32
        %get3A_611 = arith.constant 0 : i32
        %get3A_612 = tpu.memref_slice %arg14[%get3A, %get3A_611] : memref<3x64xi32, #tpu.memory_space<vmem>> -> memref<1x64xi32, #tpu.memory_space<vmem>>
        %get3A_613 = tpu.memref_squeeze %get3A_612 : memref<1x64xi32, #tpu.memory_space<vmem>> -> memref<64xi32, #tpu.memory_space<vmem>>
        %get3A_614 = arith.index_cast %add3A_610 : i32 to index
        %get3A_615 = tpu.vector_load %get3A_613[%get3A_614] {strides = array<i32>} : memref<64xi32, #tpu.memory_space<vmem>>, vector<16xi32>,
        %bitcast3A = vector.bitcast %get3A_615 : vector<16xi32> to vector<16xf32>
        %scan3A_616 = arith.constant 0 : i32
        %scan3A_617 = arith.constant 16 : i32
        %scan3A_618 = arith.addi %scan3A_616, %scan3A_617 : i32
        %scan3A_619 = arith.constant 1 : i32
        scf.for %scan3A_621 = %scan3A_616 to %scan3A_618 step %scan3A_619  : i32 {
          %mul3A_622 = arith.constant 1 : i32
          %mul3A_623 = arith.muli %scan3A_621, %mul3A_622 : i32
          %add3A_624 = arith.constant 0 : i32
          %add3A_625 = arith.addi %add3A_624, %mul3A_623 : i32
          %broadcast_in_dim3A = vector.broadcast %add3A_625 : i32 to vector<16x1xi32>
          %gather3A = vector.shape_cast %broadcast_in_dim3A : vector<16x1xi32> to vector<16xi32>
          %gather3A_626 = tpu.dynamic_gather %bitcast3A[%gather3A] in [0] : vector<16xf32>, vector<16xi32> -> vector<16xf32>
          %add3A_627 = arith.addi %add3A_610, %add3A_625 : i32
          %get3A_628 = arith.index_cast %add3A_627 : i32 to index
          %get3A_629 = arith.constant 0 : index
          %get3A_630 = tpu.vector_load %arg18[%get3A_628, %get3A_629] {strides = array<i32>} : memref<64x128xf32, #tpu.memory_space<vmem>>, vector<16xf32>,
          %mul3A_631 = arith.mulf %get3A_630, %gather3A_626 : vector<16xf32>
          %swap3A = arith.index_cast %add3A_627 : i32 to index
          %swap3A_632 = arith.constant 0 : index
          %swap3A_633 = tpu.vector_load %arg18[%swap3A, %swap3A_632] {strides = array<i32>} : memref<64x128xf32, #tpu.memory_space<vmem>>, vector<16xf32>,
          tpu.vector_store %arg18[%swap3A, %swap3A_632], %mul3A_631 {strides = array<i32>} : memref<64x128xf32, #tpu.memory_space<vmem>>, vector<16xf32>,
          %get3A_634 = arith.index_cast %add3A_627 : i32 to index
          %get3A_635 = arith.constant 16 : index
          %get3A_636 = tpu.vector_load %arg18[%get3A_634, %get3A_635] {strides = array<i32>} : memref<64x128xf32, #tpu.memory_space<vmem>>, vector<16xf32>,
          %mul3A_637 = arith.mulf %get3A_636, %gather3A_626 : vector<16xf32>
          %swap3A_638 = arith.index_cast %add3A_627 : i32 to index
          %swap3A_639 = arith.constant 16 : index
          %swap3A_640 = tpu.vector_load %arg18[%swap3A_638, %swap3A_639] {strides = array<i32>} : memref<64x128xf32, #tpu.memory_space<vmem>>, vector<16xf32>,
          tpu.vector_store %arg18[%swap3A_638, %swap3A_639], %mul3A_637 {strides = array<i32>} : memref<64x128xf32, #tpu.memory_space<vmem>>, vector<16xf32>,
          %get3A_641 = arith.index_cast %add3A_627 : i32 to index
          %get3A_642 = arith.constant 32 : index
          %get3A_643 = tpu.vector_load %arg18[%get3A_641, %get3A_642] {strides = array<i32>} : memref<64x128xf32, #tpu.memory_space<vmem>>, vector<16xf32>,
          %mul3A_644 = arith.mulf %get3A_643, %gather3A_626 : vector<16xf32>
          %swap3A_645 = arith.index_cast %add3A_627 : i32 to index
          %swap3A_646 = arith.constant 32 : index
          %swap3A_647 = tpu.vector_load %arg18[%swap3A_645, %swap3A_646] {strides = array<i32>} : memref<64x128xf32, #tpu.memory_space<vmem>>, vector<16xf32>,
          tpu.vector_store %arg18[%swap3A_645, %swap3A_646], %mul3A_644 {strides = array<i32>} : memref<64x128xf32, #tpu.memory_space<vmem>>, vector<16xf32>,
          %get3A_648 = arith.index_cast %add3A_627 : i32 to index
          %get3A_649 = arith.constant 48 : index
          %get3A_650 = tpu.vector_load %arg18[%get3A_648, %get3A_649] {strides = array<i32>} : memref<64x128xf32, #tpu.memory_space<vmem>>, vector<16xf32>,
          %mul3A_651 = arith.mulf %get3A_650, %gather3A_626 : vector<16xf32>
          %swap3A_652 = arith.index_cast %add3A_627 : i32 to index
          %swap3A_653 = arith.constant 48 : index
          %swap3A_654 = tpu.vector_load %arg18[%swap3A_652, %swap3A_653] {strides = array<i32>} : memref<64x128xf32, #tpu.memory_space<vmem>>, vector<16xf32>,
          tpu.vector_store %arg18[%swap3A_652, %swap3A_653], %mul3A_651 {strides = array<i32>} : memref<64x128xf32, #tpu.memory_space<vmem>>, vector<16xf32>,
          %get3A_655 = arith.index_cast %add3A_627 : i32 to index
          %get3A_656 = arith.constant 64 : index
          %get3A_657 = tpu.vector_load %arg18[%get3A_655, %get3A_656] {strides = array<i32>} : memref<64x128xf32, #tpu.memory_space<vmem>>, vector<16xf32>,
          %mul3A_658 = arith.mulf %get3A_657, %gather3A_626 : vector<16xf32>
          %swap3A_659 = arith.index_cast %add3A_627 : i32 to index
          %swap3A_660 = arith.constant 64 : index
          %swap3A_661 = tpu.vector_load %arg18[%swap3A_659, %swap3A_660] {strides = array<i32>} : memref<64x128xf32, #tpu.memory_space<vmem>>, vector<16xf32>,
          tpu.vector_store %arg18[%swap3A_659, %swap3A_660], %mul3A_658 {strides = array<i32>} : memref<64x128xf32, #tpu.memory_space<vmem>>, vector<16xf32>,
          %get3A_662 = arith.index_cast %add3A_627 : i32 to index
          %get3A_663 = arith.constant 80 : index
          %get3A_664 = tpu.vector_load %arg18[%get3A_662, %get3A_663] {strides = array<i32>} : memref<64x128xf32, #tpu.memory_space<vmem>>, vector<16xf32>,
          %mul3A_665 = arith.mulf %get3A_664, %gather3A_626 : vector<16xf32>
          %swap3A_666 = arith.index_cast %add3A_627 : i32 to index
          %swap3A_667 = arith.constant 80 : index
          %swap3A_668 = tpu.vector_load %arg18[%swap3A_666, %swap3A_667] {strides = array<i32>} : memref<64x128xf32, #tpu.memory_space<vmem>>, vector<16xf32>,
          tpu.vector_store %arg18[%swap3A_666, %swap3A_667], %mul3A_665 {strides = array<i32>} : memref<64x128xf32, #tpu.memory_space<vmem>>, vector<16xf32>,
          %get3A_669 = arith.index_cast %add3A_627 : i32 to index
          %get3A_670 = arith.constant 96 : index
          %get3A_671 = tpu.vector_load %arg18[%get3A_669, %get3A_670] {strides = array<i32>} : memref<64x128xf32, #tpu.memory_space<vmem>>, vector<16xf32>,
          %mul3A_672 = arith.mulf %get3A_671, %gather3A_626 : vector<16xf32>
          %swap3A_673 = arith.index_cast %add3A_627 : i32 to index
          %swap3A_674 = arith.constant 96 : index
          %swap3A_675 = tpu.vector_load %arg18[%swap3A_673, %swap3A_674] {strides = array<i32>} : memref<64x128xf32, #tpu.memory_space<vmem>>, vector<16xf32>,
          tpu.vector_store %arg18[%swap3A_673, %swap3A_674], %mul3A_672 {strides = array<i32>} : memref<64x128xf32, #tpu.memory_space<vmem>>, vector<16xf32>,
          %get3A_676 = arith.index_cast %add3A_627 : i32 to index
          %get3A_677 = arith.constant 112 : index
          %get3A_678 = tpu.vector_load %arg18[%get3A_676, %get3A_677] {strides = array<i32>} : memref<64x128xf32, #tpu.memory_space<vmem>>, vector<16xf32>,
          %mul3A_679 = arith.mulf %get3A_678, %gather3A_626 : vector<16xf32>
          %swap3A_680 = arith.index_cast %add3A_627 : i32 to index
          %swap3A_681 = arith.constant 112 : index
          %swap3A_682 = tpu.vector_load %arg18[%swap3A_680, %swap3A_681] {strides = array<i32>} : memref<64x128xf32, #tpu.memory_space<vmem>>, vector<16xf32>,
          tpu.vector_store %arg18[%swap3A_680, %swap3A_681], %mul3A_679 {strides = array<i32>} : memref<64x128xf32, #tpu.memory_space<vmem>>, vector<16xf32>,
        }
        %scan3A_620 = arith.constant 16 : i32
      }
      %scan3A_586 = arith.constant 4 : i32
      %dma_start3A_587 = arith.constant 0 : i32
      %dma_start3A_588 = arith.constant 0 : i32
      %dma_start3A_589 = tpu.memref_slice %arg14[%dma_start3A_587, %dma_start3A_588] : memref<3x64xi32, #tpu.memory_space<vmem>> -> memref<1x64xi32, #tpu.memory_space<vmem>>
      %dma_start3A_590 = tpu.memref_squeeze %dma_start3A_589 : memref<1x64xi32, #tpu.memory_space<vmem>> -> memref<64xi32, #tpu.memory_space<vmem>>
      %dma_start3A_591 = arith.constant 0 : i32
      %dma_start3A_592 = arith.constant 0 : i32
      %dma_start3A_593 = tpu.memref_slice %arg6[%dma_start3A_591, %dma_start3A_592] : memref<10240x128xf32, #tpu.memory_space<vmem_shared>> -> memref<10240x128xf32, #tpu.memory_space<vmem_shared>>
      tpu.enqueue_indirect_dma source(%arg18 : memref<64x128xf32, #tpu.memory_space<vmem>>) target(%dma_start3A_593 : memref<10240x128xf32, #tpu.memory_space<vmem_shared>>) offsets(%dma_start3A_590 : memref<64xi32, #tpu.memory_space<vmem>>) semaphore(%arg38 : memref<!tpu.dma_semaphore, #tpu.memory_space<semaphore_mem>>) {add = true}
      %ge3A_594 = arith.constant 1 : i32
      %ge3A_595 = arith.cmpi sge, %add3A_561, %ge3A_594 : i32
      %add3A_596 = arith.constant 4 : i32
      %add3A_597 = arith.addi %add3A_561, %add3A_596 : i32
      %sub3A_598 = arith.constant 1 : i32
      %sub3A_599 = arith.subi %add3A_597, %sub3A_598 : i32
      %lt3A_600 = arith.constant 160 : i32
      %lt3A_601 = arith.cmpi slt, %sub3A_599, %lt3A_600 : i32
      %and3A_602 = arith.andi %ge3A_595, %lt3A_601 : i1
      %convert_element_type3A_603 = arith.extui %and3A_602 : i1 to i32
      %cond3A_604 = arith.constant 0 : i32
      %cond3A_605 = arith.cmpi ne, %convert_element_type3A_603, %cond3A_604 : i32
      scf.if %cond3A_605 {
        %dma_wait3A_606 = arith.constant 0 : i32
        %dma_wait3A_607 = arith.constant 0 : i32
        %dma_wait3A_608 = tpu.memref_slice %arg13[%dma_wait3A_606, %dma_wait3A_607] : memref<3x64xi32, #tpu.memory_space<vmem>> -> memref<1x64xi32, #tpu.memory_space<vmem>>
        %dma_wait3A_609 = tpu.memref_squeeze %dma_wait3A_608 : memref<1x64xi32, #tpu.memory_space<vmem>> -> memref<64xi32, #tpu.memory_space<vmem>>
        %dma_wait3A_610 = arith.constant 0 : i32
        %dma_wait3A_611 = arith.constant 0 : i32
        %dma_wait3A_612 = tpu.memref_slice %arg6[%dma_wait3A_610, %dma_wait3A_611] : memref<10240x128xf32, #tpu.memory_space<vmem_shared>> -> memref<10240x128xf32, #tpu.memory_space<vmem_shared>>
        tpu.wait_indirect_dma semaphore(%arg37 : memref<!tpu.dma_semaphore, #tpu.memory_space<semaphore_mem>>) src(%arg17 : memref<64x128xf32, #tpu.memory_space<vmem>>) dst(%dma_wait3A_612 : memref<10240x128xf32, #tpu.memory_space<vmem_shared>>)
        %sub3A_613 = arith.constant 1 : i32
        %sub3A_614 = arith.subi %add3A_561, %sub3A_613 : i32
        %add3A_615 = arith.constant 8 : i32
        %add3A_616 = arith.addi %sub3A_614, %add3A_615 : i32
        %lt3A_617 = arith.constant 160 : i32
        %lt3A_618 = arith.cmpi slt, %add3A_616, %lt3A_617 : i32
        %convert_element_type3A_619 = arith.extui %lt3A_618 : i1 to i32
        %cond3A_620 = arith.constant 0 : i32
        %cond3A_621 = arith.cmpi ne, %convert_element_type3A_619, %cond3A_620 : i32
        scf.if %cond3A_621 {
          %sub3A_655 = arith.constant 1 : i32
          %sub3A_656 = arith.subi %add3A_561, %sub3A_655 : i32
          %add3A_657 = arith.constant 8 : i32
          %add3A_658 = arith.addi %sub3A_656, %add3A_657 : i32
          %add3A_659 = arith.addi %mul3A_4, %add3A_658 : i32
          %dma_start3A_660 = arith.constant 0 : i32
          %dma_start3A_661 = arith.constant 0 : i32
          %dma_start3A_662 = tpu.memref_slice %arg3[%dma_start3A_660, %add3A_659, %dma_start3A_661] : memref<3x5120x64xi32, #tpu.memory_space<hbm>> -> memref<3x1x64xi32, #tpu.memory_space<hbm>>
          %dma_start3A_663 = tpu.memref_squeeze %dma_start3A_662 : memref<3x1x64xi32, #tpu.memory_space<hbm>> -> memref<3x64xi32, #tpu.memory_space<hbm>>
          %dma_start3A_664 = arith.constant 0 : i32
          %dma_start3A_665 = arith.constant 0 : i32
          %dma_start3A_666 = tpu.memref_slice %arg3[%dma_start3A_664, %add3A_659, %dma_start3A_665] : memref<3x5120x64xi32, #tpu.memory_space<hbm>> -> memref<3x1x64xi32, #tpu.memory_space<hbm>>
          %dma_start3A_667 = tpu.memref_squeeze %dma_start3A_666 : memref<3x1x64xi32, #tpu.memory_space<hbm>> -> memref<3x64xi32, #tpu.memory_space<hbm>>
          tpu.enqueue_dma source(%dma_start3A_667 : memref<3x64xi32, #tpu.memory_space<hbm>>) target(%arg13 : memref<3x64xi32, #tpu.memory_space<vmem>>) target_semaphore(%arg25 : memref<!tpu.dma_semaphore, #tpu.memory_space<semaphore_mem>>)
        } else {
        }
        %add3A_622 = arith.constant 4 : i32
        %add3A_623 = arith.addi %add3A_561, %add3A_622 : i32
        %sub3A_624 = arith.constant 1 : i32
        %sub3A_625 = arith.subi %add3A_623, %sub3A_624 : i32
        %add3A_626 = arith.addi %mul3A_4, %sub3A_625 : i32
        %dma_wait3A_627 = arith.constant 0 : i32
        %dma_wait3A_628 = arith.constant 0 : i32
        %dma_wait3A_629 = tpu.memref_slice %arg3[%dma_wait3A_627, %add3A_626, %dma_wait3A_628] : memref<3x5120x64xi32, #tpu.memory_space<hbm>> -> memref<3x1x64xi32, #tpu.memory_space<hbm>>
        %dma_wait3A_630 = tpu.memref_squeeze %dma_wait3A_629 : memref<3x1x64xi32, #tpu.memory_space<hbm>> -> memref<3x64xi32, #tpu.memory_space<hbm>>
        %dma_wait3A_631 = arith.constant 0 : i32
        %dma_wait3A_632 = arith.constant 0 : i32
        %dma_wait3A_633 = tpu.memref_slice %arg3[%dma_wait3A_631, %add3A_626, %dma_wait3A_632] : memref<3x5120x64xi32, #tpu.memory_space<hbm>> -> memref<3x1x64xi32, #tpu.memory_space<hbm>>
        %dma_wait3A_634 = tpu.memref_squeeze %dma_wait3A_633 : memref<3x1x64xi32, #tpu.memory_space<hbm>> -> memref<3x64xi32, #tpu.memory_space<hbm>>
        tpu.wait_dma2 semaphore(%arg21 : memref<!tpu.dma_semaphore, #tpu.memory_space<semaphore_mem>>) src(%dma_wait3A_634 : memref<3x64xi32, #tpu.memory_space<hbm>>) dst(%arg9 : memref<3x64xi32, #tpu.memory_space<vmem>>)
        %dma_start3A_635 = arith.constant 1 : i32
        %dma_start3A_636 = arith.constant 0 : i32
        %dma_start3A_637 = arith.constant 0 : i32
        %dma_start3A_638 = tpu.memref_slice %arg17[%dma_start3A_636, %dma_start3A_637] : memref<64x128xf32, #tpu.memory_space<vmem>> -> memref<32x128xf32, #tpu.memory_space<vmem>>
        %dma_start3A_639 = arith.constant 0 : i32
        %dma_start3A_640 = tpu.memref_slice %arg9[%dma_start3A_635, %dma_start3A_639] : memref<3x64xi32, #tpu.memory_space<vmem>> -> memref<1x32xi32, #tpu.memory_space<vmem>>
        %dma_start3A_641 = tpu.memref_squeeze %dma_start3A_640 : memref<1x32xi32, #tpu.memory_space<vmem>> -> memref<32xi32, #tpu.memory_space<vmem>>
        %dma_start3A_642 = arith.constant 0 : i32
        %dma_start3A_643 = arith.constant 0 : i32
        %dma_start3A_644 = tpu.memref_slice %arg2[%dma_start3A_642, %dma_start3A_643] : memref<10000x128xf32, #tpu.memory_space<hbm>> -> memref<10000x128xf32, #tpu.memory_space<hbm>>
        tpu.enqueue_indirect_dma source(%dma_start3A_644 : memref<10000x128xf32, #tpu.memory_space<hbm>>) target(%dma_start3A_638 : memref<32x128xf32, #tpu.memory_space<vmem>>) offsets(%dma_start3A_641 : memref<32xi32, #tpu.memory_space<vmem>>) semaphore(%arg31 : memref<!tpu.dma_semaphore, #tpu.memory_space<semaphore_mem>>)
        %dma_start3A_645 = arith.constant 1 : i32
        %dma_start3A_646 = arith.constant 32 : i32
        %dma_start3A_647 = arith.constant 0 : i32
        %dma_start3A_648 = tpu.memref_slice %arg17[%dma_start3A_646, %dma_start3A_647] : memref<64x128xf32, #tpu.memory_space<vmem>> -> memref<32x128xf32, #tpu.memory_space<vmem>>
        %dma_start3A_649 = arith.constant 32 : i32
        %dma_start3A_650 = tpu.memref_slice %arg9[%dma_start3A_645, %dma_start3A_649] : memref<3x64xi32, #tpu.memory_space<vmem>> -> memref<1x32xi32, #tpu.memory_space<vmem>>
        %dma_start3A_651 = tpu.memref_squeeze %dma_start3A_650 : memref<1x32xi32, #tpu.memory_space<vmem>> -> memref<32xi32, #tpu.memory_space<vmem>>
        %dma_start3A_652 = arith.constant 0 : i32
        %dma_start3A_653 = arith.constant 0 : i32
        %dma_start3A_654 = tpu.memref_slice %arg2[%dma_start3A_652, %dma_start3A_653] : memref<10000x128xf32, #tpu.memory_space<hbm>> -> memref<10000x128xf32, #tpu.memory_space<hbm>>
        tpu.enqueue_indirect_dma source(%dma_start3A_654 : memref<10000x128xf32, #tpu.memory_space<hbm>>) target(%dma_start3A_648 : memref<32x128xf32, #tpu.memory_space<vmem>>) offsets(%dma_start3A_651 : memref<32xi32, #tpu.memory_space<vmem>>) semaphore(%arg32 : memref<!tpu.dma_semaphore, #tpu.memory_space<semaphore_mem>>)
      } else {
      }
    }
    %scan3A_206 = arith.constant 20 : i32
    %dma_wait3A_207 = arith.constant 0 : i32
    %dma_wait3A_208 = arith.constant 0 : i32
    %dma_wait3A_209 = tpu.memref_slice %arg11[%dma_wait3A_207, %dma_wait3A_208] : memref<3x64xi32, #tpu.memory_space<vmem>> -> memref<1x64xi32, #tpu.memory_space<vmem>>
    %dma_wait3A_210 = tpu.memref_squeeze %dma_wait3A_209 : memref<1x64xi32, #tpu.memory_space<vmem>> -> memref<64xi32, #tpu.memory_space<vmem>>
    %dma_wait3A_211 = arith.constant 0 : i32
    %dma_wait3A_212 = arith.constant 0 : i32
    %dma_wait3A_213 = tpu.memref_slice %arg6[%dma_wait3A_211, %dma_wait3A_212] : memref<10240x128xf32, #tpu.memory_space<vmem_shared>> -> memref<10240x128xf32, #tpu.memory_space<vmem_shared>>
    tpu.wait_indirect_dma semaphore(%arg35 : memref<!tpu.dma_semaphore, #tpu.memory_space<semaphore_mem>>) src(%arg15 : memref<64x128xf32, #tpu.memory_space<vmem>>) dst(%dma_wait3A_213 : memref<10240x128xf32, #tpu.memory_space<vmem_shared>>)
    %dma_wait3A_214 = arith.constant 0 : i32
    %dma_wait3A_215 = arith.constant 0 : i32
    %dma_wait3A_216 = tpu.memref_slice %arg12[%dma_wait3A_214, %dma_wait3A_215] : memref<3x64xi32, #tpu.memory_space<vmem>> -> memref<1x64xi32, #tpu.memory_space<vmem>>
    %dma_wait3A_217 = tpu.memref_squeeze %dma_wait3A_216 : memref<1x64xi32, #tpu.memory_space<vmem>> -> memref<64xi32, #tpu.memory_space<vmem>>
    %dma_wait3A_218 = arith.constant 0 : i32
    %dma_wait3A_219 = arith.constant 0 : i32
    %dma_wait3A_220 = tpu.memref_slice %arg6[%dma_wait3A_218, %dma_wait3A_219] : memref<10240x128xf32, #tpu.memory_space<vmem_shared>> -> memref<10240x128xf32, #tpu.memory_space<vmem_shared>>
    tpu.wait_indirect_dma semaphore(%arg36 : memref<!tpu.dma_semaphore, #tpu.memory_space<semaphore_mem>>) src(%arg16 : memref<64x128xf32, #tpu.memory_space<vmem>>) dst(%dma_wait3A_220 : memref<10240x128xf32, #tpu.memory_space<vmem_shared>>)
    %dma_wait3A_221 = arith.constant 0 : i32
    %dma_wait3A_222 = arith.constant 0 : i32
    %dma_wait3A_223 = tpu.memref_slice %arg13[%dma_wait3A_221, %dma_wait3A_222] : memref<3x64xi32, #tpu.memory_space<vmem>> -> memref<1x64xi32, #tpu.memory_space<vmem>>
    %dma_wait3A_224 = tpu.memref_squeeze %dma_wait3A_223 : memref<1x64xi32, #tpu.memory_space<vmem>> -> memref<64xi32, #tpu.memory_space<vmem>>
    %dma_wait3A_225 = arith.constant 0 : i32
    %dma_wait3A_226 = arith.constant 0 : i32
    %dma_wait3A_227 = tpu.memref_slice %arg6[%dma_wait3A_225, %dma_wait3A_226] : memref<10240x128xf32, #tpu.memory_space<vmem_shared>> -> memref<10240x128xf32, #tpu.memory_space<vmem_shared>>
    tpu.wait_indirect_dma semaphore(%arg37 : memref<!tpu.dma_semaphore, #tpu.memory_space<semaphore_mem>>) src(%arg17 : memref<64x128xf32, #tpu.memory_space<vmem>>) dst(%dma_wait3A_227 : memref<10240x128xf32, #tpu.memory_space<vmem_shared>>)
    %dma_wait3A_228 = arith.constant 0 : i32
    %dma_wait3A_229 = arith.constant 0 : i32
    %dma_wait3A_230 = tpu.memref_slice %arg14[%dma_wait3A_228, %dma_wait3A_229] : memref<3x64xi32, #tpu.memory_space<vmem>> -> memref<1x64xi32, #tpu.memory_space<vmem>>
    %dma_wait3A_231 = tpu.memref_squeeze %dma_wait3A_230 : memref<1x64xi32, #tpu.memory_space<vmem>> -> memref<64xi32, #tpu.memory_space<vmem>>
    %dma_wait3A_232 = arith.constant 0 : i32
    %dma_wait3A_233 = arith.constant 0 : i32
    %dma_wait3A_234 = tpu.memref_slice %arg6[%dma_wait3A_232, %dma_wait3A_233] : memref<10240x128xf32, #tpu.memory_space<vmem_shared>> -> memref<10240x128xf32, #tpu.memory_space<vmem_shared>>
    tpu.wait_indirect_dma semaphore(%arg38 : memref<!tpu.dma_semaphore, #tpu.memory_space<semaphore_mem>>) src(%arg18 : memref<64x128xf32, #tpu.memory_space<vmem>>) dst(%dma_wait3A_234 : memref<10240x128xf32, #tpu.memory_space<vmem_shared>>)
    %barrier3A_235 = arith.constant 0 : index
    tpu.barrier barrier_id(%barrier3A_235)
    %mul3A_236 = arith.constant 10240 : i32
    %mul3A_237 = arith.muli %arg0, %mul3A_236 : i32
    %add3A_238 = arith.addi %mul3A_237, %mul3A_2 : i32
    "tpu.region"() ({
      %run_scoped3A = tpu.sem_alloc : memref<!tpu.dma_semaphore, #tpu.memory_space<semaphore_mem>>
      %dma_start3A_239 = arith.constant 0 : i32
      %dma_start3A_240 = tpu.memref_slice %arg5[%add3A_238, %dma_start3A_239] : memref<20480x128xf32, #tpu.memory_space<hbm>> -> memref<640x128xf32, #tpu.memory_space<hbm>>
      %dma_start3A_241 = arith.constant 0 : i32
      %dma_start3A_242 = tpu.memref_slice %arg6[%mul3A_2, %dma_start3A_241] : memref<10240x128xf32, #tpu.memory_space<vmem_shared>> -> memref<640x128xf32, #tpu.memory_space<vmem_shared>>
      tpu.enqueue_dma source(%dma_start3A_242 : memref<640x128xf32, #tpu.memory_space<vmem_shared>>) target(%dma_start3A_240 : memref<640x128xf32, #tpu.memory_space<hbm>>) target_semaphore(%run_scoped3A : memref<!tpu.dma_semaphore, #tpu.memory_space<semaphore_mem>>)
      %dma_wait3A_243 = arith.constant 0 : i32
      %dma_wait3A_244 = tpu.memref_slice %arg5[%add3A_238, %dma_wait3A_243] : memref<20480x128xf32, #tpu.memory_space<hbm>> -> memref<640x128xf32, #tpu.memory_space<hbm>>
      %dma_wait3A_245 = arith.constant 0 : i32
      %dma_wait3A_246 = tpu.memref_slice %arg6[%mul3A_2, %dma_wait3A_245] : memref<10240x128xf32, #tpu.memory_space<vmem_shared>> -> memref<640x128xf32, #tpu.memory_space<vmem_shared>>
      tpu.wait_dma2 semaphore(%run_scoped3A : memref<!tpu.dma_semaphore, #tpu.memory_space<semaphore_mem>>) src(%dma_wait3A_246 : memref<640x128xf32, #tpu.memory_space<vmem_shared>>) dst(%dma_wait3A_244 : memref<640x128xf32, #tpu.memory_space<hbm>>)
      tpu.yield
    }) : () -> ()
    return
  }
}

module attributes {stable_mosaic.version = 14 : i64} {
  func.func @body(%arg0: i32, %arg1: memref<2x2000x128xf32, #tpu.memory_space<vmem>>, %arg2: memref<128x128xf32, #tpu.memory_space<vmem>>, %arg3: memref<2000x128xf32, #tpu.memory_space<vmem>>) attributes {dimension_semantics = [#tpu.dimension_semantics<arbitrary>], iteration_bounds = array<i64: 5>, scalar_prefetch = 0 : i64, scratch_operands = 0 : i64, tpu.core_type = #tpu.core_type<tc>, window_params = [{transform_indices = @transform_0, window_bounds = array<i64: 2, 2000, 128>}, {pipeline_mode = #tpu.pipeline_mode<synchronous>, transform_indices = @transform_1, window_bounds = array<i64: 128, 128>}, {transform_indices = @transform_2, window_bounds = array<i64: 2000, 128>}]} {
    %get3A = arith.constant 0 : index
    %get3A_0 = arith.constant 0 : index
    %get3A_1 = arith.constant 0 : index
    %get3A_2 = vector.load %arg1[%get3A, %get3A_0, %get3A_1] : memref<2x2000x128xf32, #tpu.memory_space<vmem>>, vector<1x2000x128xf32>
    %get3A_3 = vector.shape_cast %get3A_2 : vector<1x2000x128xf32> to vector<2000x128xf32>
    %get3A_4 = arith.constant 1 : index
    %get3A_5 = arith.constant 0 : index
    %get3A_6 = arith.constant 0 : index
    %get3A_7 = vector.load %arg1[%get3A_4, %get3A_5, %get3A_6] : memref<2x2000x128xf32, #tpu.memory_space<vmem>>, vector<1x2000x128xf32>
    %get3A_8 = vector.shape_cast %get3A_7 : vector<1x2000x128xf32> to vector<2000x128xf32>
    %add3A = arith.addf %get3A_3, %get3A_8 : vector<2000x128xf32>
    %get3A_9 = arith.constant 0 : index
    %get3A_10 = arith.constant 0 : index
    %get3A_11 = vector.load %arg2[%get3A_9, %get3A_10] : memref<128x128xf32, #tpu.memory_space<vmem>>, vector<128x128xf32>
    %dot_general3A = arith.constant dense<0.000000e+00> : vector<2000x128xf32>
    %dot_general3A_12 = tpu.matmul %add3A, %get3A_11, %dot_general3A {dimension_numbers = #tpu.dot_dimension_numbers<[1], [0], [0], [1], [0, 0, 1, 1], [], []>, precision = #tpu.contract_precision<fp32>, transpose_lhs_hint = false} : vector<2000x128xf32>, vector<128x128xf32>, vector<2000x128xf32> -> vector<2000x128xf32>
    %max3A = arith.constant 0.000000e+00 : f32
    %max3A_13 = vector.broadcast %max3A : f32 to vector<2000x128xf32>
    %max3A_14 = arith.maximumf %dot_general3A_12, %max3A_13 : vector<2000x128xf32>
    %swap3A = arith.constant 0 : index
    %swap3A_15 = arith.constant 0 : index
    %swap3A_16 = vector.load %arg3[%swap3A, %swap3A_15] : memref<2000x128xf32, #tpu.memory_space<vmem>>, vector<2000x128xf32>
    tpu.vector_store %arg3[%swap3A, %swap3A_15], %max3A_14 {strides = array<i32>} : memref<2000x128xf32, #tpu.memory_space<vmem>>, vector<2000x128xf32>,
    return
  }
  func.func @transform_0(%arg0: i32) -> (i32, i32, i32) {
    %c0_i32 = arith.constant 0 : i32
    %c0_i32_0 = arith.constant 0 : i32
    %c0_i32_1 = arith.constant 0 : i32
    return %c0_i32, %arg0, %c0_i32_0 : i32, i32, i32
  }
  func.func @transform_1(%arg0: i32) -> (i32, i32) {
    %c0_i32 = arith.constant 0 : i32
    %c0_i32_0 = arith.constant 0 : i32
    %c0_i32_1 = arith.constant 0 : i32
    return %c0_i32, %c0_i32_0 : i32, i32
  }
  func.func @transform_2(%arg0: i32) -> (i32, i32) {
    %c0_i32 = arith.constant 0 : i32
    %c0_i32_0 = arith.constant 0 : i32
    return %arg0, %c0_i32 : i32, i32
  }
}

</mosaic_0001>

<sc_bundles>
// kernel: kernel.4.cloned.1.call-start
scs
__scs_entry_jumppad:
0x0: {  	(pc) =	sbr.rel $0x88, $3  }
0x1: {  	(tag) =	ssettag $0x0;
	lr =	simm.s32 $0x1  }
0x2: {  	[smem:$0x3F9D] =	sst lr;
	_ =	strace $0xD0000000  }
0x3: {  	_ = 	snop  }
0x4: {  	_ = 	snop  }
0x5: {  	_ = 	snop  }
0x6: {  	_ = 	snop  }
0x7: {  	_ = 	snop  }
__scs_overlays_trampoline_lowered:
0x8: {  	[smem:$0x3FAC] =	sst s0  }
0x9: {  	[smem:$0x3FAD] =	sst s1  }
0xa: {  	[smem:$0x3FAE] =	sst s2  }
0xb: {  	[smem:$0x3FAF] =	sst s3  }
0xc: {  	[smem:$0x3FB0] =	sst s4  }
0xd: {  	[smem:$0x3FB1] =	sst s5  }
0xe: {  	[smem:$0x3FB2] =	sst s6  }
0xf: {  	[smem:$0x3FB3] =	sst s7  }
0x10: {  	[smem:$0x3FB4] =	sst s8  }
0x11: {  	[smem:$0x3FB5] =	sst s9;
	s0 =	simm.s32 @!p0 $0x0  }
0x12: {  	s1 =	sld [smem:$0x3F9B];
	s0 =	simm.s32 @p0 $0x1  }
0x13: {  	[smem:$0x3FB6] =	sst s0;
	s0 =	simm.s32 @!p1 $0x0  }
0x14: {  	s2 =	sld [smem:$0x3F9A];
	s0 =	simm.s32 @p1 $0x1  }
0x15: {  	[smem:$0x3FB7] =	sst s0;
	s0 =	simm.s32 @!p2 $0x0  }
0x16: {  	s3 =	sld [smem:$0x3FDB];
	s0 =	simm.s32 @p2 $0x1  }
0x17: {  	s4 =	simm.s32 $0x1BF5;
	[smem:$0x3FB9] =	sst s0  }
0x18: {  	s0 =	sld [smem:$0x3F9C];
	_ =	swait.ge [sflag:s4], $0x0  }
0x19: {  	s7 =	sld [smem:$0x3F9D]  }
0x1a: {  	s8 =	sadd.s32 $0xFFFFE003, lr  }
0x1b: {  	s9 =	sadd.s32 $0xFFFFFEF7, lr;
	s5 =	simm.s32 $0xFFFFFFFF;
	p2 =	slt.u32 s8, $0xFFFFF086  }
0x1c: {  	p1 =	slt.u32 s9, $0xF7A;
	s5 =	simm.s32 @!p2 $0x0  }
0x1d: {  	s5 =	simm.s32 @p1 $0x1;
	p0 =	seq.s32 s7, s2  }
0x1e: {  	s7 =	smul.u32 @!p0 $0xF7A, s2;
	p2 =	seq.s32 @!p0 s5, $0x0  }
0x1f: {  	s9 =	smul.u32 $0xF7A, s1;
	s8 =	simm.s32 @!p0 $0x1BF5;
	p2 =	por !p2, p0  }
0x20: {  	[sflag:s8] =	ssyncset.s32 @!p0 $0xFFFFF086;
	s6 =	sadd.s32 @!p0 s3, s7;
	s7 =	simm.s32 @!p0 $0x108  }
0x21: {  	s3 =	sadd.s32 s3, s9;
	s6 =	sadd.s32 @!p0 $0x88, s6;
	s7 =	simm.s32 @p2 $0x1082  }
0x22: {  	[simem:s7], [sflag:s8] =	dma.local @!p0 [hbm:s6], $0xF7A  }
0x23: {  	s9 =	sor.u32 $0xD0000000, s2;
	s6 =	simm.s32 $0x108;
	_ =	swait.ge @!p0 [sflag:s8], $0x0  }
0x24: {  	s3 =	sadd.s32 $0x88, s3;
	s6 =	simm.s32 @!p1 $0x1082;
	[sflag:s4] =	ssyncset.s32 $0xFFFFF086  }
0x25: {  	[simem:s6], [sflag:s4] =	dma.local [hbm:s3], $0xF7A  }
0x26: {  	[smem:$0x3F9D] =	sst s1;
	(tag) =	ssettag s2;
	_ =	strace s9  }
0x27: {  	s1 =	sld [smem:$0x3FAD]  }
0x28: {  	s2 =	sld [smem:$0x3FAE]  }
0x29: {  	s4 =	sld [smem:$0x3FB0]  }
0x2a: {  	p0 =	seq.s32 s5, $0x0;
	s5 =	sld [smem:$0x3FB1]  }
0x2b: {  	s6 =	sld [smem:$0x3FB2]  }
0x2c: {  	s7 =	sld [smem:$0x3FB3]  }
0x2d: {  	s3 =	simm.s32 $0x108;
	s8 =	sld [smem:$0x3FB4]  }
0x2e: {  	s3 =	simm.s32 @!p0 $0x1082;
	s9 =	sld [smem:$0x3FB5]  }
0x2f: {  	lr =	sadd.s32 s0, s3;
	s0 =	sld [smem:$0x3FAC]  }
0x30: {  	s3 =	sld [smem:$0x3FAF]  }
0x31: {  	[smem:$0x3FB8] =	sst s10  }
0x32: {  	s10 =	sld [smem:$0x3FB6];
	_ =	sdelay $0x3  }
0x33: {  	p0 =	seq.s32 s10, $0x1;
	s10 =	sld [smem:$0x3FB8];
	_ =	sdelay $0x3  }
0x34: {  	[smem:$0x3FB8] =	sst s10  }
0x35: {  	s10 =	sld [smem:$0x3FB7];
	_ =	sdelay $0x3  }
0x36: {  	p1 =	seq.s32 s10, $0x1;
	s10 =	sld [smem:$0x3FB8];
	_ =	sdelay $0x3  }
0x37: {  	[smem:$0x3FB8] =	sst s10  }
0x38: {  	s10 =	sld [smem:$0x3FB9]  }
0x39: {  	_ = 	snop;
	(pc) =	sbr.ind lr, $3  }
0x3a: {  	_ = 	snop  }
0x3b: {  	_ = 	snop  }
0x3c: {  	p2 =	seq.s32 s10, $0x1;
	s10 =	sld [smem:$0x3FB8]  }
0x3d: {  	_ =	shalt  }
0x3e: {  	_ =	shalt  }
0x3f: {  	_ =	shalt  }
0x40: {  	_ =	shalt  }
0x41: {  	_ =	shalt  }
0x42: {  	_ =	shalt  }
0x43: {  	_ =	shalt  }
0x44: {  	_ =	shalt  }
0x45: {  	_ =	shalt  }
0x46: {  	_ =	shalt  }
0x47: {  	_ =	shalt  }
0x48: {  	_ =	shalt  }
0x49: {  	_ =	shalt  }
0x4a: {  	_ =	shalt  }
0x4b: {  	_ =	shalt  }
0x4c: {  	_ =	shalt  }
0x4d: {  	_ =	shalt  }
0x4e: {  	_ =	shalt  }
0x4f: {  	_ =	shalt  }
0x50: {  	_ =	shalt  }
0x51: {  	_ =	shalt  }
0x52: {  	_ =	shalt  }
0x53: {  	_ =	shalt  }
0x54: {  	_ =	shalt  }
0x55: {  	_ =	shalt  }
0x56: {  	_ =	shalt  }
0x57: {  	_ =	shalt  }
0x58: {  	_ =	shalt  }
0x59: {  	_ =	shalt  }
0x5a: {  	_ =	shalt  }
0x5b: {  	_ =	shalt  }
0x5c: {  	_ =	shalt  }
0x5d: {  	_ =	shalt  }
0x5e: {  	_ =	shalt  }
0x5f: {  	_ =	shalt  }
0x60: {  	_ =	shalt  }
0x61: {  	_ =	shalt  }
0x62: {  	_ =	shalt  }
0x63: {  	_ =	shalt  }
0x64: {  	_ =	shalt  }
0x65: {  	_ =	shalt  }
0x66: {  	_ =	shalt  }
0x67: {  	_ =	shalt  }
0x68: {  	_ =	shalt  }
0x69: {  	_ =	shalt  }
0x6a: {  	_ =	shalt  }
0x6b: {  	_ =	shalt  }
0x6c: {  	_ =	shalt  }
0x6d: {  	_ =	shalt  }
0x6e: {  	_ =	shalt  }
0x6f: {  	_ =	shalt  }
0x70: {  	_ =	shalt  }
0x71: {  	_ =	shalt  }
0x72: {  	_ =	shalt  }
0x73: {  	_ =	shalt  }
0x74: {  	_ =	shalt  }
0x75: {  	_ =	shalt  }
0x76: {  	_ =	shalt  }
0x77: {  	_ =	shalt  }
0x78: {  	_ =	shalt  }
0x79: {  	_ =	shalt  }
0x7a: {  	_ =	shalt  }
0x7b: {  	_ =	shalt  }
0x7c: {  	_ =	shalt  }
0x7d: {  	_ =	shalt  }
0x7e: {  	_ =	shalt  }
0x7f: {  	_ =	shalt  }
0x80: {  	_ =	shalt  }
0x81: {  	_ =	shalt  }
0x82: {  	_ =	shalt  }
0x83: {  	_ =	shalt  }
0x84: {  	_ =	shalt  }
0x85: {  	_ =	shalt  }
0x86: {  	_ =	shalt  }
0x87: {  	_ =	shalt  }
.Lfunc_end0:
.L_simem_size_0:
called_computation_lowered:
.L_overlay_start_0:
0x88: {  	s2 =	sld [smem:$0x3FD9]  }
0x89: {  	s3 =	sld [smem:$0x3FFE];
	_ =	sdelay $0x1  }
0x8a: {  	s1 =	srdreg.scid  }
0x8b: {  	s0 =	sand.u32 $0x1, s1  }
0x8c: {  	s17 =	sshll.u32 s0, $0xA;
	s2 =	sadd.s32 s3, s2  }
0x8d: {  	s2 =	sadd.s32 s2, s17  }
0x8e: {  	[smem:$0x3FC4] =	sst s2  }
0x8f: {  	_ = 	snop  }
0x90: {  	s2 =	sld [smem:$0x3FC9];
	(tm) =	ssettm $0x1  }
0x91: {  	s18 =	sld [smem:$0x3FFB];
	_ =	sdelay $0x3  }
0x92: {  	_ =	strace s18  }
0x93: {  	s3 =	sld [smem:$0x3FFC];
	_ =	sdelay $0x3  }
0x94: {  	_ =	strace s3  }
0x95: {  	s3 =	sld [smem:$0x3FFD];
	_ =	sdelay $0x3  }
0x96: {  	_ =	strace s3  }
0x97: {  	_ =	strace $0x8FFFFFFF  }
0x98: {  	s19 =	sld [smem:$0x3FDB];
	_ =	sdelay $0x1  }
0x99: {  	s4 =	simm.s32 $_scs_section_size  }
0x9a: {  	s5 =	simm.s32 $_size__tile_overlayer_lowered;
	s6 =	simm.s32 $_tile_overlayer_lowered  }
0x9b: {  	s22 =	simm.s32 $0x1BFF;
	s21 =	sshll.u32 s6, $0x1;
	s3 =	sadd.s32 s4, s19  }
0x9c: {  	s7 =	simm.s32 $0x0;
	s20 =	sshll.u32 s5, $0x1;
	s5 =	sadd.s32 s21, s3  }
0x9d: {  	[timem:s7], [sflag:s22] =	dma.local [hbm:s5], s20  }
0x9e: {  	_ =	swait.ge [sflag:s22], s20  }
0x9f: {  	s4 =	ssub.s32 $0x0, s20;
	[sflag:s22] =	ssyncset.done $0x0  }
0xa0: {  	[sflag:s22] =	ssyncadd.s32 s4;
	_ =	sdelay $0x1  }
0xa1: {  	s23 =	simm.s32 $0x1B8B  }
0xa2: {  	_ =	swait.ge [sflag:s23], $0x1  }
0xa3: {  	[sflag:s23] =	ssyncset.done $0x0  }
0xa4: {  	s25 =	simm.s32 $0x1B8E;
	s24 =	sld [smem:$0x3FFE];
	[sflag:s23] =	ssyncadd.s32 $0xFFFFFFFF  }
0xa5: {  	s26 =	simm.s32 $execute0_lowered;
	[smem:$0x3FD2] =	sst s25  }
0xa6: {  	s5 =	sshll.u32 s26, $0x1;
	_ =	strace $0x80000046;
	[dreg:$0x1] =	wrdreg $0xFFFFFFFF  }
0xa7: {  	s28 =	simm.s32 $_size_execute0_lowered;
	s3 =	sadd.s32 s3, s5;
	[dreg:$0x0] =	wrdreg $0x0  }
0xa8: {  	s5 =	sshll.u32 s28, $0x1;
	[dreg:$0x2] =	wrdreg s3  }
0xa9: {  	[dreg:$0x3] =	wrdreg s5  }
0xaa: {  	[dreg:$0x4] =	wrdreg $0xC0  }
0xab: {  	_ =	task [dreg:s7], $0x5FFFF  }
0xac: {  	[dreg:$0x1] =	wrdreg $0xFFFFFFFF  }
0xad: {  	[dreg:$0x0] =	wrdreg $0x60  }
0xae: {  	[dreg:$0x2] =	wrdreg s2  }
0xaf: {  	[dreg:$0x3] =	wrdreg s24  }
0xb0: {  	[dreg:$0x4] =	wrdreg $0x0  }
0xb1: {  	[dreg:$0x5] =	wrdreg $0x9  }
0xb2: {  	_ =	task.clear_ibuf [dreg:s7], $0x6FFFF;
	_ =	strace $0x90000046  }
0xb3: {  	s29 =	simm.s32 $0x9;
	_ =	strace $0x80000048  }
0xb4: {  	_ =	swait.ge [sflag:s29], $0x1  }
0xb5: {  	[sflag:s29] =	ssyncadd.s32 $0xFFFFFFFF  }
0xb6: {  	_ =	strace $0x90000048  }
0xb7: {  	_ =	sfence  }
0xb8: {  	s30 =	sld [smem:$0x0];
	_ =	sdelay $0x2  }
0xb9: {  	s31 =	sshll.u32 s1, $0xD;
	s1 =	sshrl.u32 s1, $0x2  }
0xba: {  	s3 =	sand.u32 $0x4000, s31;
	s1 =	sadd.s32 s1, s30  }
0xbb: {  	s0 =	sor.u32 s3, s0;
	s1 =	sshll.u32 s1, $0x11  }
0xbc: {  	s0 =	sor.u32 s1, s0  }
0xbd: {  	s0 =	sadd.s32 $0x8F2B, s0  }
0xbe: {  	[sflag:s0] =	ssyncadd.remote.s32 $0x1  }
0xbf: {  	_ =	sfence.sel $0xFFFF  }
0xc0: {  	[dreg:$0x0] =	wrdreg $0xFFFFFFFF;
	(pc) =	sbr.abs _section_cstart, $3  }
0xc1: {  	[dreg:$0x1] =	wrdreg $0xFFFFFFFF  }
0xc2: {  	_ =	task.clear_ibuf [dreg:s7], $0x2FFFF;
	_ =	strace $0x9FFFFFFF  }
0xc3: {  	(tm) =	ssettm $0x7FFFFFFF  }
tec
execute0_lowered:
.L_overlay_start_1:
0x0: {  	(tag) =	ssettag $0x1  }
0x1: {  	s2 =	rddreg [dreg:$0x0]  }
0x2: {  	s0 =	rddreg [dreg:$0x1]  }
0x3: {  	s3 =	rddreg [dreg:$0x2]  }
0x4: {  	s9 =	stileid.u32;
	s1 =	srdreg.scid  }
0x5: {  	s12 =	simm.s32 $0x0;
	s30 =	simm.s32 $0x9;
	s4 =	smul.u32 $0x2800, s9  }
0x6: {  	s1 =	sand.u32 $0x1, s1;
	[smem:$0x7FF] =	sst s12;
	s26 =	smul.u32 $0x50000, s9  }
0x7: {  	s16 =	sshll.u32 s9, $0x6;
	s6 =	smul.u32 $0x28000, s1;
	s5 =	sshll.u32 s1, $0x4  }
0x8: {  	_ =	strace $0x80000047;
	s7 =	sor.u32 s9, s5;
	s5 =	sadd.s32 $0x400, s0  }
0x9: {  	s9 =	sor.u32 $0x1C15, s16;
	s6 =	sadd.s32 s4, s6;
	s8 =	smul.u32 $0xA00, s7  }
0xa: {  	s4 =	sadd.s32 s4, s0;
	s7 =	smul.u32 $0xA0, s7;
	[dreg:$0xe] =	wrdreg s9  }
0xb: {  	s0 =	sadd.s32 s6, s0;
	s6 =	sshrl.u32 s26, $0x2;
	s4 =	sadd.s32 $0x3C400, s4  }
0xc: {  	s31 =	simm.s32 $0xA;
	s6 =	sadd.s32 s6, s3;
	[dreg:$0xd] =	wrdreg s4  }
0xd: {  	s28 =	simm.s32 $0x6;
	s17 =	sor.u32 $0x7, s7;
	[dreg:$0xc] =	wrdreg s6  }
0xe: {  	s29 =	simm.s32 $0xF;
	s18 =	sor.u32 $0x8, s7;
	[dreg:$0xf] =	wrdreg s17  }
0xf: {  	s1 =	ssub.s32 $0x2, s1;
	s19 =	sor.u32 $0x9, s7;
	[dreg:$0x10] =	wrdreg s18  }
0x10: {  	s24 =	sshrl.u32 s1, $0x1;
	s20 =	sor.u32 $0xA, s7;
	[dreg:$0x11] =	wrdreg s19  }
0x11: {  	s16 =	simm.s32 $0x13;
	s21 =	sor.u32 $0xB, s7;
	[dreg:$0x12] =	wrdreg s20  }
0x12: {  	s1 =	ssub.s32 s1, s24;
	s22 =	sor.u32 $0xC, s7;
	[dreg:$0x13] =	wrdreg s21  }
0x13: {  	s8 =	sadd.s32 s5, s8;
	s23 =	sor.u32 $0xD, s7;
	[dreg:$0x14] =	wrdreg s22  }
0x14: {  	s24 =	sor.u32 $0xE, s7;
	s0 =	sadd.s32 $0x64400, s0;
	[dreg:$0x15] =	wrdreg s23  }
0x15: {  	s7 =	simm.s32 $0xC;
	s25 =	sadd.s32 $0x10, s8;
	[dreg:$0x16] =	wrdreg s24  }
0x16: {  	s10 =	sadd.s32 $0x20, s8;
	s11 =	sadd.s32 $0x30, s8;
	[dreg:$0x17] =	wrdreg s0  }
0x17: {  	s13 =	sadd.s32 $0x40, s8;
	s14 =	sadd.s32 $0x50, s8;
	[dreg:$0x5] =	wrdreg s8  }
0x18: {  	s15 =	sadd.s32 $0x60, s8;
	s26 =	sadd.s32 $0x70, s8;
	[dreg:$0x6] =	wrdreg s25  }
0x19: {  	s21 =	simm.s32 $0x15;
	s0 =	simm.s32 $0x40;
	[dreg:$0x7] =	wrdreg s10  }
0x1a: {  	s8 =	simm.s32 $0x11;
	s24 =	simm.s32 $0xD;
	[dreg:$0x8] =	wrdreg s11  }
0x1b: {  	s6 =	simm.s32 $0xE;
	s23 =	simm.s32 $0x10;
	[dreg:$0x9] =	wrdreg s13  }
.Ltmp0:
0x1c: {  	s17 =	simm.s32 $0x7;
	[dreg:$0xa] =	wrdreg s14;
	(pc) =	sbr.rel .LBB2_1-.Ltmp0, $4  }
0x1d: {  	s18 =	simm.s32 $0x14;
	s19 =	simm.s32 $0x8;
	[dreg:$0xb] =	wrdreg s15  }
0x1e: {  	s25 =	smax.u32 s1, $0x1;
	[dreg:$0x19] =	wrdreg s26;
	s13 =	simm.s32 $0x20  }
0x1f: {  	s15 =	simm.s32 $0x19000;
	s1 =	simm.s32 $0xB;
	s10 =	simm.s32 $0x5  }
0x20: {  	s11 =	simm.s32 $0x12;
	[dreg:$0x18] =	wrdreg s25;
	s25 =	simm.s32 $0x1B000  }
.LBB2_36:
0x21: {  	_ =	swait.ge [sflag:s8], $0x2000  }
0x22: {  	[sflag:s8] =	ssyncset.done $0x0  }
0x23: {  	[sflag:s8] =	ssyncadd.s32 $0xFFFFE000  }
0x24: {  	_ =	swait.ge [sflag:s11], $0x2000  }
0x25: {  	[sflag:s11] =	ssyncset.done $0x0  }
0x26: {  	[sflag:s11] =	ssyncadd.s32 $0xFFFFE000  }
0x27: {  	_ =	swait.ge [sflag:s16], $0x2000  }
0x28: {  	[sflag:s16] =	ssyncset.done $0x0  }
0x29: {  	[sflag:s16] =	ssyncadd.s32 $0xFFFFE000  }
0x2a: {  	_ =	swait.ge [sflag:s18], $0x2000  }
0x2b: {  	[sflag:s18] =	ssyncset.done $0x0  }
0x2c: {  	[sflag:s18] =	ssyncadd.s32 $0xFFFFE000  }
0x2d: {  	[bflag:$0x0] =	sbarrier.arrive $0xFFFF  }
0x2e: {  	s9 =	rddreg [dreg:$0xe]  }
0x2f: {  	s4 =	rddreg [dreg:$0x17]  }
0x30: {  	s21 =	simm.s32 $0x15;
	s12 =	rddreg [dreg:$0x1a]  }
0x31: {  	[hbm:s4], [sflag:s9] =	dma.local [spmem:s12], $0x2800  }
0x32: {  	_ =	swait.ge [sflag:s21], $0x2800  }
0x33: {  	s22 =	rddreg [dreg:$0x4]  }
0x34: {  	s26 =	rddreg [dreg:$0x18];
	s12 =	sadd.s32 $0x1, s22  }
0x35: {  	p0 =	sne.s32 s12, s26  }
.Ltmp1:
0x36: {  	_ = 	snop;
	(pc) =	sbr.rel @!p0 .LBB2_37-.Ltmp1, $3  }
0x37: {  	_ =	sdelay $0x1  }
0x38: {  	[sflag:s21] =	ssyncset.done $0x0  }
0x39: {  	[sflag:s21] =	ssyncadd.s32 $0xFFFFD800  }
.LBB2_1:
0x3a: {  	[dreg:$0x4] =	wrdreg s12  }
0x3b: {  	s4 =	rddreg [dreg:$0x5];
	s12 =	simm.s32 $0x80  }
0x3c: {  	s14 =	simm.s32 $0xA0000;
	s20 =	simm.s32 $0x14000;
	s22 =	rddreg [dreg:$0x6]  }
0x3d: {  	[tilespmem:s20], [sflag:$0x1] =	stream.strided.gather [hbm4b:s4+s12], $0x180, s14, s12, $0x38;
	[tilespmem:$0x1D000] =	vst v63  }
0x3e: {  	s26 =	simm.s32 $0x14200;
	s20 =	rddreg [dreg:$0xc]  }
0x3f: {  	[tilespmem:s26], [sflag:$0x2] =	stream.strided.gather [hbm4b:s22+s12], $0x180, s14, s12, $0x38;
	[tilespmem:$0x1D000] =	vst v63  }
0x40: {  	s22 =	rddreg [dreg:$0x7];
	s26 =	simm.s32 $0x14400  }
0x41: {  	[tilespmem:s26], [sflag:$0x3] =	stream.strided.gather [hbm4b:s22+s12], $0x180, s14, s12, $0x38;
	[tilespmem:$0x1D000] =	vst v63  }
0x42: {  	s22 =	rddreg [dreg:$0x8];
	s26 =	simm.s32 $0x14600  }
0x43: {  	[tilespmem:s26], [sflag:$0x4] =	stream.strided.gather [hbm4b:s22+s12], $0x180, s14, s12, $0x38;
	[tilespmem:$0x1D000] =	vst v63  }
0x44: {  	s22 =	rddreg [dreg:$0x9];
	s26 =	simm.s32 $0x14800  }
0x45: {  	[tilespmem:s26], [sflag:$0x5] =	stream.strided.gather [hbm4b:s22+s12], $0x180, s14, s12, $0x38;
	[tilespmem:$0x1D000] =	vst v63  }
0x46: {  	s22 =	rddreg [dreg:$0xa];
	s26 =	simm.s32 $0x14A00  }
0x47: {  	[tilespmem:s26], [sflag:$0x6] =	stream.strided.gather [hbm4b:s22+s12], $0x180, s14, s12, $0x38;
	[tilespmem:$0x1D000] =	vst v63  }
0x48: {  	s22 =	rddreg [dreg:$0xb];
	s26 =	simm.s32 $0x14C00  }
0x49: {  	[tilespmem:s26], [sflag:$0x7] =	stream.strided.gather [hbm4b:s22+s12], $0x180, s14, s12, $0x38;
	[tilespmem:$0x1D000] =	vst v63  }
0x4a: {  	s22 =	rddreg [dreg:$0x19];
	s26 =	simm.s32 $0x14E00  }
0x4b: {  	[tilespmem:s26], [sflag:$0x8] =	stream.strided.gather [hbm4b:s22+s12], $0x180, s14, s12, $0x38;
	[tilespmem:$0x1D000] =	vst v63  }
0x4c: {  	s22 =	sshrl.u32 s20, $0x3;
	s26 =	rddreg [dreg:$0xd]  }
0x4d: {  	[dreg:$0x1a] =	wrdreg s22  }
0x4e: {  	[spmem:s22], [sflag:s9] =	dma.local [hbm:s26], $0x2800  }
0x4f: {  	_ =	swait.ge [sflag:s21], $0x2800  }
0x50: {  	[sflag:s21] =	ssyncset.done $0x0  }
0x51: {  	[sflag:s21] =	ssyncadd.s32 $0xFFFFD800  }
0x52: {  	s14 =	simm.s32 $0x1;
	[bflag:$0x0] =	sbarrier.arrive $0xFFFF  }
0x53: {  	_ =	swait.ge [sflag:s14], $0x180  }
0x54: {  	[sflag:s14] =	ssyncset.done $0x0  }
0x55: {  	s20 =	simm.s32 $0x14080;
	s21 =	simm.s32 $0x15000;
	[sflag:s14] =	ssyncadd.s32 $0xFFFFFE80  }
0x56: {  	[tilespmem:s21], [sflag:$0x9] =	stream.indirect.gather [hbm4b:s2+s13], $0x80, s20, s13, $0xb8;
	[tilespmem:$0x1D000] =	vst v63  }
0x57: {  	s12 =	simm.s32 $0x2;
	s22 =	simm.s32 $0x140A0;
	s26 =	simm.s32 $0x16000  }
0x58: {  	[tilespmem:s26], [sflag:$0xA] =	stream.indirect.gather [hbm4b:s2+s13], $0x80, s22, s13, $0xb8;
	[tilespmem:$0x1D000] =	vst v63  }
0x59: {  	_ =	swait.ge [sflag:s12], $0x180  }
0x5a: {  	[sflag:s12] =	ssyncset.done $0x0  }
0x5b: {  	s14 =	simm.s32 $0x14280;
	s20 =	simm.s32 $0x17000;
	[sflag:s12] =	ssyncadd.s32 $0xFFFFFE80  }
0x5c: {  	[tilespmem:s20], [sflag:$0xB] =	stream.indirect.gather [hbm4b:s2+s13], $0x80, s14, s13, $0xb8;
	[tilespmem:$0x1D000] =	vst v63  }
0x5d: {  	s21 =	simm.s32 $0x142A0;
	s22 =	simm.s32 $0x18000;
	s26 =	simm.s32 $0x3  }
0x5e: {  	[tilespmem:s22], [sflag:$0xC] =	stream.indirect.gather [hbm4b:s2+s13], $0x80, s21, s13, $0xb8;
	[tilespmem:$0x1D000] =	vst v63  }
0x5f: {  	_ =	swait.ge [sflag:s26], $0x180  }
0x60: {  	[sflag:s26] =	ssyncset.done $0x0  }
0x61: {  	s9 =	simm.s32 $0x14480;
	[sflag:s26] =	ssyncadd.s32 $0xFFFFFE80  }
0x62: {  	[tilespmem:s15], [sflag:$0xD] =	stream.indirect.gather [hbm4b:s2+s13], $0x80, s9, s13, $0xb8;
	[tilespmem:$0x1D000] =	vst v63  }
0x63: {  	s12 =	simm.s32 $0x144A0;
	s14 =	simm.s32 $0x1A000;
	s20 =	simm.s32 $0x4  }
0x64: {  	[tilespmem:s14], [sflag:$0xE] =	stream.indirect.gather [hbm4b:s2+s13], $0x80, s12, s13, $0xb8;
	[tilespmem:$0x1D000] =	vst v63  }
0x65: {  	_ =	swait.ge [sflag:s20], $0x180  }
0x66: {  	[sflag:s20] =	ssyncset.done $0x0  }
0x67: {  	s21 =	simm.s32 $0x14680;
	[sflag:s20] =	ssyncadd.s32 $0xFFFFFE80  }
0x68: {  	[tilespmem:s25], [sflag:$0xF] =	stream.indirect.gather [hbm4b:s2+s13], $0x80, s21, s13, $0xb8;
	[tilespmem:$0x1D000] =	vst v63  }
0x69: {  	s22 =	simm.s32 $0x146A0;
	s26 =	simm.s32 $0x1C000;
	s20 =	simm.s32 $0x0  }
0x6a: {  	[tilespmem:s26], [sflag:$0x10] =	stream.indirect.gather [hbm4b:s2+s13], $0x80, s22, s13, $0xb8;
	[tilespmem:$0x1D000] =	vst v63  }
.LBB2_2:
0x6b: {  	_ =	swait.ge [sflag:s30], $0x1000  }
0x6c: {  	[sflag:s30] =	ssyncset.done $0x0  }
0x6d: {  	[sflag:s30] =	ssyncadd.s32 $0xFFFFF000  }
0x6e: {  	_ =	swait.ge [sflag:s31], $0x1000  }
0x6f: {  	s21 =	simm.s32 $0x0;
	[sflag:s31] =	ssyncset.done $0x0  }
0x70: {  	s22 =	simm.s32 $0x15040;
	s9 =	simm.s32 $0x0;
	[sflag:s31] =	ssyncadd.s32 $0xFFFFF000  }
.LBB2_3:
0x71: {  	s4 =	sshll.u32 s9, $0x4  }
0x72: {  	v1 =	vld [tilespmem:s4+$0x14100];
	_ =	sdelay $0x1  }
0x73: {  	v5 =	vld [tilespmem:s22+$0xFFFFFFC0]  }
0x74: {  	v7 =	vld [tilespmem:s22+$0xFFFFFFD0]  }
0x75: {  	v6 =	vld [tilespmem:s22+$0xFFFFFFE0];
	v0 =	vmov s21  }
0x76: {  	v3 =	vld [tilespmem:s22+$0x0];
	v0 =	vperm.xlane v1, v0  }
0x77: {  	v4 =	vld [tilespmem:s22+$0x10]  }
0x78: {  	v2 =	vld [tilespmem:s22+$0x20];
	v8 =	vmul.f32 v5, v0  }
0x79: {  	s12 =	simm.s32 $0x1;
	s14 =	smov.u32 s22;
	s4 =	smov.u32 s22;
	v7 =	vmul.f32 v7, v0;
	v5 =	vld [tilespmem:s22+$0x30]  }
.LBB2_4:
0x7a: {  	p0 =	sne.s32 s12, $0xF;
	[tilespmem:s4+$0xFFFFFFC0] =	vst v8;
	v6 =	vmul.f32 v6, v0;
	v8 =	vld [tilespmem:s4+$0xFFFFFFF0];
	s14 =	sadd.s32 $0x80, s14  }
0x7b: {  	v9 =	vld [tilespmem:s14+$0xFFFFFFC0];
	[tilespmem:s4+$0xFFFFFFD0] =	vst v7;
	v3 =	vmul.f32 v3, v0  }
0x7c: {  	v7 =	vld [tilespmem:s14+$0xFFFFFFD0];
	[tilespmem:s4+$0xFFFFFFE0] =	vst v6;
	v4 =	vmul.f32 v4, v0  }
.Ltmp2:
0x7d: {  	v10 =	vmov s12;
	v6 =	vld [tilespmem:s14+$0xFFFFFFE0];
	[tilespmem:s4+$0x0] =	vst v3;
	v2 =	vmul.f32 v2, v0;
	(pc) =	sbr.rel @p0 .LBB2_4-.Ltmp2, $4  }
0x7e: {  	v10 =	vperm.xlane v1, v10;
	v3 =	vld [tilespmem:s14+$0x0];
	[tilespmem:s4+$0x10] =	vst v4;
	v5 =	vmul.f32 v5, v0  }
0x7f: {  	v4 =	vld [tilespmem:s14+$0x10];
	v11 =	vmul.f32 v8, v0;
	[tilespmem:s4+$0x20] =	vst v2  }
0x80: {  	v0 =	vmov v10;
	v8 =	vmul.f32 v9, v10;
	v2 =	vld [tilespmem:s14+$0x20];
	[tilespmem:s4+$0x30] =	vst v5  }
0x81: {  	s12 =	sadd.s32 $0x1, s12;
	v7 =	vmul.f32 v7, v0;
	v5 =	vld [tilespmem:s14+$0x30];
	[tilespmem:s4+$0xFFFFFFF0] =	vst v11;
	s4 =	smov.u32 s14  }
0x82: {  	[tilespmem:s4+$0xFFFFFFC0] =	vst v8;
	v1 =	vmul.f32 v6, v0;
	v60 =	vld [tilespmem:s4+$0xFFFFFFF0]  }
0x83: {  	s9 =	sadd.s32 $0x1, s9;
	[tilespmem:s4+$0xFFFFFFD0] =	vst v7;
	v3 =	vmul.f32 v3, v0  }
0x84: {  	p0 =	sne.s32 s9, $0x4;
	[tilespmem:s4+$0xFFFFFFE0] =	vst v1;
	v61 =	vmul.f32 v4, v0  }
.Ltmp3:
0x85: {  	[tilespmem:s4+$0x0] =	vst v3;
	v2 =	vmul.f32 v2, v0;
	(pc) =	sbr.rel @p0 .LBB2_3-.Ltmp3, $4  }
0x86: {  	[tilespmem:s4+$0x10] =	vst v61;
	v62 =	vmul.f32 v5, v0  }
0x87: {  	v63 =	vmul.f32 v60, v0;
	[tilespmem:s4+$0x20] =	vst v2  }
0x88: {  	[tilespmem:s4+$0x30] =	vst v62  }
0x89: {  	s22 =	sadd.s32 $0x800, s22;
	[tilespmem:s4+$0xFFFFFFF0] =	vst v63  }
0x8a: {  	s4 =	simm.s32 $0x14000;
	s9 =	simm.s32 $0x15000  }
0x8b: {  	[spmem:s3] =	stream.indirect.scatter.add.f32 [tilespmem:s9], [sflag:$0x11], $0x80, s4, s0, $0xb8;
	[tilespmem:$0x1D000] =	vst v63  }
0x8c: {  	s21 =	sshll.u32 s20, $0x3;
	p0 =	seq.s32 s20, $0x0;
	s9 =	rddreg [dreg:$0xf]  }
0x8d: {  	s4 =	simm.s32 @!p0 $0x14;
	s9 =	sadd.s32 @!p0 s21, s9  }
0x8e: {  	s12 =	simm.s32 @!p0 $0xA0000;
	_ =	swait.ge @!p0 [sflag:s4], $0x2000;
	s9 =	sshll.u32 @!p0 s9, $0x4  }
0x8f: {  	s14 =	simm.s32 @!p0 $0x14E00;
	[sflag:s4] =	ssyncset.done @!p0 $0x0;
	s9 =	sand.u32 @!p0 $0x1FFFFFF0, s9  }
0x90: {  	[sflag:s4] =	ssyncadd.s32 @!p0 $0xFFFFE000;
	s4 =	sadd.s32 @!p0 s5, s9;
	s9 =	simm.s32 @!p0 $0x80  }
0x91: {  	[tilespmem:s14], [sflag:$0x8] =	stream.strided.gather @!p0 [hbm4b:s4+s9], $0x180, s12, s9, $0x38;
	[tilespmem:$0x1D000] =	vst v63  }
0x92: {  	s4 =	simm.s32 @!p0 $0x4  }
0x93: {  	_ =	swait.ge @!p0 [sflag:s4], $0x180  }
0x94: {  	s9 =	simm.s32 @!p0 $0x14680;
	[sflag:s4] =	ssyncset.done @!p0 $0x0  }
0x95: {  	s12 =	simm.s32 @!p0 $0x1B000;
	[sflag:s4] =	ssyncadd.s32 @!p0 $0xFFFFFE80;
	s4 =	simm.s32 @!p0 $0x20  }
0x96: {  	[tilespmem:s12], [sflag:$0xF] =	stream.indirect.gather @!p0 [hbm4b:s2+s4], $0x80, s9, s4, $0xb8;
	[tilespmem:$0x1D000] =	vst v63  }
0x97: {  	s9 =	simm.s32 @!p0 $0x146A0;
	s12 =	simm.s32 @!p0 $0x1C000  }
0x98: {  	[tilespmem:s12], [sflag:$0x10] =	stream.indirect.gather @!p0 [hbm4b:s2+s4], $0x80, s9, s4, $0xb8;
	[tilespmem:$0x1D000] =	vst v63  }
0x99: {  	_ =	swait.ge [sflag:s1], $0x1000  }
0x9a: {  	[sflag:s1] =	ssyncset.done $0x0  }
0x9b: {  	[sflag:s1] =	ssyncadd.s32 $0xFFFFF000  }
0x9c: {  	_ =	swait.ge [sflag:s7], $0x1000  }
0x9d: {  	s22 =	simm.s32 $0x0;
	[sflag:s7] =	ssyncset.done $0x0  }
0x9e: {  	s26 =	simm.s32 $0x17040;
	s4 =	simm.s32 $0x0;
	[sflag:s7] =	ssyncadd.s32 $0xFFFFF000  }
.LBB2_7:
0x9f: {  	s9 =	sshll.u32 s4, $0x4  }
0xa0: {  	v1 =	vld [tilespmem:s9+$0x14300];
	_ =	sdelay $0x1  }
0xa1: {  	v5 =	vld [tilespmem:s26+$0xFFFFFFC0]  }
0xa2: {  	v7 =	vld [tilespmem:s26+$0xFFFFFFD0]  }
0xa3: {  	v6 =	vld [tilespmem:s26+$0xFFFFFFE0];
	v0 =	vmov s22  }
0xa4: {  	v3 =	vld [tilespmem:s26+$0x0];
	v0 =	vperm.xlane v1, v0  }
0xa5: {  	v4 =	vld [tilespmem:s26+$0x10]  }
0xa6: {  	v2 =	vld [tilespmem:s26+$0x20];
	v8 =	vmul.f32 v5, v0  }
0xa7: {  	s14 =	simm.s32 $0x1;
	s12 =	smov.u32 s26;
	s9 =	smov.u32 s26;
	v7 =	vmul.f32 v7, v0;
	v5 =	vld [tilespmem:s26+$0x30]  }
.LBB2_8:
0xa8: {  	p0 =	sne.s32 s14, $0xF;
	[tilespmem:s9+$0xFFFFFFC0] =	vst v8;
	v6 =	vmul.f32 v6, v0;
	v8 =	vld [tilespmem:s9+$0xFFFFFFF0];
	s12 =	sadd.s32 $0x80, s12  }
0xa9: {  	v9 =	vld [tilespmem:s12+$0xFFFFFFC0];
	[tilespmem:s9+$0xFFFFFFD0] =	vst v7;
	v3 =	vmul.f32 v3, v0  }
0xaa: {  	v7 =	vld [tilespmem:s12+$0xFFFFFFD0];
	[tilespmem:s9+$0xFFFFFFE0] =	vst v6;
	v4 =	vmul.f32 v4, v0  }
.Ltmp4:
0xab: {  	v10 =	vmov s14;
	v6 =	vld [tilespmem:s12+$0xFFFFFFE0];
	[tilespmem:s9+$0x0] =	vst v3;
	v2 =	vmul.f32 v2, v0;
	(pc) =	sbr.rel @p0 .LBB2_8-.Ltmp4, $4  }
0xac: {  	v10 =	vperm.xlane v1, v10;
	v3 =	vld [tilespmem:s12+$0x0];
	[tilespmem:s9+$0x10] =	vst v4;
	v5 =	vmul.f32 v5, v0  }
0xad: {  	v4 =	vld [tilespmem:s12+$0x10];
	v11 =	vmul.f32 v8, v0;
	[tilespmem:s9+$0x20] =	vst v2  }
0xae: {  	v0 =	vmov v10;
	v8 =	vmul.f32 v9, v10;
	v2 =	vld [tilespmem:s12+$0x20];
	[tilespmem:s9+$0x30] =	vst v5  }
0xaf: {  	s14 =	sadd.s32 $0x1, s14;
	v7 =	vmul.f32 v7, v0;
	v5 =	vld [tilespmem:s12+$0x30];
	[tilespmem:s9+$0xFFFFFFF0] =	vst v11;
	s9 =	smov.u32 s12  }
0xb0: {  	[tilespmem:s9+$0xFFFFFFC0] =	vst v8;
	v1 =	vmul.f32 v6, v0;
	v60 =	vld [tilespmem:s9+$0xFFFFFFF0]  }
0xb1: {  	s4 =	sadd.s32 $0x1, s4;
	[tilespmem:s9+$0xFFFFFFD0] =	vst v7;
	v3 =	vmul.f32 v3, v0  }
0xb2: {  	p0 =	sne.s32 s4, $0x4;
	[tilespmem:s9+$0xFFFFFFE0] =	vst v1;
	v61 =	vmul.f32 v4, v0  }
.Ltmp5:
0xb3: {  	[tilespmem:s9+$0x0] =	vst v3;
	v2 =	vmul.f32 v2, v0;
	(pc) =	sbr.rel @p0 .LBB2_7-.Ltmp5, $4  }
0xb4: {  	[tilespmem:s9+$0x10] =	vst v61;
	v62 =	vmul.f32 v5, v0  }
0xb5: {  	v63 =	vmul.f32 v60, v0;
	[tilespmem:s9+$0x20] =	vst v2  }
0xb6: {  	[tilespmem:s9+$0x30] =	vst v62  }
0xb7: {  	s26 =	sadd.s32 $0x800, s26;
	[tilespmem:s9+$0xFFFFFFF0] =	vst v63  }
0xb8: {  	s4 =	simm.s32 $0x14200;
	s9 =	simm.s32 $0x17000  }
0xb9: {  	[spmem:s3] =	stream.indirect.scatter.add.f32 [tilespmem:s9], [sflag:$0x12], $0x80, s4, s0, $0xb8;
	[tilespmem:$0x1D000] =	vst v63  }
0xba: {  	p0 =	seq.s32 s20, $0x13;
	s4 =	rddreg [dreg:$0x10]  }
0xbb: {  	s4 =	sadd.s32 @!p0 s21, s4  }
0xbc: {  	s9 =	simm.s32 @!p0 $0x80;
	_ =	swait.ge [sflag:s8], $0x2000;
	s4 =	sshll.u32 @!p0 s4, $0x4  }
0xbd: {  	s12 =	simm.s32 @!p0 $0xA0000;
	[sflag:s8] =	ssyncset.done $0x0;
	s4 =	sand.u32 @!p0 $0x1FFFFF80, s4  }
0xbe: {  	s14 =	simm.s32 @!p0 $0x14000;
	[sflag:s8] =	ssyncadd.s32 $0xFFFFE000;
	s4 =	sadd.s32 @!p0 s5, s4  }
0xbf: {  	[tilespmem:s14], [sflag:$0x1] =	stream.strided.gather @!p0 [hbm4b:s4+s9], $0x180, s12, s9, $0x38;
	[tilespmem:$0x1D000] =	vst v63  }
0xc0: {  	_ =	swait.ge [sflag:s10], $0x180  }
0xc1: {  	[sflag:s10] =	ssyncset.done $0x0  }
0xc2: {  	s12 =	simm.s32 $0x15000;
	s14 =	simm.s32 $0x14880;
	[sflag:s10] =	ssyncadd.s32 $0xFFFFFE80  }
0xc3: {  	[tilespmem:s12], [sflag:$0x9] =	stream.indirect.gather [hbm4b:s2+s13], $0x80, s14, s13, $0xb8;
	[tilespmem:$0x1D000] =	vst v63  }
0xc4: {  	s22 =	simm.s32 $0x16000;
	s26 =	simm.s32 $0x148A0  }
0xc5: {  	[tilespmem:s22], [sflag:$0xA] =	stream.indirect.gather [hbm4b:s2+s13], $0x80, s26, s13, $0xb8;
	[tilespmem:$0x1D000] =	vst v63  }
0xc6: {  	_ =	swait.ge [sflag:s24], $0x1000  }
0xc7: {  	[sflag:s24] =	ssyncset.done $0x0  }
0xc8: {  	[sflag:s24] =	ssyncadd.s32 $0xFFFFF000  }
0xc9: {  	_ =	swait.ge [sflag:s6], $0x1000  }
0xca: {  	s9 =	simm.s32 $0x19040;
	[sflag:s6] =	ssyncset.done $0x0  }
0xcb: {  	s4 =	simm.s32 $0x0;
	s22 =	simm.s32 $0x0;
	[sflag:s6] =	ssyncadd.s32 $0xFFFFF000  }
.LBB2_11:
0xcc: {  	s12 =	sshll.u32 s4, $0x4  }
0xcd: {  	v1 =	vld [tilespmem:s12+$0x14500];
	_ =	sdelay $0x1  }
0xce: {  	v5 =	vld [tilespmem:s9+$0xFFFFFFC0]  }
0xcf: {  	v7 =	vld [tilespmem:s9+$0xFFFFFFD0]  }
0xd0: {  	v6 =	vld [tilespmem:s9+$0xFFFFFFE0];
	v0 =	vmov s22  }
0xd1: {  	v3 =	vld [tilespmem:s9+$0x0];
	v0 =	vperm.xlane v1, v0  }
0xd2: {  	v4 =	vld [tilespmem:s9+$0x10]  }
0xd3: {  	v2 =	vld [tilespmem:s9+$0x20];
	v8 =	vmul.f32 v5, v0  }
0xd4: {  	s14 =	simm.s32 $0x1;
	s26 =	smov.u32 s9;
	s12 =	smov.u32 s9;
	v7 =	vmul.f32 v7, v0;
	v5 =	vld [tilespmem:s9+$0x30]  }
.LBB2_12:
0xd5: {  	p1 =	sne.s32 s14, $0xF;
	[tilespmem:s12+$0xFFFFFFC0] =	vst v8;
	v6 =	vmul.f32 v6, v0;
	v8 =	vld [tilespmem:s12+$0xFFFFFFF0];
	s26 =	sadd.s32 $0x80, s26  }
0xd6: {  	v9 =	vld [tilespmem:s26+$0xFFFFFFC0];
	[tilespmem:s12+$0xFFFFFFD0] =	vst v7;
	v3 =	vmul.f32 v3, v0  }
0xd7: {  	v7 =	vld [tilespmem:s26+$0xFFFFFFD0];
	[tilespmem:s12+$0xFFFFFFE0] =	vst v6;
	v4 =	vmul.f32 v4, v0  }
.Ltmp6:
0xd8: {  	v10 =	vmov s14;
	v6 =	vld [tilespmem:s26+$0xFFFFFFE0];
	[tilespmem:s12+$0x0] =	vst v3;
	v2 =	vmul.f32 v2, v0;
	(pc) =	sbr.rel @p1 .LBB2_12-.Ltmp6, $4  }
0xd9: {  	v10 =	vperm.xlane v1, v10;
	v3 =	vld [tilespmem:s26+$0x0];
	[tilespmem:s12+$0x10] =	vst v4;
	v5 =	vmul.f32 v5, v0  }
0xda: {  	v4 =	vld [tilespmem:s26+$0x10];
	v11 =	vmul.f32 v8, v0;
	[tilespmem:s12+$0x20] =	vst v2  }
0xdb: {  	v0 =	vmov v10;
	v8 =	vmul.f32 v9, v10;
	v2 =	vld [tilespmem:s26+$0x20];
	[tilespmem:s12+$0x30] =	vst v5  }
0xdc: {  	s14 =	sadd.s32 $0x1, s14;
	v7 =	vmul.f32 v7, v0;
	v5 =	vld [tilespmem:s26+$0x30];
	[tilespmem:s12+$0xFFFFFFF0] =	vst v11;
	s12 =	smov.u32 s26  }
0xdd: {  	[tilespmem:s12+$0xFFFFFFC0] =	vst v8;
	v1 =	vmul.f32 v6, v0;
	v60 =	vld [tilespmem:s12+$0xFFFFFFF0]  }
0xde: {  	s4 =	sadd.s32 $0x1, s4;
	[tilespmem:s12+$0xFFFFFFD0] =	vst v7;
	v3 =	vmul.f32 v3, v0  }
0xdf: {  	p1 =	sne.s32 s4, $0x4;
	[tilespmem:s12+$0xFFFFFFE0] =	vst v1;
	v61 =	vmul.f32 v4, v0  }
.Ltmp7:
0xe0: {  	[tilespmem:s12+$0x0] =	vst v3;
	v2 =	vmul.f32 v2, v0;
	(pc) =	sbr.rel @p1 .LBB2_11-.Ltmp7, $4  }
0xe1: {  	[tilespmem:s12+$0x10] =	vst v61;
	v62 =	vmul.f32 v5, v0  }
0xe2: {  	v63 =	vmul.f32 v60, v0;
	[tilespmem:s12+$0x20] =	vst v2  }
0xe3: {  	[tilespmem:s12+$0x30] =	vst v62  }
0xe4: {  	s9 =	sadd.s32 $0x800, s9;
	[tilespmem:s12+$0xFFFFFFF0] =	vst v63  }
0xe5: {  	s4 =	simm.s32 $0x14400  }
0xe6: {  	[spmem:s3] =	stream.indirect.scatter.add.f32 [tilespmem:s15], [sflag:$0x13], $0x80, s4, s0, $0xb8;
	[tilespmem:$0x1D000] =	vst v63  }
0xe7: {  	s4 =	rddreg [dreg:$0x11]  }
0xe8: {  	s4 =	sadd.s32 @!p0 s21, s4  }
0xe9: {  	s9 =	simm.s32 @!p0 $0x80;
	_ =	swait.ge [sflag:s11], $0x2000;
	s4 =	sshll.u32 @!p0 s4, $0x4  }
0xea: {  	s12 =	simm.s32 @!p0 $0xA0000;
	[sflag:s11] =	ssyncset.done $0x0;
	s4 =	sand.u32 @!p0 $0x1FFFFF90, s4  }
0xeb: {  	s14 =	simm.s32 @!p0 $0x14200;
	[sflag:s11] =	ssyncadd.s32 $0xFFFFE000;
	s4 =	sadd.s32 @!p0 s5, s4  }
0xec: {  	[tilespmem:s14], [sflag:$0x2] =	stream.strided.gather @!p0 [hbm4b:s4+s9], $0x180, s12, s9, $0x38;
	[tilespmem:$0x1D000] =	vst v63  }
0xed: {  	_ =	swait.ge [sflag:s28], $0x180  }
0xee: {  	[sflag:s28] =	ssyncset.done $0x0  }
0xef: {  	s12 =	simm.s32 $0x17000;
	s14 =	simm.s32 $0x14A80;
	[sflag:s28] =	ssyncadd.s32 $0xFFFFFE80  }
0xf0: {  	[tilespmem:s12], [sflag:$0xB] =	stream.indirect.gather [hbm4b:s2+s13], $0x80, s14, s13, $0xb8;
	[tilespmem:$0x1D000] =	vst v63  }
0xf1: {  	s22 =	simm.s32 $0x18000;
	s26 =	simm.s32 $0x14AA0  }
0xf2: {  	[tilespmem:s22], [sflag:$0xC] =	stream.indirect.gather [hbm4b:s2+s13], $0x80, s26, s13, $0xb8;
	[tilespmem:$0x1D000] =	vst v63  }
0xf3: {  	_ =	swait.ge [sflag:s29], $0x1000  }
0xf4: {  	[sflag:s29] =	ssyncset.done $0x0  }
0xf5: {  	[sflag:s29] =	ssyncadd.s32 $0xFFFFF000  }
0xf6: {  	_ =	swait.ge [sflag:s23], $0x1000  }
0xf7: {  	s9 =	simm.s32 $0x1B040;
	[sflag:s23] =	ssyncset.done $0x0  }
0xf8: {  	s4 =	simm.s32 $0x0;
	s22 =	simm.s32 $0x0;
	[sflag:s23] =	ssyncadd.s32 $0xFFFFF000  }
.LBB2_15:
0xf9: {  	s12 =	sshll.u32 s4, $0x4  }
0xfa: {  	v1 =	vld [tilespmem:s12+$0x14700];
	_ =	sdelay $0x1  }
0xfb: {  	v5 =	vld [tilespmem:s9+$0xFFFFFFC0]  }
0xfc: {  	v7 =	vld [tilespmem:s9+$0xFFFFFFD0]  }
0xfd: {  	v6 =	vld [tilespmem:s9+$0xFFFFFFE0];
	v0 =	vmov s22  }
0xfe: {  	v3 =	vld [tilespmem:s9+$0x0];
	v0 =	vperm.xlane v1, v0  }
0xff: {  	v4 =	vld [tilespmem:s9+$0x10]  }
0x100: {  	v2 =	vld [tilespmem:s9+$0x20];
	v8 =	vmul.f32 v5, v0  }
0x101: {  	s14 =	simm.s32 $0x1;
	s26 =	smov.u32 s9;
	s12 =	smov.u32 s9;
	v7 =	vmul.f32 v7, v0;
	v5 =	vld [tilespmem:s9+$0x30]  }
.LBB2_16:
0x102: {  	p1 =	sne.s32 s14, $0xF;
	[tilespmem:s12+$0xFFFFFFC0] =	vst v8;
	v6 =	vmul.f32 v6, v0;
	v8 =	vld [tilespmem:s12+$0xFFFFFFF0];
	s26 =	sadd.s32 $0x80, s26  }
0x103: {  	v9 =	vld [tilespmem:s26+$0xFFFFFFC0];
	[tilespmem:s12+$0xFFFFFFD0] =	vst v7;
	v3 =	vmul.f32 v3, v0  }
0x104: {  	v7 =	vld [tilespmem:s26+$0xFFFFFFD0];
	[tilespmem:s12+$0xFFFFFFE0] =	vst v6;
	v4 =	vmul.f32 v4, v0  }
.Ltmp8:
0x105: {  	v10 =	vmov s14;
	v6 =	vld [tilespmem:s26+$0xFFFFFFE0];
	[tilespmem:s12+$0x0] =	vst v3;
	v2 =	vmul.f32 v2, v0;
	(pc) =	sbr.rel @p1 .LBB2_16-.Ltmp8, $4  }
0x106: {  	v10 =	vperm.xlane v1, v10;
	v3 =	vld [tilespmem:s26+$0x0];
	[tilespmem:s12+$0x10] =	vst v4;
	v5 =	vmul.f32 v5, v0  }
0x107: {  	v4 =	vld [tilespmem:s26+$0x10];
	v11 =	vmul.f32 v8, v0;
	[tilespmem:s12+$0x20] =	vst v2  }
0x108: {  	v0 =	vmov v10;
	v8 =	vmul.f32 v9, v10;
	v2 =	vld [tilespmem:s26+$0x20];
	[tilespmem:s12+$0x30] =	vst v5  }
0x109: {  	s14 =	sadd.s32 $0x1, s14;
	v7 =	vmul.f32 v7, v0;
	v5 =	vld [tilespmem:s26+$0x30];
	[tilespmem:s12+$0xFFFFFFF0] =	vst v11;
	s12 =	smov.u32 s26  }
0x10a: {  	[tilespmem:s12+$0xFFFFFFC0] =	vst v8;
	v1 =	vmul.f32 v6, v0;
	v60 =	vld [tilespmem:s12+$0xFFFFFFF0]  }
0x10b: {  	s4 =	sadd.s32 $0x1, s4;
	[tilespmem:s12+$0xFFFFFFD0] =	vst v7;
	v3 =	vmul.f32 v3, v0  }
0x10c: {  	p1 =	sne.s32 s4, $0x4;
	[tilespmem:s12+$0xFFFFFFE0] =	vst v1;
	v61 =	vmul.f32 v4, v0  }
.Ltmp9:
0x10d: {  	[tilespmem:s12+$0x0] =	vst v3;
	v2 =	vmul.f32 v2, v0;
	(pc) =	sbr.rel @p1 .LBB2_15-.Ltmp9, $4  }
0x10e: {  	[tilespmem:s12+$0x10] =	vst v61;
	v62 =	vmul.f32 v5, v0  }
0x10f: {  	v63 =	vmul.f32 v60, v0;
	[tilespmem:s12+$0x20] =	vst v2  }
0x110: {  	[tilespmem:s12+$0x30] =	vst v62  }
0x111: {  	s9 =	sadd.s32 $0x800, s9;
	[tilespmem:s12+$0xFFFFFFF0] =	vst v63  }
0x112: {  	s4 =	simm.s32 $0x14600  }
0x113: {  	[spmem:s3] =	stream.indirect.scatter.add.f32 [tilespmem:s25], [sflag:$0x14], $0x80, s4, s0, $0xb8;
	[tilespmem:$0x1D000] =	vst v63  }
0x114: {  	s4 =	rddreg [dreg:$0x12]  }
0x115: {  	s4 =	sadd.s32 @!p0 s21, s4  }
0x116: {  	s9 =	simm.s32 @!p0 $0x80;
	_ =	swait.ge [sflag:s16], $0x2000;
	s4 =	sshll.u32 @!p0 s4, $0x4  }
0x117: {  	s12 =	simm.s32 @!p0 $0xA0000;
	[sflag:s16] =	ssyncset.done $0x0;
	s4 =	sand.u32 @!p0 $0x1FFFFFA0, s4  }
0x118: {  	s14 =	simm.s32 @!p0 $0x14400;
	[sflag:s16] =	ssyncadd.s32 $0xFFFFE000;
	s4 =	sadd.s32 @!p0 s5, s4  }
0x119: {  	[tilespmem:s14], [sflag:$0x3] =	stream.strided.gather @!p0 [hbm4b:s4+s9], $0x180, s12, s9, $0x38;
	[tilespmem:$0x1D000] =	vst v63  }
0x11a: {  	_ =	swait.ge [sflag:s17], $0x180  }
0x11b: {  	[sflag:s17] =	ssyncset.done $0x0  }
0x11c: {  	s14 =	simm.s32 $0x14C80;
	[sflag:s17] =	ssyncadd.s32 $0xFFFFFE80  }
0x11d: {  	[tilespmem:s15], [sflag:$0xD] =	stream.indirect.gather [hbm4b:s2+s13], $0x80, s14, s13, $0xb8;
	[tilespmem:$0x1D000] =	vst v63  }
0x11e: {  	s22 =	simm.s32 $0x1A000;
	s26 =	simm.s32 $0x14CA0  }
0x11f: {  	[tilespmem:s22], [sflag:$0xE] =	stream.indirect.gather [hbm4b:s2+s13], $0x80, s26, s13, $0xb8;
	[tilespmem:$0x1D000] =	vst v63  }
0x120: {  	_ =	swait.ge [sflag:s30], $0x1000  }
0x121: {  	[sflag:s30] =	ssyncset.done $0x0  }
0x122: {  	[sflag:s30] =	ssyncadd.s32 $0xFFFFF000  }
0x123: {  	_ =	swait.ge [sflag:s31], $0x1000  }
0x124: {  	s9 =	simm.s32 $0x15040;
	[sflag:s31] =	ssyncset.done $0x0  }
0x125: {  	s4 =	simm.s32 $0x0;
	s22 =	simm.s32 $0x0;
	[sflag:s31] =	ssyncadd.s32 $0xFFFFF000  }
.LBB2_19:
0x126: {  	s12 =	sshll.u32 s4, $0x4  }
0x127: {  	v1 =	vld [tilespmem:s12+$0x14900];
	_ =	sdelay $0x1  }
0x128: {  	v5 =	vld [tilespmem:s9+$0xFFFFFFC0]  }
0x129: {  	v7 =	vld [tilespmem:s9+$0xFFFFFFD0]  }
0x12a: {  	v6 =	vld [tilespmem:s9+$0xFFFFFFE0];
	v0 =	vmov s22  }
0x12b: {  	v3 =	vld [tilespmem:s9+$0x0];
	v0 =	vperm.xlane v1, v0  }
0x12c: {  	v4 =	vld [tilespmem:s9+$0x10]  }
0x12d: {  	v2 =	vld [tilespmem:s9+$0x20];
	v8 =	vmul.f32 v5, v0  }
0x12e: {  	s14 =	simm.s32 $0x1;
	s26 =	smov.u32 s9;
	s12 =	smov.u32 s9;
	v7 =	vmul.f32 v7, v0;
	v5 =	vld [tilespmem:s9+$0x30]  }
.LBB2_20:
0x12f: {  	p1 =	sne.s32 s14, $0xF;
	[tilespmem:s12+$0xFFFFFFC0] =	vst v8;
	v6 =	vmul.f32 v6, v0;
	v8 =	vld [tilespmem:s12+$0xFFFFFFF0];
	s26 =	sadd.s32 $0x80, s26  }
0x130: {  	v9 =	vld [tilespmem:s26+$0xFFFFFFC0];
	[tilespmem:s12+$0xFFFFFFD0] =	vst v7;
	v3 =	vmul.f32 v3, v0  }
0x131: {  	v7 =	vld [tilespmem:s26+$0xFFFFFFD0];
	[tilespmem:s12+$0xFFFFFFE0] =	vst v6;
	v4 =	vmul.f32 v4, v0  }
.Ltmp10:
0x132: {  	v10 =	vmov s14;
	v6 =	vld [tilespmem:s26+$0xFFFFFFE0];
	[tilespmem:s12+$0x0] =	vst v3;
	v2 =	vmul.f32 v2, v0;
	(pc) =	sbr.rel @p1 .LBB2_20-.Ltmp10, $4  }
0x133: {  	v10 =	vperm.xlane v1, v10;
	v3 =	vld [tilespmem:s26+$0x0];
	[tilespmem:s12+$0x10] =	vst v4;
	v5 =	vmul.f32 v5, v0  }
0x134: {  	v4 =	vld [tilespmem:s26+$0x10];
	v11 =	vmul.f32 v8, v0;
	[tilespmem:s12+$0x20] =	vst v2  }
0x135: {  	v0 =	vmov v10;
	v8 =	vmul.f32 v9, v10;
	v2 =	vld [tilespmem:s26+$0x20];
	[tilespmem:s12+$0x30] =	vst v5  }
0x136: {  	s14 =	sadd.s32 $0x1, s14;
	v7 =	vmul.f32 v7, v0;
	v5 =	vld [tilespmem:s26+$0x30];
	[tilespmem:s12+$0xFFFFFFF0] =	vst v11;
	s12 =	smov.u32 s26  }
0x137: {  	[tilespmem:s12+$0xFFFFFFC0] =	vst v8;
	v1 =	vmul.f32 v6, v0;
	v60 =	vld [tilespmem:s12+$0xFFFFFFF0]  }
0x138: {  	s4 =	sadd.s32 $0x1, s4;
	[tilespmem:s12+$0xFFFFFFD0] =	vst v7;
	v3 =	vmul.f32 v3, v0  }
0x139: {  	p1 =	sne.s32 s4, $0x4;
	[tilespmem:s12+$0xFFFFFFE0] =	vst v1;
	v61 =	vmul.f32 v4, v0  }
.Ltmp11:
0x13a: {  	[tilespmem:s12+$0x0] =	vst v3;
	v2 =	vmul.f32 v2, v0;
	(pc) =	sbr.rel @p1 .LBB2_19-.Ltmp11, $4  }
0x13b: {  	[tilespmem:s12+$0x10] =	vst v61;
	v62 =	vmul.f32 v5, v0  }
0x13c: {  	v63 =	vmul.f32 v60, v0;
	[tilespmem:s12+$0x20] =	vst v2  }
0x13d: {  	[tilespmem:s12+$0x30] =	vst v62  }
0x13e: {  	s9 =	sadd.s32 $0x800, s9;
	[tilespmem:s12+$0xFFFFFFF0] =	vst v63  }
0x13f: {  	s4 =	simm.s32 $0x14800;
	s9 =	simm.s32 $0x15000  }
0x140: {  	[spmem:s3] =	stream.indirect.scatter.add.f32 [tilespmem:s9], [sflag:$0x11], $0x80, s4, s0, $0xb8;
	[tilespmem:$0x1D000] =	vst v63  }
0x141: {  	s4 =	rddreg [dreg:$0x13]  }
0x142: {  	s4 =	sadd.s32 @!p0 s21, s4  }
0x143: {  	s12 =	simm.s32 @!p0 $0xA0000;
	_ =	swait.ge [sflag:s18], $0x2000;
	s4 =	sshll.u32 @!p0 s4, $0x4  }
0x144: {  	s14 =	simm.s32 @!p0 $0x14600;
	[sflag:s18] =	ssyncset.done $0x0;
	s4 =	sand.u32 @!p0 $0x1FFFFFB0, s4  }
0x145: {  	s9 =	simm.s32 @!p0 $0x80;
	[sflag:s18] =	ssyncadd.s32 $0xFFFFE000;
	s4 =	sadd.s32 @!p0 s5, s4  }
0x146: {  	[tilespmem:s14], [sflag:$0x4] =	stream.strided.gather @!p0 [hbm4b:s4+s9], $0x180, s12, s9, $0x38;
	[tilespmem:$0x1D000] =	vst v63  }
0x147: {  	_ =	swait.ge [sflag:s19], $0x180  }
0x148: {  	[sflag:s19] =	ssyncset.done $0x0  }
0x149: {  	s14 =	simm.s32 $0x14E80;
	[sflag:s19] =	ssyncadd.s32 $0xFFFFFE80  }
0x14a: {  	[tilespmem:s25], [sflag:$0xF] =	stream.indirect.gather [hbm4b:s2+s13], $0x80, s14, s13, $0xb8;
	[tilespmem:$0x1D000] =	vst v63  }
0x14b: {  	s22 =	simm.s32 $0x1C000;
	s26 =	simm.s32 $0x14EA0  }
0x14c: {  	[tilespmem:s22], [sflag:$0x10] =	stream.indirect.gather [hbm4b:s2+s13], $0x80, s26, s13, $0xb8;
	[tilespmem:$0x1D000] =	vst v63  }
0x14d: {  	_ =	swait.ge [sflag:s1], $0x1000  }
0x14e: {  	[sflag:s1] =	ssyncset.done $0x0  }
0x14f: {  	[sflag:s1] =	ssyncadd.s32 $0xFFFFF000  }
0x150: {  	_ =	swait.ge [sflag:s7], $0x1000  }
0x151: {  	s9 =	simm.s32 $0x17040;
	[sflag:s7] =	ssyncset.done $0x0  }
0x152: {  	s4 =	simm.s32 $0x0;
	s22 =	simm.s32 $0x0;
	[sflag:s7] =	ssyncadd.s32 $0xFFFFF000  }
.LBB2_23:
0x153: {  	s12 =	sshll.u32 s4, $0x4  }
0x154: {  	v1 =	vld [tilespmem:s12+$0x14B00];
	_ =	sdelay $0x1  }
0x155: {  	v5 =	vld [tilespmem:s9+$0xFFFFFFC0]  }
0x156: {  	v7 =	vld [tilespmem:s9+$0xFFFFFFD0]  }
0x157: {  	v6 =	vld [tilespmem:s9+$0xFFFFFFE0];
	v0 =	vmov s22  }
0x158: {  	v3 =	vld [tilespmem:s9+$0x0];
	v0 =	vperm.xlane v1, v0  }
0x159: {  	v4 =	vld [tilespmem:s9+$0x10]  }
0x15a: {  	v2 =	vld [tilespmem:s9+$0x20];
	v8 =	vmul.f32 v5, v0  }
0x15b: {  	s14 =	simm.s32 $0x1;
	s26 =	smov.u32 s9;
	s12 =	smov.u32 s9;
	v7 =	vmul.f32 v7, v0;
	v5 =	vld [tilespmem:s9+$0x30]  }
.LBB2_24:
0x15c: {  	p1 =	sne.s32 s14, $0xF;
	[tilespmem:s12+$0xFFFFFFC0] =	vst v8;
	v6 =	vmul.f32 v6, v0;
	v8 =	vld [tilespmem:s12+$0xFFFFFFF0];
	s26 =	sadd.s32 $0x80, s26  }
0x15d: {  	v9 =	vld [tilespmem:s26+$0xFFFFFFC0];
	[tilespmem:s12+$0xFFFFFFD0] =	vst v7;
	v3 =	vmul.f32 v3, v0  }
0x15e: {  	v7 =	vld [tilespmem:s26+$0xFFFFFFD0];
	[tilespmem:s12+$0xFFFFFFE0] =	vst v6;
	v4 =	vmul.f32 v4, v0  }
.Ltmp12:
0x15f: {  	v10 =	vmov s14;
	v6 =	vld [tilespmem:s26+$0xFFFFFFE0];
	[tilespmem:s12+$0x0] =	vst v3;
	v2 =	vmul.f32 v2, v0;
	(pc) =	sbr.rel @p1 .LBB2_24-.Ltmp12, $4  }
0x160: {  	v10 =	vperm.xlane v1, v10;
	v3 =	vld [tilespmem:s26+$0x0];
	[tilespmem:s12+$0x10] =	vst v4;
	v5 =	vmul.f32 v5, v0  }
0x161: {  	v4 =	vld [tilespmem:s26+$0x10];
	v11 =	vmul.f32 v8, v0;
	[tilespmem:s12+$0x20] =	vst v2  }
0x162: {  	v0 =	vmov v10;
	v8 =	vmul.f32 v9, v10;
	v2 =	vld [tilespmem:s26+$0x20];
	[tilespmem:s12+$0x30] =	vst v5  }
0x163: {  	s14 =	sadd.s32 $0x1, s14;
	v7 =	vmul.f32 v7, v0;
	v5 =	vld [tilespmem:s26+$0x30];
	[tilespmem:s12+$0xFFFFFFF0] =	vst v11;
	s12 =	smov.u32 s26  }
0x164: {  	[tilespmem:s12+$0xFFFFFFC0] =	vst v8;
	v1 =	vmul.f32 v6, v0;
	v60 =	vld [tilespmem:s12+$0xFFFFFFF0]  }
0x165: {  	s4 =	sadd.s32 $0x1, s4;
	[tilespmem:s12+$0xFFFFFFD0] =	vst v7;
	v3 =	vmul.f32 v3, v0  }
0x166: {  	p1 =	sne.s32 s4, $0x4;
	[tilespmem:s12+$0xFFFFFFE0] =	vst v1;
	v61 =	vmul.f32 v4, v0  }
.Ltmp13:
0x167: {  	[tilespmem:s12+$0x0] =	vst v3;
	v2 =	vmul.f32 v2, v0;
	(pc) =	sbr.rel @p1 .LBB2_23-.Ltmp13, $4  }
0x168: {  	[tilespmem:s12+$0x10] =	vst v61;
	v62 =	vmul.f32 v5, v0  }
0x169: {  	v63 =	vmul.f32 v60, v0;
	[tilespmem:s12+$0x20] =	vst v2  }
0x16a: {  	[tilespmem:s12+$0x30] =	vst v62  }
0x16b: {  	s9 =	sadd.s32 $0x800, s9;
	[tilespmem:s12+$0xFFFFFFF0] =	vst v63  }
0x16c: {  	s4 =	simm.s32 $0x14A00;
	s9 =	simm.s32 $0x17000  }
0x16d: {  	[spmem:s3] =	stream.indirect.scatter.add.f32 [tilespmem:s9], [sflag:$0x12], $0x80, s4, s0, $0xb8;
	[tilespmem:$0x1D000] =	vst v63  }
0x16e: {  	s9 =	rddreg [dreg:$0x14]  }
0x16f: {  	s4 =	simm.s32 @!p0 $0x11;
	s9 =	sadd.s32 @!p0 s21, s9  }
0x170: {  	s12 =	simm.s32 @!p0 $0xA0000;
	_ =	swait.ge @!p0 [sflag:s4], $0x2000;
	s9 =	sshll.u32 @!p0 s9, $0x4  }
0x171: {  	s14 =	simm.s32 @!p0 $0x14800;
	[sflag:s4] =	ssyncset.done @!p0 $0x0;
	s9 =	sand.u32 @!p0 $0x1FFFFFC0, s9  }
0x172: {  	[sflag:s4] =	ssyncadd.s32 @!p0 $0xFFFFE000;
	s4 =	sadd.s32 @!p0 s5, s9;
	s9 =	simm.s32 @!p0 $0x80  }
0x173: {  	[tilespmem:s14], [sflag:$0x5] =	stream.strided.gather @!p0 [hbm4b:s4+s9], $0x180, s12, s9, $0x38;
	[tilespmem:$0x1D000] =	vst v63  }
0x174: {  	s4 =	simm.s32 @!p0 $0x1  }
0x175: {  	_ =	swait.ge @!p0 [sflag:s4], $0x180  }
0x176: {  	s9 =	simm.s32 @!p0 $0x14080;
	[sflag:s4] =	ssyncset.done @!p0 $0x0  }
0x177: {  	s12 =	simm.s32 @!p0 $0x15000;
	[sflag:s4] =	ssyncadd.s32 @!p0 $0xFFFFFE80;
	s4 =	simm.s32 @!p0 $0x20  }
0x178: {  	[tilespmem:s12], [sflag:$0x9] =	stream.indirect.gather @!p0 [hbm4b:s2+s4], $0x80, s9, s4, $0xb8;
	[tilespmem:$0x1D000] =	vst v63  }
0x179: {  	s9 =	simm.s32 @!p0 $0x140A0;
	s12 =	simm.s32 @!p0 $0x16000  }
0x17a: {  	[tilespmem:s12], [sflag:$0xA] =	stream.indirect.gather @!p0 [hbm4b:s2+s4], $0x80, s9, s4, $0xb8;
	[tilespmem:$0x1D000] =	vst v63  }
0x17b: {  	_ =	swait.ge [sflag:s24], $0x1000  }
0x17c: {  	[sflag:s24] =	ssyncset.done $0x0  }
0x17d: {  	[sflag:s24] =	ssyncadd.s32 $0xFFFFF000  }
0x17e: {  	_ =	swait.ge [sflag:s6], $0x1000  }
0x17f: {  	s22 =	simm.s32 $0x0;
	[sflag:s6] =	ssyncset.done $0x0  }
0x180: {  	s9 =	simm.s32 $0x19040;
	s4 =	simm.s32 $0x0;
	[sflag:s6] =	ssyncadd.s32 $0xFFFFF000  }
.LBB2_27:
0x181: {  	s12 =	sshll.u32 s4, $0x4  }
0x182: {  	v1 =	vld [tilespmem:s12+$0x14D00];
	_ =	sdelay $0x1  }
0x183: {  	v5 =	vld [tilespmem:s9+$0xFFFFFFC0]  }
0x184: {  	v7 =	vld [tilespmem:s9+$0xFFFFFFD0]  }
0x185: {  	v6 =	vld [tilespmem:s9+$0xFFFFFFE0];
	v0 =	vmov s22  }
0x186: {  	v3 =	vld [tilespmem:s9+$0x0];
	v0 =	vperm.xlane v1, v0  }
0x187: {  	v4 =	vld [tilespmem:s9+$0x10]  }
0x188: {  	v2 =	vld [tilespmem:s9+$0x20];
	v8 =	vmul.f32 v5, v0  }
0x189: {  	s14 =	simm.s32 $0x1;
	s26 =	smov.u32 s9;
	s12 =	smov.u32 s9;
	v7 =	vmul.f32 v7, v0;
	v5 =	vld [tilespmem:s9+$0x30]  }
.LBB2_28:
0x18a: {  	p1 =	sne.s32 s14, $0xF;
	[tilespmem:s12+$0xFFFFFFC0] =	vst v8;
	v6 =	vmul.f32 v6, v0;
	v8 =	vld [tilespmem:s12+$0xFFFFFFF0];
	s26 =	sadd.s32 $0x80, s26  }
0x18b: {  	v9 =	vld [tilespmem:s26+$0xFFFFFFC0];
	[tilespmem:s12+$0xFFFFFFD0] =	vst v7;
	v3 =	vmul.f32 v3, v0  }
0x18c: {  	v7 =	vld [tilespmem:s26+$0xFFFFFFD0];
	[tilespmem:s12+$0xFFFFFFE0] =	vst v6;
	v4 =	vmul.f32 v4, v0  }
.Ltmp14:
0x18d: {  	v10 =	vmov s14;
	v6 =	vld [tilespmem:s26+$0xFFFFFFE0];
	[tilespmem:s12+$0x0] =	vst v3;
	v2 =	vmul.f32 v2, v0;
	(pc) =	sbr.rel @p1 .LBB2_28-.Ltmp14, $4  }
0x18e: {  	v10 =	vperm.xlane v1, v10;
	v3 =	vld [tilespmem:s26+$0x0];
	[tilespmem:s12+$0x10] =	vst v4;
	v5 =	vmul.f32 v5, v0  }
0x18f: {  	v4 =	vld [tilespmem:s26+$0x10];
	v11 =	vmul.f32 v8, v0;
	[tilespmem:s12+$0x20] =	vst v2  }
0x190: {  	v0 =	vmov v10;
	v8 =	vmul.f32 v9, v10;
	v2 =	vld [tilespmem:s26+$0x20];
	[tilespmem:s12+$0x30] =	vst v5  }
0x191: {  	s14 =	sadd.s32 $0x1, s14;
	v7 =	vmul.f32 v7, v0;
	v5 =	vld [tilespmem:s26+$0x30];
	[tilespmem:s12+$0xFFFFFFF0] =	vst v11;
	s12 =	smov.u32 s26  }
0x192: {  	[tilespmem:s12+$0xFFFFFFC0] =	vst v8;
	v1 =	vmul.f32 v6, v0;
	v60 =	vld [tilespmem:s12+$0xFFFFFFF0]  }
0x193: {  	s4 =	sadd.s32 $0x1, s4;
	[tilespmem:s12+$0xFFFFFFD0] =	vst v7;
	v3 =	vmul.f32 v3, v0  }
0x194: {  	p1 =	sne.s32 s4, $0x4;
	[tilespmem:s12+$0xFFFFFFE0] =	vst v1;
	v61 =	vmul.f32 v4, v0  }
.Ltmp15:
0x195: {  	[tilespmem:s12+$0x0] =	vst v3;
	v2 =	vmul.f32 v2, v0;
	(pc) =	sbr.rel @p1 .LBB2_27-.Ltmp15, $4  }
0x196: {  	[tilespmem:s12+$0x10] =	vst v61;
	v62 =	vmul.f32 v5, v0  }
0x197: {  	v63 =	vmul.f32 v60, v0;
	[tilespmem:s12+$0x20] =	vst v2  }
0x198: {  	[tilespmem:s12+$0x30] =	vst v62  }
0x199: {  	s9 =	sadd.s32 $0x800, s9;
	[tilespmem:s12+$0xFFFFFFF0] =	vst v63  }
0x19a: {  	s4 =	simm.s32 $0x14C00;
	s9 =	rddreg [dreg:$0x15]  }
0x19b: {  	[spmem:s3] =	stream.indirect.scatter.add.f32 [tilespmem:s15], [sflag:$0x13], $0x80, s4, s0, $0xb8;
	[tilespmem:$0x1D000] =	vst v63  }
0x19c: {  	s4 =	simm.s32 @!p0 $0x12;
	s9 =	sadd.s32 @!p0 s21, s9  }
0x19d: {  	s12 =	simm.s32 @!p0 $0xA0000;
	_ =	swait.ge @!p0 [sflag:s4], $0x2000;
	s9 =	sshll.u32 @!p0 s9, $0x4  }
0x19e: {  	s14 =	simm.s32 @!p0 $0x14A00;
	[sflag:s4] =	ssyncset.done @!p0 $0x0;
	s9 =	sand.u32 @!p0 $0x1FFFFFD0, s9  }
0x19f: {  	[sflag:s4] =	ssyncadd.s32 @!p0 $0xFFFFE000;
	s4 =	sadd.s32 @!p0 s5, s9;
	s9 =	simm.s32 @!p0 $0x80  }
0x1a0: {  	[tilespmem:s14], [sflag:$0x6] =	stream.strided.gather @!p0 [hbm4b:s4+s9], $0x180, s12, s9, $0x38;
	[tilespmem:$0x1D000] =	vst v63  }
0x1a1: {  	s4 =	simm.s32 @!p0 $0x2  }
0x1a2: {  	_ =	swait.ge @!p0 [sflag:s4], $0x180  }
0x1a3: {  	s9 =	simm.s32 @!p0 $0x14280;
	[sflag:s4] =	ssyncset.done @!p0 $0x0  }
0x1a4: {  	s12 =	simm.s32 @!p0 $0x17000;
	[sflag:s4] =	ssyncadd.s32 @!p0 $0xFFFFFE80;
	s4 =	simm.s32 @!p0 $0x20  }
0x1a5: {  	[tilespmem:s12], [sflag:$0xB] =	stream.indirect.gather @!p0 [hbm4b:s2+s4], $0x80, s9, s4, $0xb8;
	[tilespmem:$0x1D000] =	vst v63  }
0x1a6: {  	s9 =	simm.s32 @!p0 $0x142A0;
	s12 =	simm.s32 @!p0 $0x18000  }
0x1a7: {  	[tilespmem:s12], [sflag:$0xC] =	stream.indirect.gather @!p0 [hbm4b:s2+s4], $0x80, s9, s4, $0xb8;
	[tilespmem:$0x1D000] =	vst v63  }
0x1a8: {  	_ =	swait.ge [sflag:s29], $0x1000  }
0x1a9: {  	[sflag:s29] =	ssyncset.done $0x0  }
0x1aa: {  	[sflag:s29] =	ssyncadd.s32 $0xFFFFF000  }
0x1ab: {  	_ =	swait.ge [sflag:s23], $0x1000  }
0x1ac: {  	s22 =	simm.s32 $0x0;
	[sflag:s23] =	ssyncset.done $0x0  }
0x1ad: {  	s9 =	simm.s32 $0x1B040;
	s4 =	simm.s32 $0x0;
	[sflag:s23] =	ssyncadd.s32 $0xFFFFF000  }
.LBB2_31:
0x1ae: {  	s12 =	sshll.u32 s4, $0x4  }
0x1af: {  	v1 =	vld [tilespmem:s12+$0x14F00];
	_ =	sdelay $0x1  }
0x1b0: {  	v5 =	vld [tilespmem:s9+$0xFFFFFFC0]  }
0x1b1: {  	v7 =	vld [tilespmem:s9+$0xFFFFFFD0]  }
0x1b2: {  	v6 =	vld [tilespmem:s9+$0xFFFFFFE0];
	v0 =	vmov s22  }
0x1b3: {  	v3 =	vld [tilespmem:s9+$0x0];
	v0 =	vperm.xlane v1, v0  }
0x1b4: {  	v4 =	vld [tilespmem:s9+$0x10]  }
0x1b5: {  	v2 =	vld [tilespmem:s9+$0x20];
	v8 =	vmul.f32 v5, v0  }
0x1b6: {  	s14 =	simm.s32 $0x1;
	s26 =	smov.u32 s9;
	s12 =	smov.u32 s9;
	v7 =	vmul.f32 v7, v0;
	v5 =	vld [tilespmem:s9+$0x30]  }
.LBB2_32:
0x1b7: {  	p1 =	sne.s32 s14, $0xF;
	[tilespmem:s12+$0xFFFFFFC0] =	vst v8;
	v6 =	vmul.f32 v6, v0;
	v8 =	vld [tilespmem:s12+$0xFFFFFFF0];
	s26 =	sadd.s32 $0x80, s26  }
0x1b8: {  	v9 =	vld [tilespmem:s26+$0xFFFFFFC0];
	[tilespmem:s12+$0xFFFFFFD0] =	vst v7;
	v3 =	vmul.f32 v3, v0  }
0x1b9: {  	v7 =	vld [tilespmem:s26+$0xFFFFFFD0];
	[tilespmem:s12+$0xFFFFFFE0] =	vst v6;
	v4 =	vmul.f32 v4, v0  }
.Ltmp16:
0x1ba: {  	v10 =	vmov s14;
	v6 =	vld [tilespmem:s26+$0xFFFFFFE0];
	[tilespmem:s12+$0x0] =	vst v3;
	v2 =	vmul.f32 v2, v0;
	(pc) =	sbr.rel @p1 .LBB2_32-.Ltmp16, $4  }
0x1bb: {  	v10 =	vperm.xlane v1, v10;
	v3 =	vld [tilespmem:s26+$0x0];
	[tilespmem:s12+$0x10] =	vst v4;
	v5 =	vmul.f32 v5, v0  }
0x1bc: {  	v4 =	vld [tilespmem:s26+$0x10];
	v11 =	vmul.f32 v8, v0;
	[tilespmem:s12+$0x20] =	vst v2  }
0x1bd: {  	v0 =	vmov v10;
	v8 =	vmul.f32 v9, v10;
	v2 =	vld [tilespmem:s26+$0x20];
	[tilespmem:s12+$0x30] =	vst v5  }
0x1be: {  	s14 =	sadd.s32 $0x1, s14;
	v7 =	vmul.f32 v7, v0;
	v5 =	vld [tilespmem:s26+$0x30];
	[tilespmem:s12+$0xFFFFFFF0] =	vst v11;
	s12 =	smov.u32 s26  }
0x1bf: {  	[tilespmem:s12+$0xFFFFFFC0] =	vst v8;
	v1 =	vmul.f32 v6, v0;
	v60 =	vld [tilespmem:s12+$0xFFFFFFF0]  }
0x1c0: {  	s4 =	sadd.s32 $0x1, s4;
	[tilespmem:s12+$0xFFFFFFD0] =	vst v7;
	v3 =	vmul.f32 v3, v0  }
0x1c1: {  	p1 =	sne.s32 s4, $0x4;
	[tilespmem:s12+$0xFFFFFFE0] =	vst v1;
	v61 =	vmul.f32 v4, v0  }
.Ltmp17:
0x1c2: {  	[tilespmem:s12+$0x0] =	vst v3;
	v2 =	vmul.f32 v2, v0;
	(pc) =	sbr.rel @p1 .LBB2_31-.Ltmp17, $4  }
0x1c3: {  	[tilespmem:s12+$0x10] =	vst v61;
	v62 =	vmul.f32 v5, v0  }
0x1c4: {  	v63 =	vmul.f32 v60, v0;
	[tilespmem:s12+$0x20] =	vst v2  }
0x1c5: {  	[tilespmem:s12+$0x30] =	vst v62  }
0x1c6: {  	s9 =	sadd.s32 $0x800, s9;
	[tilespmem:s12+$0xFFFFFFF0] =	vst v63  }
.Ltmp18:
0x1c7: {  	(pc) =	sbr.rel @p0 .LBB2_36-.Ltmp18, $3  }
0x1c8: {  	_ =	sdelay $0x1  }
0x1c9: {  	s4 =	simm.s32 $0x14E00  }
0x1ca: {  	[spmem:s3] =	stream.indirect.scatter.add.f32 [tilespmem:s25], [sflag:$0x14], $0x80, s4, s0, $0xb8;
	[tilespmem:$0x1D000] =	vst v63  }
0x1cb: {  	s4 =	rddreg [dreg:$0x16]  }
0x1cc: {  	s4 =	sadd.s32 s21, s4  }
0x1cd: {  	_ =	swait.ge [sflag:s16], $0x2000;
	s9 =	simm.s32 $0x80;
	s4 =	sshll.u32 s4, $0x4  }
0x1ce: {  	s12 =	simm.s32 $0xA0000;
	[sflag:s16] =	ssyncset.done $0x0;
	s4 =	sand.u32 $0x1FFFFFE0, s4  }
0x1cf: {  	s14 =	simm.s32 $0x14C00;
	[sflag:s16] =	ssyncadd.s32 $0xFFFFE000;
	s4 =	sadd.s32 s5, s4  }
0x1d0: {  	[tilespmem:s14], [sflag:$0x7] =	stream.strided.gather [hbm4b:s4+s9], $0x180, s12, s9, $0x38;
	[tilespmem:$0x1D000] =	vst v63  }
0x1d1: {  	s14 =	simm.s32 $0x3  }
0x1d2: {  	_ =	swait.ge [sflag:s14], $0x180  }
.Ltmp19:
0x1d3: {  	[sflag:s14] =	ssyncset.done $0x0;
	(pc) =	sbr.rel .LBB2_2-.Ltmp19, $4  }
0x1d4: {  	s21 =	simm.s32 $0x14480;
	[sflag:s14] =	ssyncadd.s32 $0xFFFFFE80  }
0x1d5: {  	[tilespmem:s15], [sflag:$0xD] =	stream.indirect.gather [hbm4b:s2+s13], $0x80, s21, s13, $0xb8;
	[tilespmem:$0x1D000] =	vst v63  }
0x1d6: {  	s22 =	simm.s32 $0x144A0;
	s26 =	simm.s32 $0x1A000;
	s20 =	sadd.s32 $0x1, s20  }
0x1d7: {  	[tilespmem:s26], [sflag:$0xE] =	stream.indirect.gather [hbm4b:s2+s13], $0x80, s22, s13, $0xb8;
	[tilespmem:$0x1D000] =	vst v63  }
.LBB2_37:
0x1d8: {  	_ =	sfence.sel $0x180000  }
0x1d9: {  	[bflag:$0x0] =	sbarrier.arrive $0xFFFF  }
0x1da: {  	_ =	strace $0x90000047  }
0x1db: {  	s0 =	stileid.u32;
	[bflag:$0x2] =	sbarrier.arrive $0xFFFF  }
0x1dc: {  	p0 =	sne.s32 s0, $0x0;
	s0 =	rddreg [dreg:$0x3]  }
0x1dd: {  	s0 =	sadd.s32 @!p0 $0x100000, s0  }
0x1de: {  	[sflag:s0] =	ssyncadd.tile.s32 @!p0 $0x1;
	_ =	shalt  }
.Lfunc_end2:
_tile_overlayer_lowered:
.L_overlay_start_2:
0x1df: {  	(tag) =	ssettag $0x2  }
0x1e0: {  	s0 =	rddreg [dreg:$0x0];
	s2 =	stileid.u32  }
0x1e1: {  	s1 =	rddreg [dreg:$0x1];
	p0 =	sne.s32 s2, $0x0  }
0x1e2: {  	s3 =	rddreg [dreg:$0x2];
	[bflag:$0x3] =	sbarrier.arrive $0xFFFF;
	s2 =	simm.s32 @!p0 $0x1C15  }
0x1e3: {  	[timem:s3], [sflag:s2] =	dma.local @!p0 [hbm:s0], s1  }
0x1e4: {  	s0 =	simm.s32 @!p0 $0x15  }
0x1e5: {  	_ =	swait.ge @!p0 [sflag:s0], s1  }
0x1e6: {  	s1 =	ssub.s32 @!p0 $0x0, s1;
	[sflag:s0] =	ssyncset.done @!p0 $0x0  }
0x1e7: {  	[sflag:s0] =	ssyncadd.s32 @!p0 s1  }
0x1e8: {  	[bflag:$0x3] =	sbarrier.arrive $0xFFFF  }
0x1e9: {  	_ =	shalt  }

</sc_bundles>
